<compile_context>
chip_gen: v7x
topology: tpu7x:2x2x1
jax: 0.10.2.dev20260603
libtpu: 0.0.44.dev20260713+nightly
codegen_flags: <defaults>
</compile_context>

<pallas_src>
import functools

import jax
import jax.numpy as jnp
from jax import lax
from jax.experimental import pallas as pl
from jax.experimental.pallas import tpu as pltpu
from jax.experimental.pallas import tpu_sc as plsc

N = 50000
E = 800000
HID = 128
NCLS = 10

NC = 2
NS = 16
CH = 128
J = 40
N_PAD = 50176
STRIPE = N_PAD // NS
E_PAD = 819200
R = E_PAD // CH
RPT = R // NS
RPW = R // (NC * NS)
G = 4
GW = HID // G

M1 = 1024
M2 = 512
M3 = 512

_MESH = dict(core_axis_name="c", subcore_axis_name="s")


@functools.partial(
    pl.kernel,
    out_type=(
        jax.ShapeDtypeStruct((2 * N_PAD,), jnp.float32),
        jax.ShapeDtypeStruct((2 * N_PAD,), jnp.float32),
    ),
    mesh=plsc.VectorSubcoreMesh(**_MESH),
    compiler_params=pltpu.CompilerParams(use_tc_tiling_on_sc=False),
    scratch_types=[
        pltpu.VMEM_SHARED((N_PAD,), jnp.float32),
        pltpu.VMEM_SHARED((N_PAD,), jnp.float32),
        pltpu.VMEM_SHARED((N_PAD,), jnp.float32),
        pltpu.VMEM((J, CH), jnp.int32),
        pltpu.VMEM((J, CH), jnp.int32),
        pltpu.VMEM((CH,), jnp.float32),
        pltpu.VMEM((CH,), jnp.float32),
        pltpu.VMEM((STRIPE,), jnp.float32),
    ],
)
def _sc_scalar_agg(x_hbm, src_hbm, dst_hbm, agg_hbm, cnt_hbm,
                   x_sp, acc_sp, cnt_sp, sstage, dstage, vals, ones, zstripe):
    c = lax.axis_index("c")
    s = lax.axis_index("s")
    base = s * STRIPE

    def fill_ones(i, carry):
        ones[pl.ds(i * 16, 16)] = jnp.ones((16,), jnp.float32)
        return carry
    lax.fori_loop(0, CH // 16, fill_ones, 0)

    def fill_zero(i, carry):
        zstripe[pl.ds(i * 16, 16)] = jnp.zeros((16,), jnp.float32)
        return carry
    lax.fori_loop(0, STRIPE // 16, fill_zero, 0)

    pltpu.sync_copy(zstripe, acc_sp.at[pl.ds(base, STRIPE)])
    pltpu.sync_copy(zstripe, cnt_sp.at[pl.ds(base, STRIPE)])
    pltpu.sync_copy(x_hbm.at[pl.ds(base, STRIPE)], zstripe)
    pltpu.sync_copy(zstripe, x_sp.at[pl.ds(base, STRIPE)])
    plsc.subcore_barrier()

    wid = c * NS + s

    def macro(m, carry):
        row0 = wid * RPW + m * J
        pltpu.sync_copy(src_hbm.at[pl.ds(row0, J)], sstage)
        pltpu.sync_copy(dst_hbm.at[pl.ds(row0, J)], dstage)

        def inner(j, inner_carry):
            pltpu.sync_copy(x_sp.at[sstage.at[j]], vals)
            pltpu.sync_copy(vals, acc_sp.at[dstage.at[j]], add=True)
            pltpu.sync_copy(ones, cnt_sp.at[dstage.at[j]], add=True)
            return inner_carry
        lax.fori_loop(0, J, inner, carry)
        return carry
    lax.fori_loop(0, RPW // J, macro, 0)

    plsc.subcore_barrier()
    out_off = c * N_PAD + base
    pltpu.sync_copy(acc_sp.at[pl.ds(base, STRIPE)], zstripe)
    pltpu.sync_copy(zstripe, agg_hbm.at[pl.ds(out_off, STRIPE)])
    pltpu.sync_copy(cnt_sp.at[pl.ds(base, STRIPE)], zstripe)
    pltpu.sync_copy(zstripe, cnt_hbm.at[pl.ds(out_off, STRIPE)])


@functools.partial(
    pl.kernel,
    out_type=tuple(
        jax.ShapeDtypeStruct((N_PAD, GW), jnp.float32) for _ in range(G)),
    mesh=plsc.VectorSubcoreMesh(**_MESH),
    compiler_params=pltpu.CompilerParams(use_tc_tiling_on_sc=False),
    scratch_types=[
        pltpu.VMEM_SHARED((N_PAD, GW), jnp.float32),
        pltpu.VMEM((J, CH), jnp.int32),
        pltpu.VMEM((J, CH), jnp.int32),
        pltpu.VMEM((CH, GW), jnp.float32),
        pltpu.VMEM((64, GW), jnp.float32),
        pltpu.VMEM((64, GW), jnp.float32),
    ],
)
def _sc_seg_sum(t0, t1, t2, t3, src_hbm, dst_hbm, o0, o1, o2, o3,
                acc_sp, sstage, dstage, rows, zblk, rows2):
    c = lax.axis_index("c")
    s = lax.axis_index("s")
    base = s * STRIPE
    tables = (t0, t1, t2, t3)
    outs = (o0, o1, o2, o3)

    def fill_zero(i, carry):
        r = i // (GW // 16)
        k = i % (GW // 16)
        zblk[r, pl.ds(k * 16, 16)] = jnp.zeros((16,), jnp.float32)
        return carry
    lax.fori_loop(0, 64 * (GW // 16), fill_zero, 0)

    for g in range(G):
        @pl.when(c == g // 2)
        def _process(g=g):
            table = tables[g]
            out = outs[g]

            def zero_stripe(i, carry):
                pltpu.sync_copy(zblk, acc_sp.at[pl.ds(base + i * 64, 64)])
                return carry
            lax.fori_loop(0, STRIPE // 64, zero_stripe, 0)
            plsc.subcore_barrier()

            def macro(m, carry):
                row0 = s * RPT + m * J
                pltpu.sync_copy(src_hbm.at[pl.ds(row0, J)], sstage)
                pltpu.sync_copy(dst_hbm.at[pl.ds(row0, J)], dstage)

                def inner(j, inner_carry):
                    pltpu.sync_copy(table.at[sstage.at[j]], rows)
                    pltpu.sync_copy(rows, acc_sp.at[dstage.at[j]], add=True)
                    return inner_carry
                lax.fori_loop(0, J, inner, carry)
                return carry
            lax.fori_loop(0, RPT // J, macro, 0)

            plsc.subcore_barrier()

            def wout(i, carry):
                pltpu.sync_copy(acc_sp.at[pl.ds(base + i * 64, 64)], rows2)
                pltpu.sync_copy(rows2, out.at[pl.ds(base + i * 64, 64)])
                return carry
            lax.fori_loop(0, STRIPE // 64, wout, 0)


def _tc1_body(aggp_ref, cntp_ref, x_ref, wl1_ref, wr1_ref, b1_ref,
              t0, t1, t2, t3, inv_ref):
    sa = aggp_ref[0] + aggp_ref[1]
    cn = cntp_ref[0] + cntp_ref[1]
    inv = 1.0 / jnp.maximum(cn, 1.0)
    inv_ref[...] = inv
    a = sa * inv
    h = jnp.maximum(a * wl1_ref[...] + x_ref[...] * wr1_ref[...] + b1_ref[...],
                    0.0)
    for g, tref in enumerate((t0, t1, t2, t3)):
        tref[...] = h[:, g * GW:(g + 1) * GW]


def _tc2_body(a0, a1, a2, a3, inv_ref, t0, t1, t2, t3,
              wl2, wr2, b2_ref, wl3, wr3,
              p0, p1, p2, p3, r_ref):
    agg = jnp.concatenate([a0[...], a1[...], a2[...], a3[...]], axis=1)
    agg = agg * inv_ref[...]
    h1 = jnp.concatenate([t0[...], t1[...], t2[...], t3[...]], axis=1)
    h2 = jnp.maximum(
        jnp.dot(agg, wl2[...], preferred_element_type=jnp.float32)
        + jnp.dot(h1, wr2[...], preferred_element_type=jnp.float32)
        + b2_ref[...], 0.0)
    p = jnp.dot(h2, wl3[...], preferred_element_type=jnp.float32)
    r_ref[...] = jnp.dot(h2, wr3[...], preferred_element_type=jnp.float32)
    for g, pref in enumerate((p0, p1, p2, p3)):
        pref[...] = p[:, g * GW:(g + 1) * GW]


def _tc3_body(a0, a1, a2, a3, inv_ref, r_ref, b3_ref, wfc, bfc_ref,
              out_ref, acc):
    i = pl.program_id(0)

    @pl.when(i == 0)
    def _init():
        acc[...] = jnp.zeros_like(acc)

    agg = jnp.concatenate([a0[...], a1[...], a2[...], a3[...]], axis=1)
    agg = agg * inv_ref[...]
    h3 = jnp.maximum(agg + r_ref[...] + b3_ref[...], 0.0)
    rowid = i * M3 + lax.broadcasted_iota(jnp.int32, (M3, HID), 0)
    h3 = jnp.where(rowid < N, h3, 0.0)
    acc[...] += h3.reshape(M3 // 8, 8, HID).sum(axis=0)

    @pl.when(i == (N_PAD // M3) - 1)
    def _finish():
        pooled = acc[...].sum(axis=0, keepdims=True) * jnp.float32(1.0 / N)
        out_ref[...] = (jnp.dot(pooled, wfc[...],
                                preferred_element_type=jnp.float32)
                        + bfc_ref[...])


def _tc1(aggp, cntp, xp2, Wl1, Wr1, b1):
    grid = (N_PAD // M1,)
    return pl.pallas_call(
        _tc1_body,
        grid=grid,
        in_specs=[
            pl.BlockSpec((2, M1, 1), lambda i: (0, i, 0)),
            pl.BlockSpec((2, M1, 1), lambda i: (0, i, 0)),
            pl.BlockSpec((M1, 1), lambda i: (i, 0)),
            pl.BlockSpec((1, HID), lambda i: (0, 0)),
            pl.BlockSpec((1, HID), lambda i: (0, 0)),
            pl.BlockSpec((1, HID), lambda i: (0, 0)),
        ],
        out_specs=[pl.BlockSpec((M1, GW), lambda i: (i, 0)) for _ in range(G)]
        + [pl.BlockSpec((M1, 1), lambda i: (i, 0))],
        out_shape=[jax.ShapeDtypeStruct((N_PAD, GW), jnp.float32)
                   for _ in range(G)]
        + [jax.ShapeDtypeStruct((N_PAD, 1), jnp.float32)],
    )(aggp, cntp, xp2, Wl1, Wr1, b1.reshape(1, HID))


def _tc2(aggs, inv, tabs, Wl2, Wr2, b2, Wl3, Wr3):
    grid = (N_PAD // M2,)
    full = lambda shape: pl.BlockSpec(shape, lambda i: (0, 0))
    return pl.pallas_call(
        _tc2_body,
        grid=grid,
        in_specs=[pl.BlockSpec((M2, GW), lambda i: (i, 0)) for _ in range(G)]
        + [pl.BlockSpec((M2, 1), lambda i: (i, 0))]
        + [pl.BlockSpec((M2, GW), lambda i: (i, 0)) for _ in range(G)]
        + [full((HID, 2 * HID)), full((HID, 2 * HID)), full((1, 2 * HID)),
           full((2 * HID, HID)), full((2 * HID, HID))],
        out_specs=[pl.BlockSpec((M2, GW), lambda i: (i, 0)) for _ in range(G)]
        + [pl.BlockSpec((M2, HID), lambda i: (i, 0))],
        out_shape=[jax.ShapeDtypeStruct((N_PAD, GW), jnp.float32)
                   for _ in range(G)]
        + [jax.ShapeDtypeStruct((N_PAD, HID), jnp.float32)],
    )(*aggs, inv, *tabs, Wl2, Wr2, b2.reshape(1, 2 * HID), Wl3, Wr3)


def _tc3(aggs, inv, r, b3, Wfc, bfc):
    grid = (N_PAD // M3,)
    full = lambda shape: pl.BlockSpec(shape, lambda i: (0, 0))
    return pl.pallas_call(
        _tc3_body,
        grid=grid,
        in_specs=[pl.BlockSpec((M3, GW), lambda i: (i, 0)) for _ in range(G)]
        + [pl.BlockSpec((M3, 1), lambda i: (i, 0)),
           pl.BlockSpec((M3, HID), lambda i: (i, 0)),
           full((1, HID)), full((HID, NCLS)), full((1, NCLS))],
        out_specs=pl.BlockSpec((1, NCLS), lambda i: (0, 0)),
        out_shape=jax.ShapeDtypeStruct((1, NCLS), jnp.float32),
        scratch_shapes=[pltpu.VMEM((8, HID), jnp.float32)],
    )(*aggs, inv, r, b3.reshape(1, HID), Wfc, bfc.reshape(1, NCLS))


def kernel(x, edge_index, batch, Wl1, Wr1, b1, Wl2, Wr2, b2,
           Wl3, Wr3, b3, Wfc, bfc):
    src = edge_index[0].astype(jnp.int32)
    dst = edge_index[1].astype(jnp.int32)
    pad_e = E_PAD - E
    pad_src = (jnp.arange(pad_e, dtype=jnp.int32) * 97) % N
    src_p = jnp.concatenate([src, pad_src]).reshape(R, CH)
    dst_p = jnp.concatenate(
        [dst, jnp.full((pad_e,), N, jnp.int32)]).reshape(R, CH)
    xf = jnp.pad(x[:, 0], (0, N_PAD - N))

    agg1f, cnt1f = _sc_scalar_agg(xf, src_p, dst_p)
    aggp = agg1f.reshape(2, N_PAD, 1)
    cntp = cnt1f.reshape(2, N_PAD, 1)

    *tabs, inv = _tc1(aggp, cntp, xf.reshape(N_PAD, 1), Wl1, Wr1, b1)
    a2 = _sc_seg_sum(*tabs, src_p, dst_p)
    *ptabs, r = _tc2(a2, inv, tabs, Wl2, Wr2, b2, Wl3, Wr3)
    a3 = _sc_seg_sum(*ptabs, src_p, dst_p)
    return _tc3(a3, inv, r, b3, Wfc, bfc)

# --- scband reference (transcript-rebuilt; emitter-appended) ---
"""Pipeline reference for scband-model-33715493273856 (READ-ONLY COPY).

The authoritative reference and input builder live on the scoring server;
editing this copy changes nothing except your own understanding.
"""

import jax, jax.numpy as jnp
import numpy as np

N = 50000
E = 800000
HID = 128
NUM_CLASSES = 10  # y.max() + 1 with y = [0..9]


def setup_inputs(seed: int = 0) -> dict:
    key = jax.random.key(seed)
    ks = jax.random.split(key, 16)
    x = jax.random.normal(ks[0], (N, 1), dtype=jnp.float32)
    edge_index = jax.random.randint(ks[1], (2, E), 0, N, dtype=jnp.int64)
    batch = jnp.zeros((N,), dtype=jnp.int64)
    def glorot(k, shape):
        fan_in, fan_out = shape[0], shape[1]
        limit = float(np.sqrt(6.0 / (fan_in + fan_out)))
        return jax.random.uniform(k, shape, jnp.float32, -limit, limit)
    # SAGEConv params: lin_l (aggregated neighbors, with bias), lin_r (root, no bias)
    Wl1 = glorot(ks[2], (1, HID)); Wr1 = glorot(ks[3], (1, HID)); b1 = jnp.zeros((HID,), jnp.float32)
    Wl2 = glorot(ks[4], (HID, 2 * HID)); Wr2 = glorot(ks[5], (HID, 2 * HID)); b2 = jnp.zeros((2 * HID,), jnp.float32)
    Wl3 = glorot(ks[6], (2 * HID, HID)); Wr3 = glorot(ks[7], (2 * HID, HID)); b3 = jnp.zeros((HID,), jnp.float32)
    Wfc = glorot(ks[8], (HID, NUM_CLASSES)); bfc = jnp.zeros((NUM_CLASSES,), jnp.float32)
    return {"x": x, "edge_index": edge_index, "batch": batch,
            "Wl1": Wl1, "Wr1": Wr1, "b1": b1,
            "Wl2": Wl2, "Wr2": Wr2, "b2": b2,
            "Wl3": Wl3, "Wr3": Wr3, "b3": b3,
            "Wfc": Wfc, "bfc": bfc}


def _sage_conv(x, edge_index, Wl, Wr, b):
    # PyG SAGEConv with mean aggregation:
    # out = lin_l(mean_{j in N(i)} x_j) + lin_r(x_i)
    src = edge_index[0]
    dst = edge_index[1]
    msgs = jnp.take(x, src, axis=0)                      # gather [E, d]
    agg_sum = jax.ops.segment_sum(msgs, dst, num_segments=N)
    cnt = jax.ops.segment_sum(jnp.ones((edge_index.shape[1],), jnp.float32), dst, num_segments=N)
    agg = agg_sum / jnp.clip(cnt, 1.0, None)[:, None]    # mean aggregation
    return agg @ Wl + b + x @ Wr


def _global_mean_pool(x, batch, num_graphs=1):
    s = jax.ops.segment_sum(x, batch, num_segments=num_graphs)
    c = jax.ops.segment_sum(jnp.ones((x.shape[0],), jnp.float32), batch, num_segments=num_graphs)
    return s / jnp.clip(c, 1.0, None)[:, None]


def reference(x, edge_index, batch, Wl1, Wr1, b1, Wl2, Wr2, b2, Wl3, Wr3, b3, Wfc, bfc):
    h = jax.nn.relu(_sage_conv(x, edge_index, Wl1, Wr1, b1))
    h = jax.nn.relu(_sage_conv(h, edge_index, Wl2, Wr2, b2))
    h = jax.nn.relu(_sage_conv(h, edge_index, Wl3, Wr3, b3))
    pooled = _global_mean_pool(h, batch, num_graphs=1)   # [1, HID]
    return pooled @ Wfc + bfc                            # [1, NUM_CLASSES]

if __name__ == "__main__":
    import jax
    _d = setup_inputs()
    print(jax.jit(kernel)(*tuple(_d.values())))

</pallas_src>

<mosaic_0001>
#map = affine_map<(d0, d1) -> (0)>
#map1 = affine_map<(d0, d1) -> (0, 0)>
module attributes {stable_mosaic.version = 14 : i64} {
  func.func @_sc_scalar_agg(%arg0: i32, %arg1: i32, %arg2: memref<50176xf32, #tpu.memory_space<hbm>>, %arg3: memref<6400x128xi32, #tpu.memory_space<hbm>>, %arg4: memref<6400x128xi32, #tpu.memory_space<hbm>>, %arg5: memref<100352xf32, #tpu.memory_space<hbm>>, %arg6: memref<100352xf32, #tpu.memory_space<hbm>>, %arg7: memref<50176xf32, #tpu.memory_space<vmem_shared>>, %arg8: memref<50176xf32, #tpu.memory_space<vmem_shared>>, %arg9: memref<50176xf32, #tpu.memory_space<vmem_shared>>, %arg10: memref<40x128xi32, #tpu.memory_space<vmem>>, %arg11: memref<40x128xi32, #tpu.memory_space<vmem>>, %arg12: memref<128xf32, #tpu.memory_space<vmem>>, %arg13: memref<128xf32, #tpu.memory_space<vmem>>, %arg14: memref<3136xf32, #tpu.memory_space<vmem>>) attributes {dimension_semantics = [#tpu.dimension_semantics<core_parallel>, #tpu.dimension_semantics<subcore_parallel>], iteration_bounds = array<i64: 2, 16>, scalar_prefetch = 0 : i64, scratch_operands = 8 : i64, tpu.core_type = #tpu.core_type<sc_vector_subcore>, window_params = [{transform_indices = #map}, {transform_indices = #map1}, {transform_indices = #map1}, {transform_indices = #map}, {transform_indices = #map}]} {
    %mul3A = arith.constant 3136 : i32
    %mul3A_0 = arith.muli %arg1, %mul3A : i32
    %scan3A = arith.constant 0 : i32
    %scan3A_1 = arith.constant 0 : i32
    %scan3A_2 = arith.constant 8 : i32
    %scan3A_3 = arith.addi %scan3A_1, %scan3A_2 : i32
    %scan3A_4 = arith.constant 1 : i32
    scf.for %scan3A_24 = %scan3A_1 to %scan3A_3 step %scan3A_4  : i32 {
      %broadcast_in_dim3A = arith.constant 1.000000e+00 : f32
      %broadcast_in_dim3A_25 = vector.broadcast %broadcast_in_dim3A : f32 to vector<16xf32>
      %mul3A_26 = arith.constant 16 : i32
      %mul3A_27 = arith.muli %scan3A_24, %mul3A_26 : i32
      %swap3A = arith.index_cast %mul3A_27 : i32 to index
      %swap3A_28 = tpu.vector_load %arg13[%swap3A] {strides = array<i32>} : memref<128xf32, #tpu.memory_space<vmem>>, vector<16xf32>,
      %swap3A_29 = vector.shape_cast %swap3A_28 : vector<16xf32> to vector<16xf32>
      %swap3A_30 = vector.shape_cast %broadcast_in_dim3A_25 : vector<16xf32> to vector<16xf32>
      tpu.vector_store %arg13[%swap3A], %swap3A_30 {strides = array<i32>} : memref<128xf32, #tpu.memory_space<vmem>>, vector<16xf32>,
    }
    %scan3A_5 = arith.constant 8 : i32
    %scan3A_6 = arith.constant 0 : i32
    %scan3A_7 = arith.constant 0 : i32
    %scan3A_8 = arith.constant 196 : i32
    %scan3A_9 = arith.addi %scan3A_7, %scan3A_8 : i32
    %scan3A_10 = arith.constant 1 : i32
    scf.for %scan3A_24 = %scan3A_7 to %scan3A_9 step %scan3A_10  : i32 {
      %broadcast_in_dim3A = arith.constant 0.000000e+00 : f32
      %broadcast_in_dim3A_25 = vector.broadcast %broadcast_in_dim3A : f32 to vector<16xf32>
      %mul3A_26 = arith.constant 16 : i32
      %mul3A_27 = arith.muli %scan3A_24, %mul3A_26 : i32
      %swap3A = arith.index_cast %mul3A_27 : i32 to index
      %swap3A_28 = tpu.vector_load %arg14[%swap3A] {strides = array<i32>} : memref<3136xf32, #tpu.memory_space<vmem>>, vector<16xf32>,
      %swap3A_29 = vector.shape_cast %swap3A_28 : vector<16xf32> to vector<16xf32>
      %swap3A_30 = vector.shape_cast %broadcast_in_dim3A_25 : vector<16xf32> to vector<16xf32>
      tpu.vector_store %arg14[%swap3A], %swap3A_30 {strides = array<i32>} : memref<3136xf32, #tpu.memory_space<vmem>>, vector<16xf32>,
    }
    %scan3A_11 = arith.constant 196 : i32
    "tpu.region"() ({
      %run_scoped3A = tpu.sem_alloc : memref<!tpu.dma_semaphore, #tpu.memory_space<semaphore_mem>>
      %dma_start3A = tpu.memref_slice %arg8[%mul3A_0] : memref<50176xf32, #tpu.memory_space<vmem_shared>> -> memref<3136xf32, #tpu.memory_space<vmem_shared>>
      %dma_start3A_24 = tpu.memref_slice %arg8[%mul3A_0] : memref<50176xf32, #tpu.memory_space<vmem_shared>> -> memref<3136xf32, #tpu.memory_space<vmem_shared>>
      tpu.enqueue_dma source(%arg14 : memref<3136xf32, #tpu.memory_space<vmem>>) target(%dma_start3A_24 : memref<3136xf32, #tpu.memory_space<vmem_shared>>) target_semaphore(%run_scoped3A : memref<!tpu.dma_semaphore, #tpu.memory_space<semaphore_mem>>)
      %dma_wait3A = tpu.memref_slice %arg8[%mul3A_0] : memref<50176xf32, #tpu.memory_space<vmem_shared>> -> memref<3136xf32, #tpu.memory_space<vmem_shared>>
      %dma_wait3A_25 = tpu.memref_slice %arg8[%mul3A_0] : memref<50176xf32, #tpu.memory_space<vmem_shared>> -> memref<3136xf32, #tpu.memory_space<vmem_shared>>
      tpu.wait_dma2 semaphore(%run_scoped3A : memref<!tpu.dma_semaphore, #tpu.memory_space<semaphore_mem>>) src(%arg14 : memref<3136xf32, #tpu.memory_space<vmem>>) dst(%dma_wait3A_25 : memref<3136xf32, #tpu.memory_space<vmem_shared>>)
      tpu.yield
    }) : () -> ()
    "tpu.region"() ({
      %run_scoped3A = tpu.sem_alloc : memref<!tpu.dma_semaphore, #tpu.memory_space<semaphore_mem>>
      %dma_start3A = tpu.memref_slice %arg9[%mul3A_0] : memref<50176xf32, #tpu.memory_space<vmem_shared>> -> memref<3136xf32, #tpu.memory_space<vmem_shared>>
      %dma_start3A_24 = tpu.memref_slice %arg9[%mul3A_0] : memref<50176xf32, #tpu.memory_space<vmem_shared>> -> memref<3136xf32, #tpu.memory_space<vmem_shared>>
      tpu.enqueue_dma source(%arg14 : memref<3136xf32, #tpu.memory_space<vmem>>) target(%dma_start3A_24 : memref<3136xf32, #tpu.memory_space<vmem_shared>>) target_semaphore(%run_scoped3A : memref<!tpu.dma_semaphore, #tpu.memory_space<semaphore_mem>>)
      %dma_wait3A = tpu.memref_slice %arg9[%mul3A_0] : memref<50176xf32, #tpu.memory_space<vmem_shared>> -> memref<3136xf32, #tpu.memory_space<vmem_shared>>
      %dma_wait3A_25 = tpu.memref_slice %arg9[%mul3A_0] : memref<50176xf32, #tpu.memory_space<vmem_shared>> -> memref<3136xf32, #tpu.memory_space<vmem_shared>>
      tpu.wait_dma2 semaphore(%run_scoped3A : memref<!tpu.dma_semaphore, #tpu.memory_space<semaphore_mem>>) src(%arg14 : memref<3136xf32, #tpu.memory_space<vmem>>) dst(%dma_wait3A_25 : memref<3136xf32, #tpu.memory_space<vmem_shared>>)
      tpu.yield
    }) : () -> ()
    "tpu.region"() ({
      %run_scoped3A = tpu.sem_alloc : memref<!tpu.dma_semaphore, #tpu.memory_space<semaphore_mem>>
      %dma_start3A = tpu.memref_slice %arg2[%mul3A_0] : memref<50176xf32, #tpu.memory_space<hbm>> -> memref<3136xf32, #tpu.memory_space<hbm>>
      %dma_start3A_24 = tpu.memref_slice %arg2[%mul3A_0] : memref<50176xf32, #tpu.memory_space<hbm>> -> memref<3136xf32, #tpu.memory_space<hbm>>
      tpu.enqueue_dma source(%dma_start3A_24 : memref<3136xf32, #tpu.memory_space<hbm>>) target(%arg14 : memref<3136xf32, #tpu.memory_space<vmem>>) target_semaphore(%run_scoped3A : memref<!tpu.dma_semaphore, #tpu.memory_space<semaphore_mem>>)
      %dma_wait3A = tpu.memref_slice %arg2[%mul3A_0] : memref<50176xf32, #tpu.memory_space<hbm>> -> memref<3136xf32, #tpu.memory_space<hbm>>
      %dma_wait3A_25 = tpu.memref_slice %arg2[%mul3A_0] : memref<50176xf32, #tpu.memory_space<hbm>> -> memref<3136xf32, #tpu.memory_space<hbm>>
      tpu.wait_dma2 semaphore(%run_scoped3A : memref<!tpu.dma_semaphore, #tpu.memory_space<semaphore_mem>>) src(%dma_wait3A_25 : memref<3136xf32, #tpu.memory_space<hbm>>) dst(%arg14 : memref<3136xf32, #tpu.memory_space<vmem>>)
      tpu.yield
    }) : () -> ()
    "tpu.region"() ({
      %run_scoped3A = tpu.sem_alloc : memref<!tpu.dma_semaphore, #tpu.memory_space<semaphore_mem>>
      %dma_start3A = tpu.memref_slice %arg7[%mul3A_0] : memref<50176xf32, #tpu.memory_space<vmem_shared>> -> memref<3136xf32, #tpu.memory_space<vmem_shared>>
      %dma_start3A_24 = tpu.memref_slice %arg7[%mul3A_0] : memref<50176xf32, #tpu.memory_space<vmem_shared>> -> memref<3136xf32, #tpu.memory_space<vmem_shared>>
      tpu.enqueue_dma source(%arg14 : memref<3136xf32, #tpu.memory_space<vmem>>) target(%dma_start3A_24 : memref<3136xf32, #tpu.memory_space<vmem_shared>>) target_semaphore(%run_scoped3A : memref<!tpu.dma_semaphore, #tpu.memory_space<semaphore_mem>>)
      %dma_wait3A = tpu.memref_slice %arg7[%mul3A_0] : memref<50176xf32, #tpu.memory_space<vmem_shared>> -> memref<3136xf32, #tpu.memory_space<vmem_shared>>
      %dma_wait3A_25 = tpu.memref_slice %arg7[%mul3A_0] : memref<50176xf32, #tpu.memory_space<vmem_shared>> -> memref<3136xf32, #tpu.memory_space<vmem_shared>>
      tpu.wait_dma2 semaphore(%run_scoped3A : memref<!tpu.dma_semaphore, #tpu.memory_space<semaphore_mem>>) src(%arg14 : memref<3136xf32, #tpu.memory_space<vmem>>) dst(%dma_wait3A_25 : memref<3136xf32, #tpu.memory_space<vmem_shared>>)
      tpu.yield
    }) : () -> ()
    %barrier3A = arith.constant 0 : index
    tpu.barrier barrier_id(%barrier3A)
    %mul3A_12 = arith.constant 16 : i32
    %mul3A_13 = arith.muli %arg0, %mul3A_12 : i32
    %add3A = arith.addi %mul3A_13, %arg1 : i32
    %scan3A_14 = arith.constant 0 : i32
    %scan3A_15 = arith.constant 0 : i32
    %scan3A_16 = arith.constant 5 : i32
    %scan3A_17 = arith.addi %scan3A_15, %scan3A_16 : i32
    %scan3A_18 = arith.constant 1 : i32
    scf.for %scan3A_24 = %scan3A_15 to %scan3A_17 step %scan3A_18  : i32 {
      %mul3A_25 = arith.constant 200 : i32
      %mul3A_26 = arith.muli %add3A, %mul3A_25 : i32
      %mul3A_27 = arith.constant 40 : i32
      %mul3A_28 = arith.muli %scan3A_24, %mul3A_27 : i32
      %add3A_29 = arith.addi %mul3A_26, %mul3A_28 : i32
      "tpu.region"() ({
        %run_scoped3A = tpu.sem_alloc : memref<!tpu.dma_semaphore, #tpu.memory_space<semaphore_mem>>
        %dma_start3A = arith.constant 0 : i32
        %dma_start3A_35 = tpu.memref_slice %arg3[%add3A_29, %dma_start3A] : memref<6400x128xi32, #tpu.memory_space<hbm>> -> memref<40x128xi32, #tpu.memory_space<hbm>>
        %dma_start3A_36 = arith.constant 0 : i32
        %dma_start3A_37 = tpu.memref_slice %arg3[%add3A_29, %dma_start3A_36] : memref<6400x128xi32, #tpu.memory_space<hbm>> -> memref<40x128xi32, #tpu.memory_space<hbm>>
        tpu.enqueue_dma source(%dma_start3A_37 : memref<40x128xi32, #tpu.memory_space<hbm>>) target(%arg10 : memref<40x128xi32, #tpu.memory_space<vmem>>) target_semaphore(%run_scoped3A : memref<!tpu.dma_semaphore, #tpu.memory_space<semaphore_mem>>)
        %dma_wait3A = arith.constant 0 : i32
        %dma_wait3A_38 = tpu.memref_slice %arg3[%add3A_29, %dma_wait3A] : memref<6400x128xi32, #tpu.memory_space<hbm>> -> memref<40x128xi32, #tpu.memory_space<hbm>>
        %dma_wait3A_39 = arith.constant 0 : i32
        %dma_wait3A_40 = tpu.memref_slice %arg3[%add3A_29, %dma_wait3A_39] : memref<6400x128xi32, #tpu.memory_space<hbm>> -> memref<40x128xi32, #tpu.memory_space<hbm>>
        tpu.wait_dma2 semaphore(%run_scoped3A : memref<!tpu.dma_semaphore, #tpu.memory_space<semaphore_mem>>) src(%dma_wait3A_40 : memref<40x128xi32, #tpu.memory_space<hbm>>) dst(%arg10 : memref<40x128xi32, #tpu.memory_space<vmem>>)
        tpu.yield
      }) : () -> ()
      "tpu.region"() ({
        %run_scoped3A = tpu.sem_alloc : memref<!tpu.dma_semaphore, #tpu.memory_space<semaphore_mem>>
        %dma_start3A = arith.constant 0 : i32
        %dma_start3A_35 = tpu.memref_slice %arg4[%add3A_29, %dma_start3A] : memref<6400x128xi32, #tpu.memory_space<hbm>> -> memref<40x128xi32, #tpu.memory_space<hbm>>
        %dma_start3A_36 = arith.constant 0 : i32
        %dma_start3A_37 = tpu.memref_slice %arg4[%add3A_29, %dma_start3A_36] : memref<6400x128xi32, #tpu.memory_space<hbm>> -> memref<40x128xi32, #tpu.memory_space<hbm>>
        tpu.enqueue_dma source(%dma_start3A_37 : memref<40x128xi32, #tpu.memory_space<hbm>>) target(%arg11 : memref<40x128xi32, #tpu.memory_space<vmem>>) target_semaphore(%run_scoped3A : memref<!tpu.dma_semaphore, #tpu.memory_space<semaphore_mem>>)
        %dma_wait3A = arith.constant 0 : i32
        %dma_wait3A_38 = tpu.memref_slice %arg4[%add3A_29, %dma_wait3A] : memref<6400x128xi32, #tpu.memory_space<hbm>> -> memref<40x128xi32, #tpu.memory_space<hbm>>
        %dma_wait3A_39 = arith.constant 0 : i32
        %dma_wait3A_40 = tpu.memref_slice %arg4[%add3A_29, %dma_wait3A_39] : memref<6400x128xi32, #tpu.memory_space<hbm>> -> memref<40x128xi32, #tpu.memory_space<hbm>>
        tpu.wait_dma2 semaphore(%run_scoped3A : memref<!tpu.dma_semaphore, #tpu.memory_space<semaphore_mem>>) src(%dma_wait3A_40 : memref<40x128xi32, #tpu.memory_space<hbm>>) dst(%arg11 : memref<40x128xi32, #tpu.memory_space<vmem>>)
        tpu.yield
      }) : () -> ()
      %scan3A_30 = arith.constant 0 : i32
      %scan3A_31 = arith.constant 40 : i32
      %scan3A_32 = arith.addi %scan3A_30, %scan3A_31 : i32
      %scan3A_33 = arith.constant 1 : i32
      scf.for %scan3A_35 = %scan3A_30 to %scan3A_32 step %scan3A_33  : i32 {
        "tpu.region"() ({
          %run_scoped3A = tpu.sem_alloc : memref<!tpu.dma_semaphore, #tpu.memory_space<semaphore_mem>>
          %dma_start3A = arith.constant 0 : i32
          %dma_start3A_36 = tpu.memref_slice %arg10[%scan3A_35, %dma_start3A] : memref<40x128xi32, #tpu.memory_space<vmem>> -> memref<1x128xi32, #tpu.memory_space<vmem>>
          %dma_start3A_37 = tpu.memref_squeeze %dma_start3A_36 : memref<1x128xi32, #tpu.memory_space<vmem>> -> memref<128xi32, #tpu.memory_space<vmem>>
          %dma_start3A_38 = arith.constant 0 : i32
          %dma_start3A_39 = tpu.memref_slice %arg7[%dma_start3A_38] : memref<50176xf32, #tpu.memory_space<vmem_shared>> -> memref<50176xf32, #tpu.memory_space<vmem_shared>>
          tpu.enqueue_indirect_dma source(%dma_start3A_39 : memref<50176xf32, #tpu.memory_space<vmem_shared>>) target(%arg12 : memref<128xf32, #tpu.memory_space<vmem>>) offsets(%dma_start3A_37 : memref<128xi32, #tpu.memory_space<vmem>>) semaphore(%run_scoped3A : memref<!tpu.dma_semaphore, #tpu.memory_space<semaphore_mem>>)
          %dma_wait3A = arith.constant 0 : i32
          %dma_wait3A_40 = tpu.memref_slice %arg10[%scan3A_35, %dma_wait3A] : memref<40x128xi32, #tpu.memory_space<vmem>> -> memref<1x128xi32, #tpu.memory_space<vmem>>
          %dma_wait3A_41 = tpu.memref_squeeze %dma_wait3A_40 : memref<1x128xi32, #tpu.memory_space<vmem>> -> memref<128xi32, #tpu.memory_space<vmem>>
          %dma_wait3A_42 = arith.constant 0 : i32
          %dma_wait3A_43 = tpu.memref_slice %arg7[%dma_wait3A_42] : memref<50176xf32, #tpu.memory_space<vmem_shared>> -> memref<50176xf32, #tpu.memory_space<vmem_shared>>
          tpu.wait_indirect_dma semaphore(%run_scoped3A : memref<!tpu.dma_semaphore, #tpu.memory_space<semaphore_mem>>) src(%dma_wait3A_43 : memref<50176xf32, #tpu.memory_space<vmem_shared>>) dst(%arg12 : memref<128xf32, #tpu.memory_space<vmem>>)
          tpu.yield
        }) : () -> ()
        "tpu.region"() ({
          %run_scoped3A = tpu.sem_alloc : memref<!tpu.dma_semaphore, #tpu.memory_space<semaphore_mem>>
          %dma_start3A = arith.constant 0 : i32
          %dma_start3A_36 = tpu.memref_slice %arg11[%scan3A_35, %dma_start3A] : memref<40x128xi32, #tpu.memory_space<vmem>> -> memref<1x128xi32, #tpu.memory_space<vmem>>
          %dma_start3A_37 = tpu.memref_squeeze %dma_start3A_36 : memref<1x128xi32, #tpu.memory_space<vmem>> -> memref<128xi32, #tpu.memory_space<vmem>>
          %dma_start3A_38 = arith.constant 0 : i32
          %dma_start3A_39 = tpu.memref_slice %arg8[%dma_start3A_38] : memref<50176xf32, #tpu.memory_space<vmem_shared>> -> memref<50176xf32, #tpu.memory_space<vmem_shared>>
          tpu.enqueue_indirect_dma source(%arg12 : memref<128xf32, #tpu.memory_space<vmem>>) target(%dma_start3A_39 : memref<50176xf32, #tpu.memory_space<vmem_shared>>) offsets(%dma_start3A_37 : memref<128xi32, #tpu.memory_space<vmem>>) semaphore(%run_scoped3A : memref<!tpu.dma_semaphore, #tpu.memory_space<semaphore_mem>>) {add = true}
          %dma_wait3A = arith.constant 0 : i32
          %dma_wait3A_40 = tpu.memref_slice %arg11[%scan3A_35, %dma_wait3A] : memref<40x128xi32, #tpu.memory_space<vmem>> -> memref<1x128xi32, #tpu.memory_space<vmem>>
          %dma_wait3A_41 = tpu.memref_squeeze %dma_wait3A_40 : memref<1x128xi32, #tpu.memory_space<vmem>> -> memref<128xi32, #tpu.memory_space<vmem>>
          %dma_wait3A_42 = arith.constant 0 : i32
          %dma_wait3A_43 = tpu.memref_slice %arg8[%dma_wait3A_42] : memref<50176xf32, #tpu.memory_space<vmem_shared>> -> memref<50176xf32, #tpu.memory_space<vmem_shared>>
          tpu.wait_indirect_dma semaphore(%run_scoped3A : memref<!tpu.dma_semaphore, #tpu.memory_space<semaphore_mem>>) src(%arg12 : memref<128xf32, #tpu.memory_space<vmem>>) dst(%dma_wait3A_43 : memref<50176xf32, #tpu.memory_space<vmem_shared>>)
          tpu.yield
        }) : () -> ()
        "tpu.region"() ({
          %run_scoped3A = tpu.sem_alloc : memref<!tpu.dma_semaphore, #tpu.memory_space<semaphore_mem>>
          %dma_start3A = arith.constant 0 : i32
          %dma_start3A_36 = tpu.memref_slice %arg11[%scan3A_35, %dma_start3A] : memref<40x128xi32, #tpu.memory_space<vmem>> -> memref<1x128xi32, #tpu.memory_space<vmem>>
          %dma_start3A_37 = tpu.memref_squeeze %dma_start3A_36 : memref<1x128xi32, #tpu.memory_space<vmem>> -> memref<128xi32, #tpu.memory_space<vmem>>
          %dma_start3A_38 = arith.constant 0 : i32
          %dma_start3A_39 = tpu.memref_slice %arg9[%dma_start3A_38] : memref<50176xf32, #tpu.memory_space<vmem_shared>> -> memref<50176xf32, #tpu.memory_space<vmem_shared>>
          tpu.enqueue_indirect_dma source(%arg13 : memref<128xf32, #tpu.memory_space<vmem>>) target(%dma_start3A_39 : memref<50176xf32, #tpu.memory_space<vmem_shared>>) offsets(%dma_start3A_37 : memref<128xi32, #tpu.memory_space<vmem>>) semaphore(%run_scoped3A : memref<!tpu.dma_semaphore, #tpu.memory_space<semaphore_mem>>) {add = true}
          %dma_wait3A = arith.constant 0 : i32
          %dma_wait3A_40 = tpu.memref_slice %arg11[%scan3A_35, %dma_wait3A] : memref<40x128xi32, #tpu.memory_space<vmem>> -> memref<1x128xi32, #tpu.memory_space<vmem>>
          %dma_wait3A_41 = tpu.memref_squeeze %dma_wait3A_40 : memref<1x128xi32, #tpu.memory_space<vmem>> -> memref<128xi32, #tpu.memory_space<vmem>>
          %dma_wait3A_42 = arith.constant 0 : i32
          %dma_wait3A_43 = tpu.memref_slice %arg9[%dma_wait3A_42] : memref<50176xf32, #tpu.memory_space<vmem_shared>> -> memref<50176xf32, #tpu.memory_space<vmem_shared>>
          tpu.wait_indirect_dma semaphore(%run_scoped3A : memref<!tpu.dma_semaphore, #tpu.memory_space<semaphore_mem>>) src(%arg13 : memref<128xf32, #tpu.memory_space<vmem>>) dst(%dma_wait3A_43 : memref<50176xf32, #tpu.memory_space<vmem_shared>>)
          tpu.yield
        }) : () -> ()
      }
      %scan3A_34 = arith.constant 40 : i32
    }
    %scan3A_19 = arith.constant 5 : i32
    %barrier3A_20 = arith.constant 0 : index
    tpu.barrier barrier_id(%barrier3A_20)
    %mul3A_21 = arith.constant 50176 : i32
    %mul3A_22 = arith.muli %arg0, %mul3A_21 : i32
    %add3A_23 = arith.addi %mul3A_22, %mul3A_0 : i32
    "tpu.region"() ({
      %run_scoped3A = tpu.sem_alloc : memref<!tpu.dma_semaphore, #tpu.memory_space<semaphore_mem>>
      %dma_start3A = tpu.memref_slice %arg8[%mul3A_0] : memref<50176xf32, #tpu.memory_space<vmem_shared>> -> memref<3136xf32, #tpu.memory_space<vmem_shared>>
      %dma_start3A_24 = tpu.memref_slice %arg8[%mul3A_0] : memref<50176xf32, #tpu.memory_space<vmem_shared>> -> memref<3136xf32, #tpu.memory_space<vmem_shared>>
      tpu.enqueue_dma source(%dma_start3A_24 : memref<3136xf32, #tpu.memory_space<vmem_shared>>) target(%arg14 : memref<3136xf32, #tpu.memory_space<vmem>>) target_semaphore(%run_scoped3A : memref<!tpu.dma_semaphore, #tpu.memory_space<semaphore_mem>>)
      %dma_wait3A = tpu.memref_slice %arg8[%mul3A_0] : memref<50176xf32, #tpu.memory_space<vmem_shared>> -> memref<3136xf32, #tpu.memory_space<vmem_shared>>
      %dma_wait3A_25 = tpu.memref_slice %arg8[%mul3A_0] : memref<50176xf32, #tpu.memory_space<vmem_shared>> -> memref<3136xf32, #tpu.memory_space<vmem_shared>>
      tpu.wait_dma2 semaphore(%run_scoped3A : memref<!tpu.dma_semaphore, #tpu.memory_space<semaphore_mem>>) src(%dma_wait3A_25 : memref<3136xf32, #tpu.memory_space<vmem_shared>>) dst(%arg14 : memref<3136xf32, #tpu.memory_space<vmem>>)
      tpu.yield
    }) : () -> ()
    "tpu.region"() ({
      %run_scoped3A = tpu.sem_alloc : memref<!tpu.dma_semaphore, #tpu.memory_space<semaphore_mem>>
      %dma_start3A = tpu.memref_slice %arg5[%add3A_23] : memref<100352xf32, #tpu.memory_space<hbm>> -> memref<3136xf32, #tpu.memory_space<hbm>>
      %dma_start3A_24 = tpu.memref_slice %arg5[%add3A_23] : memref<100352xf32, #tpu.memory_space<hbm>> -> memref<3136xf32, #tpu.memory_space<hbm>>
      tpu.enqueue_dma source(%arg14 : memref<3136xf32, #tpu.memory_space<vmem>>) target(%dma_start3A_24 : memref<3136xf32, #tpu.memory_space<hbm>>) target_semaphore(%run_scoped3A : memref<!tpu.dma_semaphore, #tpu.memory_space<semaphore_mem>>)
      %dma_wait3A = tpu.memref_slice %arg5[%add3A_23] : memref<100352xf32, #tpu.memory_space<hbm>> -> memref<3136xf32, #tpu.memory_space<hbm>>
      %dma_wait3A_25 = tpu.memref_slice %arg5[%add3A_23] : memref<100352xf32, #tpu.memory_space<hbm>> -> memref<3136xf32, #tpu.memory_space<hbm>>
      tpu.wait_dma2 semaphore(%run_scoped3A : memref<!tpu.dma_semaphore, #tpu.memory_space<semaphore_mem>>) src(%arg14 : memref<3136xf32, #tpu.memory_space<vmem>>) dst(%dma_wait3A_25 : memref<3136xf32, #tpu.memory_space<hbm>>)
      tpu.yield
    }) : () -> ()
    "tpu.region"() ({
      %run_scoped3A = tpu.sem_alloc : memref<!tpu.dma_semaphore, #tpu.memory_space<semaphore_mem>>
      %dma_start3A = tpu.memref_slice %arg9[%mul3A_0] : memref<50176xf32, #tpu.memory_space<vmem_shared>> -> memref<3136xf32, #tpu.memory_space<vmem_shared>>
      %dma_start3A_24 = tpu.memref_slice %arg9[%mul3A_0] : memref<50176xf32, #tpu.memory_space<vmem_shared>> -> memref<3136xf32, #tpu.memory_space<vmem_shared>>
      tpu.enqueue_dma source(%dma_start3A_24 : memref<3136xf32, #tpu.memory_space<vmem_shared>>) target(%arg14 : memref<3136xf32, #tpu.memory_space<vmem>>) target_semaphore(%run_scoped3A : memref<!tpu.dma_semaphore, #tpu.memory_space<semaphore_mem>>)
      %dma_wait3A = tpu.memref_slice %arg9[%mul3A_0] : memref<50176xf32, #tpu.memory_space<vmem_shared>> -> memref<3136xf32, #tpu.memory_space<vmem_shared>>
      %dma_wait3A_25 = tpu.memref_slice %arg9[%mul3A_0] : memref<50176xf32, #tpu.memory_space<vmem_shared>> -> memref<3136xf32, #tpu.memory_space<vmem_shared>>
      tpu.wait_dma2 semaphore(%run_scoped3A : memref<!tpu.dma_semaphore, #tpu.memory_space<semaphore_mem>>) src(%dma_wait3A_25 : memref<3136xf32, #tpu.memory_space<vmem_shared>>) dst(%arg14 : memref<3136xf32, #tpu.memory_space<vmem>>)
      tpu.yield
    }) : () -> ()
    "tpu.region"() ({
      %run_scoped3A = tpu.sem_alloc : memref<!tpu.dma_semaphore, #tpu.memory_space<semaphore_mem>>
      %dma_start3A = tpu.memref_slice %arg6[%add3A_23] : memref<100352xf32, #tpu.memory_space<hbm>> -> memref<3136xf32, #tpu.memory_space<hbm>>
      %dma_start3A_24 = tpu.memref_slice %arg6[%add3A_23] : memref<100352xf32, #tpu.memory_space<hbm>> -> memref<3136xf32, #tpu.memory_space<hbm>>
      tpu.enqueue_dma source(%arg14 : memref<3136xf32, #tpu.memory_space<vmem>>) target(%dma_start3A_24 : memref<3136xf32, #tpu.memory_space<hbm>>) target_semaphore(%run_scoped3A : memref<!tpu.dma_semaphore, #tpu.memory_space<semaphore_mem>>)
      %dma_wait3A = tpu.memref_slice %arg6[%add3A_23] : memref<100352xf32, #tpu.memory_space<hbm>> -> memref<3136xf32, #tpu.memory_space<hbm>>
      %dma_wait3A_25 = tpu.memref_slice %arg6[%add3A_23] : memref<100352xf32, #tpu.memory_space<hbm>> -> memref<3136xf32, #tpu.memory_space<hbm>>
      tpu.wait_dma2 semaphore(%run_scoped3A : memref<!tpu.dma_semaphore, #tpu.memory_space<semaphore_mem>>) src(%arg14 : memref<3136xf32, #tpu.memory_space<vmem>>) dst(%dma_wait3A_25 : memref<3136xf32, #tpu.memory_space<hbm>>)
      tpu.yield
    }) : () -> ()
    return
  }
}

#map = affine_map<(d0, d1) -> (0, 0)>
module attributes {stable_mosaic.version = 14 : i64} {
  func.func @_sc_seg_sum(%arg0: i32, %arg1: i32, %arg2: memref<50176x32xf32, #tpu.memory_space<hbm>>, %arg3: memref<50176x32xf32, #tpu.memory_space<hbm>>, %arg4: memref<50176x32xf32, #tpu.memory_space<hbm>>, %arg5: memref<50176x32xf32, #tpu.memory_space<hbm>>, %arg6: memref<6400x128xi32, #tpu.memory_space<hbm>>, %arg7: memref<6400x128xi32, #tpu.memory_space<hbm>>, %arg8: memref<50176x32xf32, #tpu.memory_space<hbm>>, %arg9: memref<50176x32xf32, #tpu.memory_space<hbm>>, %arg10: memref<50176x32xf32, #tpu.memory_space<hbm>>, %arg11: memref<50176x32xf32, #tpu.memory_space<hbm>>, %arg12: memref<50176x32xf32, #tpu.memory_space<vmem_shared>>, %arg13: memref<40x128xi32, #tpu.memory_space<vmem>>, %arg14: memref<40x128xi32, #tpu.memory_space<vmem>>, %arg15: memref<128x32xf32, #tpu.memory_space<vmem>>, %arg16: memref<64x32xf32, #tpu.memory_space<vmem>>, %arg17: memref<64x32xf32, #tpu.memory_space<vmem>>) attributes {dimension_semantics = [#tpu.dimension_semantics<core_parallel>, #tpu.dimension_semantics<subcore_parallel>], iteration_bounds = array<i64: 2, 16>, scalar_prefetch = 0 : i64, scratch_operands = 6 : i64, tpu.core_type = #tpu.core_type<sc_vector_subcore>, window_params = [{transform_indices = #map}, {transform_indices = #map}, {transform_indices = #map}, {transform_indices = #map}, {transform_indices = #map}, {transform_indices = #map}, {transform_indices = #map}, {transform_indices = #map}, {transform_indices = #map}, {transform_indices = #map}]} {
    %mul3A = arith.constant 3136 : i32
    %mul3A_0 = arith.muli %arg1, %mul3A : i32
    %scan3A = arith.constant 0 : i32
    %scan3A_1 = arith.constant 0 : i32
    %scan3A_2 = arith.constant 128 : i32
    %scan3A_3 = arith.addi %scan3A_1, %scan3A_2 : i32
    %scan3A_4 = arith.constant 1 : i32
    scf.for %scan3A_23 = %scan3A_1 to %scan3A_3 step %scan3A_4  : i32 {
      %jit3A = arith.constant 2 : i32
      %div3A = arith.divsi %scan3A_23, %jit3A : i32
      %sign3A = arith.constant 0 : i32
      %sign3A_24 = arith.cmpi sgt, %scan3A_23, %sign3A : i32
      %sign3A_25 = arith.extui %sign3A_24 : i1 to i32
      %sign3A_26 = arith.constant 0 : i32
      %sign3A_27 = arith.cmpi slt, %scan3A_23, %sign3A_26 : i32
      %sign3A_28 = arith.extui %sign3A_27 : i1 to i32
      %sign3A_29 = arith.subi %sign3A_25, %sign3A_28 : i32
      %sign3A_30 = arith.constant 0 : i32
      %sign3A_31 = arith.cmpi sgt, %jit3A, %sign3A_30 : i32
      %sign3A_32 = arith.extui %sign3A_31 : i1 to i32
      %sign3A_33 = arith.constant 0 : i32
      %sign3A_34 = arith.cmpi slt, %jit3A, %sign3A_33 : i32
      %sign3A_35 = arith.extui %sign3A_34 : i1 to i32
      %sign3A_36 = arith.subi %sign3A_32, %sign3A_35 : i32
      %ne3A = arith.cmpi ne, %sign3A_29, %sign3A_36 : i32
      %rem3A = arith.remsi %scan3A_23, %jit3A : i32
      %ne3A_37 = arith.constant 0 : i32
      %ne3A_38 = arith.cmpi ne, %rem3A, %ne3A_37 : i32
      %and3A = arith.andi %ne3A, %ne3A_38 : i1
      %sub3A = arith.constant 1 : i32
      %sub3A_39 = arith.subi %div3A, %sub3A : i32
      %select_n3A = arith.select %and3A, %sub3A_39, %div3A : i32
      %jit3A_40 = arith.constant 2 : i32
      %eq3A_41 = arith.constant 0 : i32
      %eq3A_42 = arith.cmpi eq, %jit3A_40, %eq3A_41 : i32
      %jit3A_43 = arith.constant 1 : i32
      %select_n3A_44 = arith.select %eq3A_42, %jit3A_43, %jit3A_40 : i32
      %rem3A_45 = arith.remsi %scan3A_23, %select_n3A_44 : i32
      %ne3A_46 = arith.constant 0 : i32
      %ne3A_47 = arith.cmpi ne, %rem3A_45, %ne3A_46 : i32
      %lt3A = arith.constant 0 : i32
      %lt3A_48 = arith.cmpi slt, %rem3A_45, %lt3A : i32
      %lt3A_49 = arith.constant 0 : i32
      %lt3A_50 = arith.cmpi slt, %select_n3A_44, %lt3A_49 : i32
      %ne3A_51 = arith.xori %lt3A_48, %lt3A_50 : i1
      %and3A_52 = arith.andi %ne3A_51, %ne3A_47 : i1
      %add3A = arith.addi %rem3A_45, %select_n3A_44 : i32
      %select_n3A_53 = arith.select %and3A_52, %add3A, %rem3A_45 : i32
      %broadcast_in_dim3A = arith.constant 0.000000e+00 : f32
      %broadcast_in_dim3A_54 = vector.broadcast %broadcast_in_dim3A : f32 to vector<16xf32>
      %mul3A_55 = arith.constant 16 : i32
      %mul3A_56 = arith.muli %select_n3A_53, %mul3A_55 : i32
      %swap3A = arith.index_cast %select_n3A : i32 to index
      %swap3A_57 = arith.index_cast %mul3A_56 : i32 to index
      %swap3A_58 = tpu.vector_load %arg16[%swap3A, %swap3A_57] {strides = array<i32>} : memref<64x32xf32, #tpu.memory_space<vmem>>, vector<1x16xf32>,
      %swap3A_59 = vector.shape_cast %swap3A_58 : vector<1x16xf32> to vector<16xf32>
      %swap3A_60 = vector.shape_cast %broadcast_in_dim3A_54 : vector<16xf32> to vector<1x16xf32>
      tpu.vector_store %arg16[%swap3A, %swap3A_57], %swap3A_60 {strides = array<i32>} : memref<64x32xf32, #tpu.memory_space<vmem>>, vector<1x16xf32>,
    }
    %scan3A_5 = arith.constant 128 : i32
    %eq3A = arith.constant 0 : i32
    %eq3A_6 = arith.cmpi eq, %arg0, %eq3A : i32
    %convert_element_type3A = arith.extui %eq3A_6 : i1 to i32
    %cond3A = arith.constant 0 : i32
    %cond3A_7 = arith.cmpi ne, %convert_element_type3A, %cond3A : i32
    scf.if %cond3A_7 {
      %scan3A_23 = arith.constant 0 : i32
      %scan3A_24 = arith.constant 0 : i32
      %scan3A_25 = arith.constant 49 : i32
      %scan3A_26 = arith.addi %scan3A_24, %scan3A_25 : i32
      %scan3A_27 = arith.constant 1 : i32
      scf.for %scan3A_42 = %scan3A_24 to %scan3A_26 step %scan3A_27  : i32 {
        %mul3A_43 = arith.constant 64 : i32
        %mul3A_44 = arith.muli %scan3A_42, %mul3A_43 : i32
        %add3A = arith.addi %mul3A_0, %mul3A_44 : i32
        "tpu.region"() ({
          %run_scoped3A = tpu.sem_alloc : memref<!tpu.dma_semaphore, #tpu.memory_space<semaphore_mem>>
          %dma_start3A = arith.constant 0 : i32
          %dma_start3A_45 = tpu.memref_slice %arg12[%add3A, %dma_start3A] : memref<50176x32xf32, #tpu.memory_space<vmem_shared>> -> memref<64x32xf32, #tpu.memory_space<vmem_shared>>
          %dma_start3A_46 = arith.constant 0 : i32
          %dma_start3A_47 = tpu.memref_slice %arg12[%add3A, %dma_start3A_46] : memref<50176x32xf32, #tpu.memory_space<vmem_shared>> -> memref<64x32xf32, #tpu.memory_space<vmem_shared>>
          tpu.enqueue_dma source(%arg16 : memref<64x32xf32, #tpu.memory_space<vmem>>) target(%dma_start3A_47 : memref<64x32xf32, #tpu.memory_space<vmem_shared>>) target_semaphore(%run_scoped3A : memref<!tpu.dma_semaphore, #tpu.memory_space<semaphore_mem>>)
          %dma_wait3A = arith.constant 0 : i32
          %dma_wait3A_48 = tpu.memref_slice %arg12[%add3A, %dma_wait3A] : memref<50176x32xf32, #tpu.memory_space<vmem_shared>> -> memref<64x32xf32, #tpu.memory_space<vmem_shared>>
          %dma_wait3A_49 = arith.constant 0 : i32
          %dma_wait3A_50 = tpu.memref_slice %arg12[%add3A, %dma_wait3A_49] : memref<50176x32xf32, #tpu.memory_space<vmem_shared>> -> memref<64x32xf32, #tpu.memory_space<vmem_shared>>
          tpu.wait_dma2 semaphore(%run_scoped3A : memref<!tpu.dma_semaphore, #tpu.memory_space<semaphore_mem>>) src(%arg16 : memref<64x32xf32, #tpu.memory_space<vmem>>) dst(%dma_wait3A_50 : memref<64x32xf32, #tpu.memory_space<vmem_shared>>)
          tpu.yield
        }) : () -> ()
      }
      %scan3A_28 = arith.constant 49 : i32
      %barrier3A = arith.constant 0 : index
      tpu.barrier barrier_id(%barrier3A)
      %scan3A_29 = arith.constant 0 : i32
      %scan3A_30 = arith.constant 0 : i32
      %scan3A_31 = arith.constant 10 : i32
      %scan3A_32 = arith.addi %scan3A_30, %scan3A_31 : i32
      %scan3A_33 = arith.constant 1 : i32
      scf.for %scan3A_42 = %scan3A_30 to %scan3A_32 step %scan3A_33  : i32 {
        %mul3A_43 = arith.constant 400 : i32
        %mul3A_44 = arith.muli %arg1, %mul3A_43 : i32
        %mul3A_45 = arith.constant 40 : i32
        %mul3A_46 = arith.muli %scan3A_42, %mul3A_45 : i32
        %add3A = arith.addi %mul3A_44, %mul3A_46 : i32
        "tpu.region"() ({
          %run_scoped3A = tpu.sem_alloc : memref<!tpu.dma_semaphore, #tpu.memory_space<semaphore_mem>>
          %dma_start3A = arith.constant 0 : i32
          %dma_start3A_52 = tpu.memref_slice %arg6[%add3A, %dma_start3A] : memref<6400x128xi32, #tpu.memory_space<hbm>> -> memref<40x128xi32, #tpu.memory_space<hbm>>
          %dma_start3A_53 = arith.constant 0 : i32
          %dma_start3A_54 = tpu.memref_slice %arg6[%add3A, %dma_start3A_53] : memref<6400x128xi32, #tpu.memory_space<hbm>> -> memref<40x128xi32, #tpu.memory_space<hbm>>
          tpu.enqueue_dma source(%dma_start3A_54 : memref<40x128xi32, #tpu.memory_space<hbm>>) target(%arg13 : memref<40x128xi32, #tpu.memory_space<vmem>>) target_semaphore(%run_scoped3A : memref<!tpu.dma_semaphore, #tpu.memory_space<semaphore_mem>>)
          %dma_wait3A = arith.constant 0 : i32
          %dma_wait3A_55 = tpu.memref_slice %arg6[%add3A, %dma_wait3A] : memref<6400x128xi32, #tpu.memory_space<hbm>> -> memref<40x128xi32, #tpu.memory_space<hbm>>
          %dma_wait3A_56 = arith.constant 0 : i32
          %dma_wait3A_57 = tpu.memref_slice %arg6[%add3A, %dma_wait3A_56] : memref<6400x128xi32, #tpu.memory_space<hbm>> -> memref<40x128xi32, #tpu.memory_space<hbm>>
          tpu.wait_dma2 semaphore(%run_scoped3A : memref<!tpu.dma_semaphore, #tpu.memory_space<semaphore_mem>>) src(%dma_wait3A_57 : memref<40x128xi32, #tpu.memory_space<hbm>>) dst(%arg13 : memref<40x128xi32, #tpu.memory_space<vmem>>)
          tpu.yield
        }) : () -> ()
        "tpu.region"() ({
          %run_scoped3A = tpu.sem_alloc : memref<!tpu.dma_semaphore, #tpu.memory_space<semaphore_mem>>
          %dma_start3A = arith.constant 0 : i32
          %dma_start3A_52 = tpu.memref_slice %arg7[%add3A, %dma_start3A] : memref<6400x128xi32, #tpu.memory_space<hbm>> -> memref<40x128xi32, #tpu.memory_space<hbm>>
          %dma_start3A_53 = arith.constant 0 : i32
          %dma_start3A_54 = tpu.memref_slice %arg7[%add3A, %dma_start3A_53] : memref<6400x128xi32, #tpu.memory_space<hbm>> -> memref<40x128xi32, #tpu.memory_space<hbm>>
          tpu.enqueue_dma source(%dma_start3A_54 : memref<40x128xi32, #tpu.memory_space<hbm>>) target(%arg14 : memref<40x128xi32, #tpu.memory_space<vmem>>) target_semaphore(%run_scoped3A : memref<!tpu.dma_semaphore, #tpu.memory_space<semaphore_mem>>)
          %dma_wait3A = arith.constant 0 : i32
          %dma_wait3A_55 = tpu.memref_slice %arg7[%add3A, %dma_wait3A] : memref<6400x128xi32, #tpu.memory_space<hbm>> -> memref<40x128xi32, #tpu.memory_space<hbm>>
          %dma_wait3A_56 = arith.constant 0 : i32
          %dma_wait3A_57 = tpu.memref_slice %arg7[%add3A, %dma_wait3A_56] : memref<6400x128xi32, #tpu.memory_space<hbm>> -> memref<40x128xi32, #tpu.memory_space<hbm>>
          tpu.wait_dma2 semaphore(%run_scoped3A : memref<!tpu.dma_semaphore, #tpu.memory_space<semaphore_mem>>) src(%dma_wait3A_57 : memref<40x128xi32, #tpu.memory_space<hbm>>) dst(%arg14 : memref<40x128xi32, #tpu.memory_space<vmem>>)
          tpu.yield
        }) : () -> ()
        %scan3A_47 = arith.constant 0 : i32
        %scan3A_48 = arith.constant 40 : i32
        %scan3A_49 = arith.addi %scan3A_47, %scan3A_48 : i32
        %scan3A_50 = arith.constant 1 : i32
        scf.for %scan3A_52 = %scan3A_47 to %scan3A_49 step %scan3A_50  : i32 {
          "tpu.region"() ({
            %run_scoped3A = tpu.sem_alloc : memref<!tpu.dma_semaphore, #tpu.memory_space<semaphore_mem>>
            %dma_start3A = arith.constant 0 : i32
            %dma_start3A_53 = tpu.memref_slice %arg13[%scan3A_52, %dma_start3A] : memref<40x128xi32, #tpu.memory_space<vmem>> -> memref<1x128xi32, #tpu.memory_space<vmem>>
            %dma_start3A_54 = tpu.memref_squeeze %dma_start3A_53 : memref<1x128xi32, #tpu.memory_space<vmem>> -> memref<128xi32, #tpu.memory_space<vmem>>
            %dma_start3A_55 = arith.constant 0 : i32
            %dma_start3A_56 = arith.constant 0 : i32
            %dma_start3A_57 = tpu.memref_slice %arg2[%dma_start3A_55, %dma_start3A_56] : memref<50176x32xf32, #tpu.memory_space<hbm>> -> memref<50176x32xf32, #tpu.memory_space<hbm>>
            tpu.enqueue_indirect_dma source(%dma_start3A_57 : memref<50176x32xf32, #tpu.memory_space<hbm>>) target(%arg15 : memref<128x32xf32, #tpu.memory_space<vmem>>) offsets(%dma_start3A_54 : memref<128xi32, #tpu.memory_space<vmem>>) semaphore(%run_scoped3A : memref<!tpu.dma_semaphore, #tpu.memory_space<semaphore_mem>>)
            %dma_wait3A = arith.constant 0 : i32
            %dma_wait3A_58 = tpu.memref_slice %arg13[%scan3A_52, %dma_wait3A] : memref<40x128xi32, #tpu.memory_space<vmem>> -> memref<1x128xi32, #tpu.memory_space<vmem>>
            %dma_wait3A_59 = tpu.memref_squeeze %dma_wait3A_58 : memref<1x128xi32, #tpu.memory_space<vmem>> -> memref<128xi32, #tpu.memory_space<vmem>>
            %dma_wait3A_60 = arith.constant 0 : i32
            %dma_wait3A_61 = arith.constant 0 : i32
            %dma_wait3A_62 = tpu.memref_slice %arg2[%dma_wait3A_60, %dma_wait3A_61] : memref<50176x32xf32, #tpu.memory_space<hbm>> -> memref<50176x32xf32, #tpu.memory_space<hbm>>
            tpu.wait_indirect_dma semaphore(%run_scoped3A : memref<!tpu.dma_semaphore, #tpu.memory_space<semaphore_mem>>) src(%dma_wait3A_62 : memref<50176x32xf32, #tpu.memory_space<hbm>>) dst(%arg15 : memref<128x32xf32, #tpu.memory_space<vmem>>)
            tpu.yield
          }) : () -> ()
          "tpu.region"() ({
            %run_scoped3A = tpu.sem_alloc : memref<!tpu.dma_semaphore, #tpu.memory_space<semaphore_mem>>
            %dma_start3A = arith.constant 0 : i32
            %dma_start3A_53 = tpu.memref_slice %arg14[%scan3A_52, %dma_start3A] : memref<40x128xi32, #tpu.memory_space<vmem>> -> memref<1x128xi32, #tpu.memory_space<vmem>>
            %dma_start3A_54 = tpu.memref_squeeze %dma_start3A_53 : memref<1x128xi32, #tpu.memory_space<vmem>> -> memref<128xi32, #tpu.memory_space<vmem>>
            %dma_start3A_55 = arith.constant 0 : i32
            %dma_start3A_56 = arith.constant 0 : i32
            %dma_start3A_57 = tpu.memref_slice %arg12[%dma_start3A_55, %dma_start3A_56] : memref<50176x32xf32, #tpu.memory_space<vmem_shared>> -> memref<50176x32xf32, #tpu.memory_space<vmem_shared>>
            tpu.enqueue_indirect_dma source(%arg15 : memref<128x32xf32, #tpu.memory_space<vmem>>) target(%dma_start3A_57 : memref<50176x32xf32, #tpu.memory_space<vmem_shared>>) offsets(%dma_start3A_54 : memref<128xi32, #tpu.memory_space<vmem>>) semaphore(%run_scoped3A : memref<!tpu.dma_semaphore, #tpu.memory_space<semaphore_mem>>) {add = true}
            %dma_wait3A = arith.constant 0 : i32
            %dma_wait3A_58 = tpu.memref_slice %arg14[%scan3A_52, %dma_wait3A] : memref<40x128xi32, #tpu.memory_space<vmem>> -> memref<1x128xi32, #tpu.memory_space<vmem>>
            %dma_wait3A_59 = tpu.memref_squeeze %dma_wait3A_58 : memref<1x128xi32, #tpu.memory_space<vmem>> -> memref<128xi32, #tpu.memory_space<vmem>>
            %dma_wait3A_60 = arith.constant 0 : i32
            %dma_wait3A_61 = arith.constant 0 : i32
            %dma_wait3A_62 = tpu.memref_slice %arg12[%dma_wait3A_60, %dma_wait3A_61] : memref<50176x32xf32, #tpu.memory_space<vmem_shared>> -> memref<50176x32xf32, #tpu.memory_space<vmem_shared>>
            tpu.wait_indirect_dma semaphore(%run_scoped3A : memref<!tpu.dma_semaphore, #tpu.memory_space<semaphore_mem>>) src(%arg15 : memref<128x32xf32, #tpu.memory_space<vmem>>) dst(%dma_wait3A_62 : memref<50176x32xf32, #tpu.memory_space<vmem_shared>>)
            tpu.yield
          }) : () -> ()
        }
        %scan3A_51 = arith.constant 40 : i32
      }
      %scan3A_34 = arith.constant 10 : i32
      %barrier3A_35 = arith.constant 0 : index
      tpu.barrier barrier_id(%barrier3A_35)
      %scan3A_36 = arith.constant 0 : i32
      %scan3A_37 = arith.constant 0 : i32
      %scan3A_38 = arith.constant 49 : i32
      %scan3A_39 = arith.addi %scan3A_37, %scan3A_38 : i32
      %scan3A_40 = arith.constant 1 : i32
      scf.for %scan3A_42 = %scan3A_37 to %scan3A_39 step %scan3A_40  : i32 {
        %mul3A_43 = arith.constant 64 : i32
        %mul3A_44 = arith.muli %scan3A_42, %mul3A_43 : i32
        %add3A = arith.addi %mul3A_0, %mul3A_44 : i32
        "tpu.region"() ({
          %run_scoped3A = tpu.sem_alloc : memref<!tpu.dma_semaphore, #tpu.memory_space<semaphore_mem>>
          %dma_start3A = arith.constant 0 : i32
          %dma_start3A_48 = tpu.memref_slice %arg12[%add3A, %dma_start3A] : memref<50176x32xf32, #tpu.memory_space<vmem_shared>> -> memref<64x32xf32, #tpu.memory_space<vmem_shared>>
          %dma_start3A_49 = arith.constant 0 : i32
          %dma_start3A_50 = tpu.memref_slice %arg12[%add3A, %dma_start3A_49] : memref<50176x32xf32, #tpu.memory_space<vmem_shared>> -> memref<64x32xf32, #tpu.memory_space<vmem_shared>>
          tpu.enqueue_dma source(%dma_start3A_50 : memref<64x32xf32, #tpu.memory_space<vmem_shared>>) target(%arg17 : memref<64x32xf32, #tpu.memory_space<vmem>>) target_semaphore(%run_scoped3A : memref<!tpu.dma_semaphore, #tpu.memory_space<semaphore_mem>>)
          %dma_wait3A = arith.constant 0 : i32
          %dma_wait3A_51 = tpu.memref_slice %arg12[%add3A, %dma_wait3A] : memref<50176x32xf32, #tpu.memory_space<vmem_shared>> -> memref<64x32xf32, #tpu.memory_space<vmem_shared>>
          %dma_wait3A_52 = arith.constant 0 : i32
          %dma_wait3A_53 = tpu.memref_slice %arg12[%add3A, %dma_wait3A_52] : memref<50176x32xf32, #tpu.memory_space<vmem_shared>> -> memref<64x32xf32, #tpu.memory_space<vmem_shared>>
          tpu.wait_dma2 semaphore(%run_scoped3A : memref<!tpu.dma_semaphore, #tpu.memory_space<semaphore_mem>>) src(%dma_wait3A_53 : memref<64x32xf32, #tpu.memory_space<vmem_shared>>) dst(%arg17 : memref<64x32xf32, #tpu.memory_space<vmem>>)
          tpu.yield
        }) : () -> ()
        %mul3A_45 = arith.constant 64 : i32
        %mul3A_46 = arith.muli %scan3A_42, %mul3A_45 : i32
        %add3A_47 = arith.addi %mul3A_0, %mul3A_46 : i32
        "tpu.region"() ({
          %run_scoped3A = tpu.sem_alloc : memref<!tpu.dma_semaphore, #tpu.memory_space<semaphore_mem>>
          %dma_start3A = arith.constant 0 : i32
          %dma_start3A_48 = tpu.memref_slice %arg8[%add3A_47, %dma_start3A] : memref<50176x32xf32, #tpu.memory_space<hbm>> -> memref<64x32xf32, #tpu.memory_space<hbm>>
          %dma_start3A_49 = arith.constant 0 : i32
          %dma_start3A_50 = tpu.memref_slice %arg8[%add3A_47, %dma_start3A_49] : memref<50176x32xf32, #tpu.memory_space<hbm>> -> memref<64x32xf32, #tpu.memory_space<hbm>>
          tpu.enqueue_dma source(%arg17 : memref<64x32xf32, #tpu.memory_space<vmem>>) target(%dma_start3A_50 : memref<64x32xf32, #tpu.memory_space<hbm>>) target_semaphore(%run_scoped3A : memref<!tpu.dma_semaphore, #tpu.memory_space<semaphore_mem>>)
          %dma_wait3A = arith.constant 0 : i32
          %dma_wait3A_51 = tpu.memref_slice %arg8[%add3A_47, %dma_wait3A] : memref<50176x32xf32, #tpu.memory_space<hbm>> -> memref<64x32xf32, #tpu.memory_space<hbm>>
          %dma_wait3A_52 = arith.constant 0 : i32
          %dma_wait3A_53 = tpu.memref_slice %arg8[%add3A_47, %dma_wait3A_52] : memref<50176x32xf32, #tpu.memory_space<hbm>> -> memref<64x32xf32, #tpu.memory_space<hbm>>
          tpu.wait_dma2 semaphore(%run_scoped3A : memref<!tpu.dma_semaphore, #tpu.memory_space<semaphore_mem>>) src(%arg17 : memref<64x32xf32, #tpu.memory_space<vmem>>) dst(%dma_wait3A_53 : memref<64x32xf32, #tpu.memory_space<hbm>>)
          tpu.yield
        }) : () -> ()
      }
      %scan3A_41 = arith.constant 49 : i32
    } else {
    }
    %eq3A_8 = arith.constant 0 : i32
    %eq3A_9 = arith.cmpi eq, %arg0, %eq3A_8 : i32
    %convert_element_type3A_10 = arith.extui %eq3A_9 : i1 to i32
    %cond3A_11 = arith.constant 0 : i32
    %cond3A_12 = arith.cmpi ne, %convert_element_type3A_10, %cond3A_11 : i32
    scf.if %cond3A_12 {
      %scan3A_23 = arith.constant 0 : i32
      %scan3A_24 = arith.constant 0 : i32
      %scan3A_25 = arith.constant 49 : i32
      %scan3A_26 = arith.addi %scan3A_24, %scan3A_25 : i32
      %scan3A_27 = arith.constant 1 : i32
      scf.for %scan3A_42 = %scan3A_24 to %scan3A_26 step %scan3A_27  : i32 {
        %mul3A_43 = arith.constant 64 : i32
        %mul3A_44 = arith.muli %scan3A_42, %mul3A_43 : i32
        %add3A = arith.addi %mul3A_0, %mul3A_44 : i32
        "tpu.region"() ({
          %run_scoped3A = tpu.sem_alloc : memref<!tpu.dma_semaphore, #tpu.memory_space<semaphore_mem>>
          %dma_start3A = arith.constant 0 : i32
          %dma_start3A_45 = tpu.memref_slice %arg12[%add3A, %dma_start3A] : memref<50176x32xf32, #tpu.memory_space<vmem_shared>> -> memref<64x32xf32, #tpu.memory_space<vmem_shared>>
          %dma_start3A_46 = arith.constant 0 : i32
          %dma_start3A_47 = tpu.memref_slice %arg12[%add3A, %dma_start3A_46] : memref<50176x32xf32, #tpu.memory_space<vmem_shared>> -> memref<64x32xf32, #tpu.memory_space<vmem_shared>>
          tpu.enqueue_dma source(%arg16 : memref<64x32xf32, #tpu.memory_space<vmem>>) target(%dma_start3A_47 : memref<64x32xf32, #tpu.memory_space<vmem_shared>>) target_semaphore(%run_scoped3A : memref<!tpu.dma_semaphore, #tpu.memory_space<semaphore_mem>>)
          %dma_wait3A = arith.constant 0 : i32
          %dma_wait3A_48 = tpu.memref_slice %arg12[%add3A, %dma_wait3A] : memref<50176x32xf32, #tpu.memory_space<vmem_shared>> -> memref<64x32xf32, #tpu.memory_space<vmem_shared>>
          %dma_wait3A_49 = arith.constant 0 : i32
          %dma_wait3A_50 = tpu.memref_slice %arg12[%add3A, %dma_wait3A_49] : memref<50176x32xf32, #tpu.memory_space<vmem_shared>> -> memref<64x32xf32, #tpu.memory_space<vmem_shared>>
          tpu.wait_dma2 semaphore(%run_scoped3A : memref<!tpu.dma_semaphore, #tpu.memory_space<semaphore_mem>>) src(%arg16 : memref<64x32xf32, #tpu.memory_space<vmem>>) dst(%dma_wait3A_50 : memref<64x32xf32, #tpu.memory_space<vmem_shared>>)
          tpu.yield
        }) : () -> ()
      }
      %scan3A_28 = arith.constant 49 : i32
      %barrier3A = arith.constant 0 : index
      tpu.barrier barrier_id(%barrier3A)
      %scan3A_29 = arith.constant 0 : i32
      %scan3A_30 = arith.constant 0 : i32
      %scan3A_31 = arith.constant 10 : i32
      %scan3A_32 = arith.addi %scan3A_30, %scan3A_31 : i32
      %scan3A_33 = arith.constant 1 : i32
      scf.for %scan3A_42 = %scan3A_30 to %scan3A_32 step %scan3A_33  : i32 {
        %mul3A_43 = arith.constant 400 : i32
        %mul3A_44 = arith.muli %arg1, %mul3A_43 : i32
        %mul3A_45 = arith.constant 40 : i32
        %mul3A_46 = arith.muli %scan3A_42, %mul3A_45 : i32
        %add3A = arith.addi %mul3A_44, %mul3A_46 : i32
        "tpu.region"() ({
          %run_scoped3A = tpu.sem_alloc : memref<!tpu.dma_semaphore, #tpu.memory_space<semaphore_mem>>
          %dma_start3A = arith.constant 0 : i32
          %dma_start3A_52 = tpu.memref_slice %arg6[%add3A, %dma_start3A] : memref<6400x128xi32, #tpu.memory_space<hbm>> -> memref<40x128xi32, #tpu.memory_space<hbm>>
          %dma_start3A_53 = arith.constant 0 : i32
          %dma_start3A_54 = tpu.memref_slice %arg6[%add3A, %dma_start3A_53] : memref<6400x128xi32, #tpu.memory_space<hbm>> -> memref<40x128xi32, #tpu.memory_space<hbm>>
          tpu.enqueue_dma source(%dma_start3A_54 : memref<40x128xi32, #tpu.memory_space<hbm>>) target(%arg13 : memref<40x128xi32, #tpu.memory_space<vmem>>) target_semaphore(%run_scoped3A : memref<!tpu.dma_semaphore, #tpu.memory_space<semaphore_mem>>)
          %dma_wait3A = arith.constant 0 : i32
          %dma_wait3A_55 = tpu.memref_slice %arg6[%add3A, %dma_wait3A] : memref<6400x128xi32, #tpu.memory_space<hbm>> -> memref<40x128xi32, #tpu.memory_space<hbm>>
          %dma_wait3A_56 = arith.constant 0 : i32
          %dma_wait3A_57 = tpu.memref_slice %arg6[%add3A, %dma_wait3A_56] : memref<6400x128xi32, #tpu.memory_space<hbm>> -> memref<40x128xi32, #tpu.memory_space<hbm>>
          tpu.wait_dma2 semaphore(%run_scoped3A : memref<!tpu.dma_semaphore, #tpu.memory_space<semaphore_mem>>) src(%dma_wait3A_57 : memref<40x128xi32, #tpu.memory_space<hbm>>) dst(%arg13 : memref<40x128xi32, #tpu.memory_space<vmem>>)
          tpu.yield
        }) : () -> ()
        "tpu.region"() ({
          %run_scoped3A = tpu.sem_alloc : memref<!tpu.dma_semaphore, #tpu.memory_space<semaphore_mem>>
          %dma_start3A = arith.constant 0 : i32
          %dma_start3A_52 = tpu.memref_slice %arg7[%add3A, %dma_start3A] : memref<6400x128xi32, #tpu.memory_space<hbm>> -> memref<40x128xi32, #tpu.memory_space<hbm>>
          %dma_start3A_53 = arith.constant 0 : i32
          %dma_start3A_54 = tpu.memref_slice %arg7[%add3A, %dma_start3A_53] : memref<6400x128xi32, #tpu.memory_space<hbm>> -> memref<40x128xi32, #tpu.memory_space<hbm>>
          tpu.enqueue_dma source(%dma_start3A_54 : memref<40x128xi32, #tpu.memory_space<hbm>>) target(%arg14 : memref<40x128xi32, #tpu.memory_space<vmem>>) target_semaphore(%run_scoped3A : memref<!tpu.dma_semaphore, #tpu.memory_space<semaphore_mem>>)
          %dma_wait3A = arith.constant 0 : i32
          %dma_wait3A_55 = tpu.memref_slice %arg7[%add3A, %dma_wait3A] : memref<6400x128xi32, #tpu.memory_space<hbm>> -> memref<40x128xi32, #tpu.memory_space<hbm>>
          %dma_wait3A_56 = arith.constant 0 : i32
          %dma_wait3A_57 = tpu.memref_slice %arg7[%add3A, %dma_wait3A_56] : memref<6400x128xi32, #tpu.memory_space<hbm>> -> memref<40x128xi32, #tpu.memory_space<hbm>>
          tpu.wait_dma2 semaphore(%run_scoped3A : memref<!tpu.dma_semaphore, #tpu.memory_space<semaphore_mem>>) src(%dma_wait3A_57 : memref<40x128xi32, #tpu.memory_space<hbm>>) dst(%arg14 : memref<40x128xi32, #tpu.memory_space<vmem>>)
          tpu.yield
        }) : () -> ()
        %scan3A_47 = arith.constant 0 : i32
        %scan3A_48 = arith.constant 40 : i32
        %scan3A_49 = arith.addi %scan3A_47, %scan3A_48 : i32
        %scan3A_50 = arith.constant 1 : i32
        scf.for %scan3A_52 = %scan3A_47 to %scan3A_49 step %scan3A_50  : i32 {
          "tpu.region"() ({
            %run_scoped3A = tpu.sem_alloc : memref<!tpu.dma_semaphore, #tpu.memory_space<semaphore_mem>>
            %dma_start3A = arith.constant 0 : i32
            %dma_start3A_53 = tpu.memref_slice %arg13[%scan3A_52, %dma_start3A] : memref<40x128xi32, #tpu.memory_space<vmem>> -> memref<1x128xi32, #tpu.memory_space<vmem>>
            %dma_start3A_54 = tpu.memref_squeeze %dma_start3A_53 : memref<1x128xi32, #tpu.memory_space<vmem>> -> memref<128xi32, #tpu.memory_space<vmem>>
            %dma_start3A_55 = arith.constant 0 : i32
            %dma_start3A_56 = arith.constant 0 : i32
            %dma_start3A_57 = tpu.memref_slice %arg3[%dma_start3A_55, %dma_start3A_56] : memref<50176x32xf32, #tpu.memory_space<hbm>> -> memref<50176x32xf32, #tpu.memory_space<hbm>>
            tpu.enqueue_indirect_dma source(%dma_start3A_57 : memref<50176x32xf32, #tpu.memory_space<hbm>>) target(%arg15 : memref<128x32xf32, #tpu.memory_space<vmem>>) offsets(%dma_start3A_54 : memref<128xi32, #tpu.memory_space<vmem>>) semaphore(%run_scoped3A : memref<!tpu.dma_semaphore, #tpu.memory_space<semaphore_mem>>)
            %dma_wait3A = arith.constant 0 : i32
            %dma_wait3A_58 = tpu.memref_slice %arg13[%scan3A_52, %dma_wait3A] : memref<40x128xi32, #tpu.memory_space<vmem>> -> memref<1x128xi32, #tpu.memory_space<vmem>>
            %dma_wait3A_59 = tpu.memref_squeeze %dma_wait3A_58 : memref<1x128xi32, #tpu.memory_space<vmem>> -> memref<128xi32, #tpu.memory_space<vmem>>
            %dma_wait3A_60 = arith.constant 0 : i32
            %dma_wait3A_61 = arith.constant 0 : i32
            %dma_wait3A_62 = tpu.memref_slice %arg3[%dma_wait3A_60, %dma_wait3A_61] : memref<50176x32xf32, #tpu.memory_space<hbm>> -> memref<50176x32xf32, #tpu.memory_space<hbm>>
            tpu.wait_indirect_dma semaphore(%run_scoped3A : memref<!tpu.dma_semaphore, #tpu.memory_space<semaphore_mem>>) src(%dma_wait3A_62 : memref<50176x32xf32, #tpu.memory_space<hbm>>) dst(%arg15 : memref<128x32xf32, #tpu.memory_space<vmem>>)
            tpu.yield
          }) : () -> ()
          "tpu.region"() ({
            %run_scoped3A = tpu.sem_alloc : memref<!tpu.dma_semaphore, #tpu.memory_space<semaphore_mem>>
            %dma_start3A = arith.constant 0 : i32
            %dma_start3A_53 = tpu.memref_slice %arg14[%scan3A_52, %dma_start3A] : memref<40x128xi32, #tpu.memory_space<vmem>> -> memref<1x128xi32, #tpu.memory_space<vmem>>
            %dma_start3A_54 = tpu.memref_squeeze %dma_start3A_53 : memref<1x128xi32, #tpu.memory_space<vmem>> -> memref<128xi32, #tpu.memory_space<vmem>>
            %dma_start3A_55 = arith.constant 0 : i32
            %dma_start3A_56 = arith.constant 0 : i32
            %dma_start3A_57 = tpu.memref_slice %arg12[%dma_start3A_55, %dma_start3A_56] : memref<50176x32xf32, #tpu.memory_space<vmem_shared>> -> memref<50176x32xf32, #tpu.memory_space<vmem_shared>>
            tpu.enqueue_indirect_dma source(%arg15 : memref<128x32xf32, #tpu.memory_space<vmem>>) target(%dma_start3A_57 : memref<50176x32xf32, #tpu.memory_space<vmem_shared>>) offsets(%dma_start3A_54 : memref<128xi32, #tpu.memory_space<vmem>>) semaphore(%run_scoped3A : memref<!tpu.dma_semaphore, #tpu.memory_space<semaphore_mem>>) {add = true}
            %dma_wait3A = arith.constant 0 : i32
            %dma_wait3A_58 = tpu.memref_slice %arg14[%scan3A_52, %dma_wait3A] : memref<40x128xi32, #tpu.memory_space<vmem>> -> memref<1x128xi32, #tpu.memory_space<vmem>>
            %dma_wait3A_59 = tpu.memref_squeeze %dma_wait3A_58 : memref<1x128xi32, #tpu.memory_space<vmem>> -> memref<128xi32, #tpu.memory_space<vmem>>
            %dma_wait3A_60 = arith.constant 0 : i32
            %dma_wait3A_61 = arith.constant 0 : i32
            %dma_wait3A_62 = tpu.memref_slice %arg12[%dma_wait3A_60, %dma_wait3A_61] : memref<50176x32xf32, #tpu.memory_space<vmem_shared>> -> memref<50176x32xf32, #tpu.memory_space<vmem_shared>>
            tpu.wait_indirect_dma semaphore(%run_scoped3A : memref<!tpu.dma_semaphore, #tpu.memory_space<semaphore_mem>>) src(%arg15 : memref<128x32xf32, #tpu.memory_space<vmem>>) dst(%dma_wait3A_62 : memref<50176x32xf32, #tpu.memory_space<vmem_shared>>)
            tpu.yield
          }) : () -> ()
        }
        %scan3A_51 = arith.constant 40 : i32
      }
      %scan3A_34 = arith.constant 10 : i32
      %barrier3A_35 = arith.constant 0 : index
      tpu.barrier barrier_id(%barrier3A_35)
      %scan3A_36 = arith.constant 0 : i32
      %scan3A_37 = arith.constant 0 : i32
      %scan3A_38 = arith.constant 49 : i32
      %scan3A_39 = arith.addi %scan3A_37, %scan3A_38 : i32
      %scan3A_40 = arith.constant 1 : i32
      scf.for %scan3A_42 = %scan3A_37 to %scan3A_39 step %scan3A_40  : i32 {
        %mul3A_43 = arith.constant 64 : i32
        %mul3A_44 = arith.muli %scan3A_42, %mul3A_43 : i32
        %add3A = arith.addi %mul3A_0, %mul3A_44 : i32
        "tpu.region"() ({
          %run_scoped3A = tpu.sem_alloc : memref<!tpu.dma_semaphore, #tpu.memory_space<semaphore_mem>>
          %dma_start3A = arith.constant 0 : i32
          %dma_start3A_48 = tpu.memref_slice %arg12[%add3A, %dma_start3A] : memref<50176x32xf32, #tpu.memory_space<vmem_shared>> -> memref<64x32xf32, #tpu.memory_space<vmem_shared>>
          %dma_start3A_49 = arith.constant 0 : i32
          %dma_start3A_50 = tpu.memref_slice %arg12[%add3A, %dma_start3A_49] : memref<50176x32xf32, #tpu.memory_space<vmem_shared>> -> memref<64x32xf32, #tpu.memory_space<vmem_shared>>
          tpu.enqueue_dma source(%dma_start3A_50 : memref<64x32xf32, #tpu.memory_space<vmem_shared>>) target(%arg17 : memref<64x32xf32, #tpu.memory_space<vmem>>) target_semaphore(%run_scoped3A : memref<!tpu.dma_semaphore, #tpu.memory_space<semaphore_mem>>)
          %dma_wait3A = arith.constant 0 : i32
          %dma_wait3A_51 = tpu.memref_slice %arg12[%add3A, %dma_wait3A] : memref<50176x32xf32, #tpu.memory_space<vmem_shared>> -> memref<64x32xf32, #tpu.memory_space<vmem_shared>>
          %dma_wait3A_52 = arith.constant 0 : i32
          %dma_wait3A_53 = tpu.memref_slice %arg12[%add3A, %dma_wait3A_52] : memref<50176x32xf32, #tpu.memory_space<vmem_shared>> -> memref<64x32xf32, #tpu.memory_space<vmem_shared>>
          tpu.wait_dma2 semaphore(%run_scoped3A : memref<!tpu.dma_semaphore, #tpu.memory_space<semaphore_mem>>) src(%dma_wait3A_53 : memref<64x32xf32, #tpu.memory_space<vmem_shared>>) dst(%arg17 : memref<64x32xf32, #tpu.memory_space<vmem>>)
          tpu.yield
        }) : () -> ()
        %mul3A_45 = arith.constant 64 : i32
        %mul3A_46 = arith.muli %scan3A_42, %mul3A_45 : i32
        %add3A_47 = arith.addi %mul3A_0, %mul3A_46 : i32
        "tpu.region"() ({
          %run_scoped3A = tpu.sem_alloc : memref<!tpu.dma_semaphore, #tpu.memory_space<semaphore_mem>>
          %dma_start3A = arith.constant 0 : i32
          %dma_start3A_48 = tpu.memref_slice %arg9[%add3A_47, %dma_start3A] : memref<50176x32xf32, #tpu.memory_space<hbm>> -> memref<64x32xf32, #tpu.memory_space<hbm>>
          %dma_start3A_49 = arith.constant 0 : i32
          %dma_start3A_50 = tpu.memref_slice %arg9[%add3A_47, %dma_start3A_49] : memref<50176x32xf32, #tpu.memory_space<hbm>> -> memref<64x32xf32, #tpu.memory_space<hbm>>
          tpu.enqueue_dma source(%arg17 : memref<64x32xf32, #tpu.memory_space<vmem>>) target(%dma_start3A_50 : memref<64x32xf32, #tpu.memory_space<hbm>>) target_semaphore(%run_scoped3A : memref<!tpu.dma_semaphore, #tpu.memory_space<semaphore_mem>>)
          %dma_wait3A = arith.constant 0 : i32
          %dma_wait3A_51 = tpu.memref_slice %arg9[%add3A_47, %dma_wait3A] : memref<50176x32xf32, #tpu.memory_space<hbm>> -> memref<64x32xf32, #tpu.memory_space<hbm>>
          %dma_wait3A_52 = arith.constant 0 : i32
          %dma_wait3A_53 = tpu.memref_slice %arg9[%add3A_47, %dma_wait3A_52] : memref<50176x32xf32, #tpu.memory_space<hbm>> -> memref<64x32xf32, #tpu.memory_space<hbm>>
          tpu.wait_dma2 semaphore(%run_scoped3A : memref<!tpu.dma_semaphore, #tpu.memory_space<semaphore_mem>>) src(%arg17 : memref<64x32xf32, #tpu.memory_space<vmem>>) dst(%dma_wait3A_53 : memref<64x32xf32, #tpu.memory_space<hbm>>)
          tpu.yield
        }) : () -> ()
      }
      %scan3A_41 = arith.constant 49 : i32
    } else {
    }
    %eq3A_13 = arith.constant 1 : i32
    %eq3A_14 = arith.cmpi eq, %arg0, %eq3A_13 : i32
    %convert_element_type3A_15 = arith.extui %eq3A_14 : i1 to i32
    %cond3A_16 = arith.constant 0 : i32
    %cond3A_17 = arith.cmpi ne, %convert_element_type3A_15, %cond3A_16 : i32
    scf.if %cond3A_17 {
      %scan3A_23 = arith.constant 0 : i32
      %scan3A_24 = arith.constant 0 : i32
      %scan3A_25 = arith.constant 49 : i32
      %scan3A_26 = arith.addi %scan3A_24, %scan3A_25 : i32
      %scan3A_27 = arith.constant 1 : i32
      scf.for %scan3A_42 = %scan3A_24 to %scan3A_26 step %scan3A_27  : i32 {
        %mul3A_43 = arith.constant 64 : i32
        %mul3A_44 = arith.muli %scan3A_42, %mul3A_43 : i32
        %add3A = arith.addi %mul3A_0, %mul3A_44 : i32
        "tpu.region"() ({
          %run_scoped3A = tpu.sem_alloc : memref<!tpu.dma_semaphore, #tpu.memory_space<semaphore_mem>>
          %dma_start3A = arith.constant 0 : i32
          %dma_start3A_45 = tpu.memref_slice %arg12[%add3A, %dma_start3A] : memref<50176x32xf32, #tpu.memory_space<vmem_shared>> -> memref<64x32xf32, #tpu.memory_space<vmem_shared>>
          %dma_start3A_46 = arith.constant 0 : i32
          %dma_start3A_47 = tpu.memref_slice %arg12[%add3A, %dma_start3A_46] : memref<50176x32xf32, #tpu.memory_space<vmem_shared>> -> memref<64x32xf32, #tpu.memory_space<vmem_shared>>
          tpu.enqueue_dma source(%arg16 : memref<64x32xf32, #tpu.memory_space<vmem>>) target(%dma_start3A_47 : memref<64x32xf32, #tpu.memory_space<vmem_shared>>) target_semaphore(%run_scoped3A : memref<!tpu.dma_semaphore, #tpu.memory_space<semaphore_mem>>)
          %dma_wait3A = arith.constant 0 : i32
          %dma_wait3A_48 = tpu.memref_slice %arg12[%add3A, %dma_wait3A] : memref<50176x32xf32, #tpu.memory_space<vmem_shared>> -> memref<64x32xf32, #tpu.memory_space<vmem_shared>>
          %dma_wait3A_49 = arith.constant 0 : i32
          %dma_wait3A_50 = tpu.memref_slice %arg12[%add3A, %dma_wait3A_49] : memref<50176x32xf32, #tpu.memory_space<vmem_shared>> -> memref<64x32xf32, #tpu.memory_space<vmem_shared>>
          tpu.wait_dma2 semaphore(%run_scoped3A : memref<!tpu.dma_semaphore, #tpu.memory_space<semaphore_mem>>) src(%arg16 : memref<64x32xf32, #tpu.memory_space<vmem>>) dst(%dma_wait3A_50 : memref<64x32xf32, #tpu.memory_space<vmem_shared>>)
          tpu.yield
        }) : () -> ()
      }
      %scan3A_28 = arith.constant 49 : i32
      %barrier3A = arith.constant 0 : index
      tpu.barrier barrier_id(%barrier3A)
      %scan3A_29 = arith.constant 0 : i32
      %scan3A_30 = arith.constant 0 : i32
      %scan3A_31 = arith.constant 10 : i32
      %scan3A_32 = arith.addi %scan3A_30, %scan3A_31 : i32
      %scan3A_33 = arith.constant 1 : i32
      scf.for %scan3A_42 = %scan3A_30 to %scan3A_32 step %scan3A_33  : i32 {
        %mul3A_43 = arith.constant 400 : i32
        %mul3A_44 = arith.muli %arg1, %mul3A_43 : i32
        %mul3A_45 = arith.constant 40 : i32
        %mul3A_46 = arith.muli %scan3A_42, %mul3A_45 : i32
        %add3A = arith.addi %mul3A_44, %mul3A_46 : i32
        "tpu.region"() ({
          %run_scoped3A = tpu.sem_alloc : memref<!tpu.dma_semaphore, #tpu.memory_space<semaphore_mem>>
          %dma_start3A = arith.constant 0 : i32
          %dma_start3A_52 = tpu.memref_slice %arg6[%add3A, %dma_start3A] : memref<6400x128xi32, #tpu.memory_space<hbm>> -> memref<40x128xi32, #tpu.memory_space<hbm>>
          %dma_start3A_53 = arith.constant 0 : i32
          %dma_start3A_54 = tpu.memref_slice %arg6[%add3A, %dma_start3A_53] : memref<6400x128xi32, #tpu.memory_space<hbm>> -> memref<40x128xi32, #tpu.memory_space<hbm>>
          tpu.enqueue_dma source(%dma_start3A_54 : memref<40x128xi32, #tpu.memory_space<hbm>>) target(%arg13 : memref<40x128xi32, #tpu.memory_space<vmem>>) target_semaphore(%run_scoped3A : memref<!tpu.dma_semaphore, #tpu.memory_space<semaphore_mem>>)
          %dma_wait3A = arith.constant 0 : i32
          %dma_wait3A_55 = tpu.memref_slice %arg6[%add3A, %dma_wait3A] : memref<6400x128xi32, #tpu.memory_space<hbm>> -> memref<40x128xi32, #tpu.memory_space<hbm>>
          %dma_wait3A_56 = arith.constant 0 : i32
          %dma_wait3A_57 = tpu.memref_slice %arg6[%add3A, %dma_wait3A_56] : memref<6400x128xi32, #tpu.memory_space<hbm>> -> memref<40x128xi32, #tpu.memory_space<hbm>>
          tpu.wait_dma2 semaphore(%run_scoped3A : memref<!tpu.dma_semaphore, #tpu.memory_space<semaphore_mem>>) src(%dma_wait3A_57 : memref<40x128xi32, #tpu.memory_space<hbm>>) dst(%arg13 : memref<40x128xi32, #tpu.memory_space<vmem>>)
          tpu.yield
        }) : () -> ()
        "tpu.region"() ({
          %run_scoped3A = tpu.sem_alloc : memref<!tpu.dma_semaphore, #tpu.memory_space<semaphore_mem>>
          %dma_start3A = arith.constant 0 : i32
          %dma_start3A_52 = tpu.memref_slice %arg7[%add3A, %dma_start3A] : memref<6400x128xi32, #tpu.memory_space<hbm>> -> memref<40x128xi32, #tpu.memory_space<hbm>>
          %dma_start3A_53 = arith.constant 0 : i32
          %dma_start3A_54 = tpu.memref_slice %arg7[%add3A, %dma_start3A_53] : memref<6400x128xi32, #tpu.memory_space<hbm>> -> memref<40x128xi32, #tpu.memory_space<hbm>>
          tpu.enqueue_dma source(%dma_start3A_54 : memref<40x128xi32, #tpu.memory_space<hbm>>) target(%arg14 : memref<40x128xi32, #tpu.memory_space<vmem>>) target_semaphore(%run_scoped3A : memref<!tpu.dma_semaphore, #tpu.memory_space<semaphore_mem>>)
          %dma_wait3A = arith.constant 0 : i32
          %dma_wait3A_55 = tpu.memref_slice %arg7[%add3A, %dma_wait3A] : memref<6400x128xi32, #tpu.memory_space<hbm>> -> memref<40x128xi32, #tpu.memory_space<hbm>>
          %dma_wait3A_56 = arith.constant 0 : i32
          %dma_wait3A_57 = tpu.memref_slice %arg7[%add3A, %dma_wait3A_56] : memref<6400x128xi32, #tpu.memory_space<hbm>> -> memref<40x128xi32, #tpu.memory_space<hbm>>
          tpu.wait_dma2 semaphore(%run_scoped3A : memref<!tpu.dma_semaphore, #tpu.memory_space<semaphore_mem>>) src(%dma_wait3A_57 : memref<40x128xi32, #tpu.memory_space<hbm>>) dst(%arg14 : memref<40x128xi32, #tpu.memory_space<vmem>>)
          tpu.yield
        }) : () -> ()
        %scan3A_47 = arith.constant 0 : i32
        %scan3A_48 = arith.constant 40 : i32
        %scan3A_49 = arith.addi %scan3A_47, %scan3A_48 : i32
        %scan3A_50 = arith.constant 1 : i32
        scf.for %scan3A_52 = %scan3A_47 to %scan3A_49 step %scan3A_50  : i32 {
          "tpu.region"() ({
            %run_scoped3A = tpu.sem_alloc : memref<!tpu.dma_semaphore, #tpu.memory_space<semaphore_mem>>
            %dma_start3A = arith.constant 0 : i32
            %dma_start3A_53 = tpu.memref_slice %arg13[%scan3A_52, %dma_start3A] : memref<40x128xi32, #tpu.memory_space<vmem>> -> memref<1x128xi32, #tpu.memory_space<vmem>>
            %dma_start3A_54 = tpu.memref_squeeze %dma_start3A_53 : memref<1x128xi32, #tpu.memory_space<vmem>> -> memref<128xi32, #tpu.memory_space<vmem>>
            %dma_start3A_55 = arith.constant 0 : i32
            %dma_start3A_56 = arith.constant 0 : i32
            %dma_start3A_57 = tpu.memref_slice %arg4[%dma_start3A_55, %dma_start3A_56] : memref<50176x32xf32, #tpu.memory_space<hbm>> -> memref<50176x32xf32, #tpu.memory_space<hbm>>
            tpu.enqueue_indirect_dma source(%dma_start3A_57 : memref<50176x32xf32, #tpu.memory_space<hbm>>) target(%arg15 : memref<128x32xf32, #tpu.memory_space<vmem>>) offsets(%dma_start3A_54 : memref<128xi32, #tpu.memory_space<vmem>>) semaphore(%run_scoped3A : memref<!tpu.dma_semaphore, #tpu.memory_space<semaphore_mem>>)
            %dma_wait3A = arith.constant 0 : i32
            %dma_wait3A_58 = tpu.memref_slice %arg13[%scan3A_52, %dma_wait3A] : memref<40x128xi32, #tpu.memory_space<vmem>> -> memref<1x128xi32, #tpu.memory_space<vmem>>
            %dma_wait3A_59 = tpu.memref_squeeze %dma_wait3A_58 : memref<1x128xi32, #tpu.memory_space<vmem>> -> memref<128xi32, #tpu.memory_space<vmem>>
            %dma_wait3A_60 = arith.constant 0 : i32
            %dma_wait3A_61 = arith.constant 0 : i32
            %dma_wait3A_62 = tpu.memref_slice %arg4[%dma_wait3A_60, %dma_wait3A_61] : memref<50176x32xf32, #tpu.memory_space<hbm>> -> memref<50176x32xf32, #tpu.memory_space<hbm>>
            tpu.wait_indirect_dma semaphore(%run_scoped3A : memref<!tpu.dma_semaphore, #tpu.memory_space<semaphore_mem>>) src(%dma_wait3A_62 : memref<50176x32xf32, #tpu.memory_space<hbm>>) dst(%arg15 : memref<128x32xf32, #tpu.memory_space<vmem>>)
            tpu.yield
          }) : () -> ()
          "tpu.region"() ({
            %run_scoped3A = tpu.sem_alloc : memref<!tpu.dma_semaphore, #tpu.memory_space<semaphore_mem>>
            %dma_start3A = arith.constant 0 : i32
            %dma_start3A_53 = tpu.memref_slice %arg14[%scan3A_52, %dma_start3A] : memref<40x128xi32, #tpu.memory_space<vmem>> -> memref<1x128xi32, #tpu.memory_space<vmem>>
            %dma_start3A_54 = tpu.memref_squeeze %dma_start3A_53 : memref<1x128xi32, #tpu.memory_space<vmem>> -> memref<128xi32, #tpu.memory_space<vmem>>
            %dma_start3A_55 = arith.constant 0 : i32
            %dma_start3A_56 = arith.constant 0 : i32
            %dma_start3A_57 = tpu.memref_slice %arg12[%dma_start3A_55, %dma_start3A_56] : memref<50176x32xf32, #tpu.memory_space<vmem_shared>> -> memref<50176x32xf32, #tpu.memory_space<vmem_shared>>
            tpu.enqueue_indirect_dma source(%arg15 : memref<128x32xf32, #tpu.memory_space<vmem>>) target(%dma_start3A_57 : memref<50176x32xf32, #tpu.memory_space<vmem_shared>>) offsets(%dma_start3A_54 : memref<128xi32, #tpu.memory_space<vmem>>) semaphore(%run_scoped3A : memref<!tpu.dma_semaphore, #tpu.memory_space<semaphore_mem>>) {add = true}
            %dma_wait3A = arith.constant 0 : i32
            %dma_wait3A_58 = tpu.memref_slice %arg14[%scan3A_52, %dma_wait3A] : memref<40x128xi32, #tpu.memory_space<vmem>> -> memref<1x128xi32, #tpu.memory_space<vmem>>
            %dma_wait3A_59 = tpu.memref_squeeze %dma_wait3A_58 : memref<1x128xi32, #tpu.memory_space<vmem>> -> memref<128xi32, #tpu.memory_space<vmem>>
            %dma_wait3A_60 = arith.constant 0 : i32
            %dma_wait3A_61 = arith.constant 0 : i32
            %dma_wait3A_62 = tpu.memref_slice %arg12[%dma_wait3A_60, %dma_wait3A_61] : memref<50176x32xf32, #tpu.memory_space<vmem_shared>> -> memref<50176x32xf32, #tpu.memory_space<vmem_shared>>
            tpu.wait_indirect_dma semaphore(%run_scoped3A : memref<!tpu.dma_semaphore, #tpu.memory_space<semaphore_mem>>) src(%arg15 : memref<128x32xf32, #tpu.memory_space<vmem>>) dst(%dma_wait3A_62 : memref<50176x32xf32, #tpu.memory_space<vmem_shared>>)
            tpu.yield
          }) : () -> ()
        }
        %scan3A_51 = arith.constant 40 : i32
      }
      %scan3A_34 = arith.constant 10 : i32
      %barrier3A_35 = arith.constant 0 : index
      tpu.barrier barrier_id(%barrier3A_35)
      %scan3A_36 = arith.constant 0 : i32
      %scan3A_37 = arith.constant 0 : i32
      %scan3A_38 = arith.constant 49 : i32
      %scan3A_39 = arith.addi %scan3A_37, %scan3A_38 : i32
      %scan3A_40 = arith.constant 1 : i32
      scf.for %scan3A_42 = %scan3A_37 to %scan3A_39 step %scan3A_40  : i32 {
        %mul3A_43 = arith.constant 64 : i32
        %mul3A_44 = arith.muli %scan3A_42, %mul3A_43 : i32
        %add3A = arith.addi %mul3A_0, %mul3A_44 : i32
        "tpu.region"() ({
          %run_scoped3A = tpu.sem_alloc : memref<!tpu.dma_semaphore, #tpu.memory_space<semaphore_mem>>
          %dma_start3A = arith.constant 0 : i32
          %dma_start3A_48 = tpu.memref_slice %arg12[%add3A, %dma_start3A] : memref<50176x32xf32, #tpu.memory_space<vmem_shared>> -> memref<64x32xf32, #tpu.memory_space<vmem_shared>>
          %dma_start3A_49 = arith.constant 0 : i32
          %dma_start3A_50 = tpu.memref_slice %arg12[%add3A, %dma_start3A_49] : memref<50176x32xf32, #tpu.memory_space<vmem_shared>> -> memref<64x32xf32, #tpu.memory_space<vmem_shared>>
          tpu.enqueue_dma source(%dma_start3A_50 : memref<64x32xf32, #tpu.memory_space<vmem_shared>>) target(%arg17 : memref<64x32xf32, #tpu.memory_space<vmem>>) target_semaphore(%run_scoped3A : memref<!tpu.dma_semaphore, #tpu.memory_space<semaphore_mem>>)
          %dma_wait3A = arith.constant 0 : i32
          %dma_wait3A_51 = tpu.memref_slice %arg12[%add3A, %dma_wait3A] : memref<50176x32xf32, #tpu.memory_space<vmem_shared>> -> memref<64x32xf32, #tpu.memory_space<vmem_shared>>
          %dma_wait3A_52 = arith.constant 0 : i32
          %dma_wait3A_53 = tpu.memref_slice %arg12[%add3A, %dma_wait3A_52] : memref<50176x32xf32, #tpu.memory_space<vmem_shared>> -> memref<64x32xf32, #tpu.memory_space<vmem_shared>>
          tpu.wait_dma2 semaphore(%run_scoped3A : memref<!tpu.dma_semaphore, #tpu.memory_space<semaphore_mem>>) src(%dma_wait3A_53 : memref<64x32xf32, #tpu.memory_space<vmem_shared>>) dst(%arg17 : memref<64x32xf32, #tpu.memory_space<vmem>>)
          tpu.yield
        }) : () -> ()
        %mul3A_45 = arith.constant 64 : i32
        %mul3A_46 = arith.muli %scan3A_42, %mul3A_45 : i32
        %add3A_47 = arith.addi %mul3A_0, %mul3A_46 : i32
        "tpu.region"() ({
          %run_scoped3A = tpu.sem_alloc : memref<!tpu.dma_semaphore, #tpu.memory_space<semaphore_mem>>
          %dma_start3A = arith.constant 0 : i32
          %dma_start3A_48 = tpu.memref_slice %arg10[%add3A_47, %dma_start3A] : memref<50176x32xf32, #tpu.memory_space<hbm>> -> memref<64x32xf32, #tpu.memory_space<hbm>>
          %dma_start3A_49 = arith.constant 0 : i32
          %dma_start3A_50 = tpu.memref_slice %arg10[%add3A_47, %dma_start3A_49] : memref<50176x32xf32, #tpu.memory_space<hbm>> -> memref<64x32xf32, #tpu.memory_space<hbm>>
          tpu.enqueue_dma source(%arg17 : memref<64x32xf32, #tpu.memory_space<vmem>>) target(%dma_start3A_50 : memref<64x32xf32, #tpu.memory_space<hbm>>) target_semaphore(%run_scoped3A : memref<!tpu.dma_semaphore, #tpu.memory_space<semaphore_mem>>)
          %dma_wait3A = arith.constant 0 : i32
          %dma_wait3A_51 = tpu.memref_slice %arg10[%add3A_47, %dma_wait3A] : memref<50176x32xf32, #tpu.memory_space<hbm>> -> memref<64x32xf32, #tpu.memory_space<hbm>>
          %dma_wait3A_52 = arith.constant 0 : i32
          %dma_wait3A_53 = tpu.memref_slice %arg10[%add3A_47, %dma_wait3A_52] : memref<50176x32xf32, #tpu.memory_space<hbm>> -> memref<64x32xf32, #tpu.memory_space<hbm>>
          tpu.wait_dma2 semaphore(%run_scoped3A : memref<!tpu.dma_semaphore, #tpu.memory_space<semaphore_mem>>) src(%arg17 : memref<64x32xf32, #tpu.memory_space<vmem>>) dst(%dma_wait3A_53 : memref<64x32xf32, #tpu.memory_space<hbm>>)
          tpu.yield
        }) : () -> ()
      }
      %scan3A_41 = arith.constant 49 : i32
    } else {
    }
    %eq3A_18 = arith.constant 1 : i32
    %eq3A_19 = arith.cmpi eq, %arg0, %eq3A_18 : i32
    %convert_element_type3A_20 = arith.extui %eq3A_19 : i1 to i32
    %cond3A_21 = arith.constant 0 : i32
    %cond3A_22 = arith.cmpi ne, %convert_element_type3A_20, %cond3A_21 : i32
    scf.if %cond3A_22 {
      %scan3A_23 = arith.constant 0 : i32
      %scan3A_24 = arith.constant 0 : i32
      %scan3A_25 = arith.constant 49 : i32
      %scan3A_26 = arith.addi %scan3A_24, %scan3A_25 : i32
      %scan3A_27 = arith.constant 1 : i32
      scf.for %scan3A_42 = %scan3A_24 to %scan3A_26 step %scan3A_27  : i32 {
        %mul3A_43 = arith.constant 64 : i32
        %mul3A_44 = arith.muli %scan3A_42, %mul3A_43 : i32
        %add3A = arith.addi %mul3A_0, %mul3A_44 : i32
        "tpu.region"() ({
          %run_scoped3A = tpu.sem_alloc : memref<!tpu.dma_semaphore, #tpu.memory_space<semaphore_mem>>
          %dma_start3A = arith.constant 0 : i32
          %dma_start3A_45 = tpu.memref_slice %arg12[%add3A, %dma_start3A] : memref<50176x32xf32, #tpu.memory_space<vmem_shared>> -> memref<64x32xf32, #tpu.memory_space<vmem_shared>>
          %dma_start3A_46 = arith.constant 0 : i32
          %dma_start3A_47 = tpu.memref_slice %arg12[%add3A, %dma_start3A_46] : memref<50176x32xf32, #tpu.memory_space<vmem_shared>> -> memref<64x32xf32, #tpu.memory_space<vmem_shared>>
          tpu.enqueue_dma source(%arg16 : memref<64x32xf32, #tpu.memory_space<vmem>>) target(%dma_start3A_47 : memref<64x32xf32, #tpu.memory_space<vmem_shared>>) target_semaphore(%run_scoped3A : memref<!tpu.dma_semaphore, #tpu.memory_space<semaphore_mem>>)
          %dma_wait3A = arith.constant 0 : i32
          %dma_wait3A_48 = tpu.memref_slice %arg12[%add3A, %dma_wait3A] : memref<50176x32xf32, #tpu.memory_space<vmem_shared>> -> memref<64x32xf32, #tpu.memory_space<vmem_shared>>
          %dma_wait3A_49 = arith.constant 0 : i32
          %dma_wait3A_50 = tpu.memref_slice %arg12[%add3A, %dma_wait3A_49] : memref<50176x32xf32, #tpu.memory_space<vmem_shared>> -> memref<64x32xf32, #tpu.memory_space<vmem_shared>>
          tpu.wait_dma2 semaphore(%run_scoped3A : memref<!tpu.dma_semaphore, #tpu.memory_space<semaphore_mem>>) src(%arg16 : memref<64x32xf32, #tpu.memory_space<vmem>>) dst(%dma_wait3A_50 : memref<64x32xf32, #tpu.memory_space<vmem_shared>>)
          tpu.yield
        }) : () -> ()
      }
      %scan3A_28 = arith.constant 49 : i32
      %barrier3A = arith.constant 0 : index
      tpu.barrier barrier_id(%barrier3A)
      %scan3A_29 = arith.constant 0 : i32
      %scan3A_30 = arith.constant 0 : i32
      %scan3A_31 = arith.constant 10 : i32
      %scan3A_32 = arith.addi %scan3A_30, %scan3A_31 : i32
      %scan3A_33 = arith.constant 1 : i32
      scf.for %scan3A_42 = %scan3A_30 to %scan3A_32 step %scan3A_33  : i32 {
        %mul3A_43 = arith.constant 400 : i32
        %mul3A_44 = arith.muli %arg1, %mul3A_43 : i32
        %mul3A_45 = arith.constant 40 : i32
        %mul3A_46 = arith.muli %scan3A_42, %mul3A_45 : i32
        %add3A = arith.addi %mul3A_44, %mul3A_46 : i32
        "tpu.region"() ({
          %run_scoped3A = tpu.sem_alloc : memref<!tpu.dma_semaphore, #tpu.memory_space<semaphore_mem>>
          %dma_start3A = arith.constant 0 : i32
          %dma_start3A_52 = tpu.memref_slice %arg6[%add3A, %dma_start3A] : memref<6400x128xi32, #tpu.memory_space<hbm>> -> memref<40x128xi32, #tpu.memory_space<hbm>>
          %dma_start3A_53 = arith.constant 0 : i32
          %dma_start3A_54 = tpu.memref_slice %arg6[%add3A, %dma_start3A_53] : memref<6400x128xi32, #tpu.memory_space<hbm>> -> memref<40x128xi32, #tpu.memory_space<hbm>>
          tpu.enqueue_dma source(%dma_start3A_54 : memref<40x128xi32, #tpu.memory_space<hbm>>) target(%arg13 : memref<40x128xi32, #tpu.memory_space<vmem>>) target_semaphore(%run_scoped3A : memref<!tpu.dma_semaphore, #tpu.memory_space<semaphore_mem>>)
          %dma_wait3A = arith.constant 0 : i32
          %dma_wait3A_55 = tpu.memref_slice %arg6[%add3A, %dma_wait3A] : memref<6400x128xi32, #tpu.memory_space<hbm>> -> memref<40x128xi32, #tpu.memory_space<hbm>>
          %dma_wait3A_56 = arith.constant 0 : i32
          %dma_wait3A_57 = tpu.memref_slice %arg6[%add3A, %dma_wait3A_56] : memref<6400x128xi32, #tpu.memory_space<hbm>> -> memref<40x128xi32, #tpu.memory_space<hbm>>
          tpu.wait_dma2 semaphore(%run_scoped3A : memref<!tpu.dma_semaphore, #tpu.memory_space<semaphore_mem>>) src(%dma_wait3A_57 : memref<40x128xi32, #tpu.memory_space<hbm>>) dst(%arg13 : memref<40x128xi32, #tpu.memory_space<vmem>>)
          tpu.yield
        }) : () -> ()
        "tpu.region"() ({
          %run_scoped3A = tpu.sem_alloc : memref<!tpu.dma_semaphore, #tpu.memory_space<semaphore_mem>>
          %dma_start3A = arith.constant 0 : i32
          %dma_start3A_52 = tpu.memref_slice %arg7[%add3A, %dma_start3A] : memref<6400x128xi32, #tpu.memory_space<hbm>> -> memref<40x128xi32, #tpu.memory_space<hbm>>
          %dma_start3A_53 = arith.constant 0 : i32
          %dma_start3A_54 = tpu.memref_slice %arg7[%add3A, %dma_start3A_53] : memref<6400x128xi32, #tpu.memory_space<hbm>> -> memref<40x128xi32, #tpu.memory_space<hbm>>
          tpu.enqueue_dma source(%dma_start3A_54 : memref<40x128xi32, #tpu.memory_space<hbm>>) target(%arg14 : memref<40x128xi32, #tpu.memory_space<vmem>>) target_semaphore(%run_scoped3A : memref<!tpu.dma_semaphore, #tpu.memory_space<semaphore_mem>>)
          %dma_wait3A = arith.constant 0 : i32
          %dma_wait3A_55 = tpu.memref_slice %arg7[%add3A, %dma_wait3A] : memref<6400x128xi32, #tpu.memory_space<hbm>> -> memref<40x128xi32, #tpu.memory_space<hbm>>
          %dma_wait3A_56 = arith.constant 0 : i32
          %dma_wait3A_57 = tpu.memref_slice %arg7[%add3A, %dma_wait3A_56] : memref<6400x128xi32, #tpu.memory_space<hbm>> -> memref<40x128xi32, #tpu.memory_space<hbm>>
          tpu.wait_dma2 semaphore(%run_scoped3A : memref<!tpu.dma_semaphore, #tpu.memory_space<semaphore_mem>>) src(%dma_wait3A_57 : memref<40x128xi32, #tpu.memory_space<hbm>>) dst(%arg14 : memref<40x128xi32, #tpu.memory_space<vmem>>)
          tpu.yield
        }) : () -> ()
        %scan3A_47 = arith.constant 0 : i32
        %scan3A_48 = arith.constant 40 : i32
        %scan3A_49 = arith.addi %scan3A_47, %scan3A_48 : i32
        %scan3A_50 = arith.constant 1 : i32
        scf.for %scan3A_52 = %scan3A_47 to %scan3A_49 step %scan3A_50  : i32 {
          "tpu.region"() ({
            %run_scoped3A = tpu.sem_alloc : memref<!tpu.dma_semaphore, #tpu.memory_space<semaphore_mem>>
            %dma_start3A = arith.constant 0 : i32
            %dma_start3A_53 = tpu.memref_slice %arg13[%scan3A_52, %dma_start3A] : memref<40x128xi32, #tpu.memory_space<vmem>> -> memref<1x128xi32, #tpu.memory_space<vmem>>
            %dma_start3A_54 = tpu.memref_squeeze %dma_start3A_53 : memref<1x128xi32, #tpu.memory_space<vmem>> -> memref<128xi32, #tpu.memory_space<vmem>>
            %dma_start3A_55 = arith.constant 0 : i32
            %dma_start3A_56 = arith.constant 0 : i32
            %dma_start3A_57 = tpu.memref_slice %arg5[%dma_start3A_55, %dma_start3A_56] : memref<50176x32xf32, #tpu.memory_space<hbm>> -> memref<50176x32xf32, #tpu.memory_space<hbm>>
            tpu.enqueue_indirect_dma source(%dma_start3A_57 : memref<50176x32xf32, #tpu.memory_space<hbm>>) target(%arg15 : memref<128x32xf32, #tpu.memory_space<vmem>>) offsets(%dma_start3A_54 : memref<128xi32, #tpu.memory_space<vmem>>) semaphore(%run_scoped3A : memref<!tpu.dma_semaphore, #tpu.memory_space<semaphore_mem>>)
            %dma_wait3A = arith.constant 0 : i32
            %dma_wait3A_58 = tpu.memref_slice %arg13[%scan3A_52, %dma_wait3A] : memref<40x128xi32, #tpu.memory_space<vmem>> -> memref<1x128xi32, #tpu.memory_space<vmem>>
            %dma_wait3A_59 = tpu.memref_squeeze %dma_wait3A_58 : memref<1x128xi32, #tpu.memory_space<vmem>> -> memref<128xi32, #tpu.memory_space<vmem>>
            %dma_wait3A_60 = arith.constant 0 : i32
            %dma_wait3A_61 = arith.constant 0 : i32
            %dma_wait3A_62 = tpu.memref_slice %arg5[%dma_wait3A_60, %dma_wait3A_61] : memref<50176x32xf32, #tpu.memory_space<hbm>> -> memref<50176x32xf32, #tpu.memory_space<hbm>>
            tpu.wait_indirect_dma semaphore(%run_scoped3A : memref<!tpu.dma_semaphore, #tpu.memory_space<semaphore_mem>>) src(%dma_wait3A_62 : memref<50176x32xf32, #tpu.memory_space<hbm>>) dst(%arg15 : memref<128x32xf32, #tpu.memory_space<vmem>>)
            tpu.yield
          }) : () -> ()
          "tpu.region"() ({
            %run_scoped3A = tpu.sem_alloc : memref<!tpu.dma_semaphore, #tpu.memory_space<semaphore_mem>>
            %dma_start3A = arith.constant 0 : i32
            %dma_start3A_53 = tpu.memref_slice %arg14[%scan3A_52, %dma_start3A] : memref<40x128xi32, #tpu.memory_space<vmem>> -> memref<1x128xi32, #tpu.memory_space<vmem>>
            %dma_start3A_54 = tpu.memref_squeeze %dma_start3A_53 : memref<1x128xi32, #tpu.memory_space<vmem>> -> memref<128xi32, #tpu.memory_space<vmem>>
            %dma_start3A_55 = arith.constant 0 : i32
            %dma_start3A_56 = arith.constant 0 : i32
            %dma_start3A_57 = tpu.memref_slice %arg12[%dma_start3A_55, %dma_start3A_56] : memref<50176x32xf32, #tpu.memory_space<vmem_shared>> -> memref<50176x32xf32, #tpu.memory_space<vmem_shared>>
            tpu.enqueue_indirect_dma source(%arg15 : memref<128x32xf32, #tpu.memory_space<vmem>>) target(%dma_start3A_57 : memref<50176x32xf32, #tpu.memory_space<vmem_shared>>) offsets(%dma_start3A_54 : memref<128xi32, #tpu.memory_space<vmem>>) semaphore(%run_scoped3A : memref<!tpu.dma_semaphore, #tpu.memory_space<semaphore_mem>>) {add = true}
            %dma_wait3A = arith.constant 0 : i32
            %dma_wait3A_58 = tpu.memref_slice %arg14[%scan3A_52, %dma_wait3A] : memref<40x128xi32, #tpu.memory_space<vmem>> -> memref<1x128xi32, #tpu.memory_space<vmem>>
            %dma_wait3A_59 = tpu.memref_squeeze %dma_wait3A_58 : memref<1x128xi32, #tpu.memory_space<vmem>> -> memref<128xi32, #tpu.memory_space<vmem>>
            %dma_wait3A_60 = arith.constant 0 : i32
            %dma_wait3A_61 = arith.constant 0 : i32
            %dma_wait3A_62 = tpu.memref_slice %arg12[%dma_wait3A_60, %dma_wait3A_61] : memref<50176x32xf32, #tpu.memory_space<vmem_shared>> -> memref<50176x32xf32, #tpu.memory_space<vmem_shared>>
            tpu.wait_indirect_dma semaphore(%run_scoped3A : memref<!tpu.dma_semaphore, #tpu.memory_space<semaphore_mem>>) src(%arg15 : memref<128x32xf32, #tpu.memory_space<vmem>>) dst(%dma_wait3A_62 : memref<50176x32xf32, #tpu.memory_space<vmem_shared>>)
            tpu.yield
          }) : () -> ()
        }
        %scan3A_51 = arith.constant 40 : i32
      }
      %scan3A_34 = arith.constant 10 : i32
      %barrier3A_35 = arith.constant 0 : index
      tpu.barrier barrier_id(%barrier3A_35)
      %scan3A_36 = arith.constant 0 : i32
      %scan3A_37 = arith.constant 0 : i32
      %scan3A_38 = arith.constant 49 : i32
      %scan3A_39 = arith.addi %scan3A_37, %scan3A_38 : i32
      %scan3A_40 = arith.constant 1 : i32
      scf.for %scan3A_42 = %scan3A_37 to %scan3A_39 step %scan3A_40  : i32 {
        %mul3A_43 = arith.constant 64 : i32
        %mul3A_44 = arith.muli %scan3A_42, %mul3A_43 : i32
        %add3A = arith.addi %mul3A_0, %mul3A_44 : i32
        "tpu.region"() ({
          %run_scoped3A = tpu.sem_alloc : memref<!tpu.dma_semaphore, #tpu.memory_space<semaphore_mem>>
          %dma_start3A = arith.constant 0 : i32
          %dma_start3A_48 = tpu.memref_slice %arg12[%add3A, %dma_start3A] : memref<50176x32xf32, #tpu.memory_space<vmem_shared>> -> memref<64x32xf32, #tpu.memory_space<vmem_shared>>
          %dma_start3A_49 = arith.constant 0 : i32
          %dma_start3A_50 = tpu.memref_slice %arg12[%add3A, %dma_start3A_49] : memref<50176x32xf32, #tpu.memory_space<vmem_shared>> -> memref<64x32xf32, #tpu.memory_space<vmem_shared>>
          tpu.enqueue_dma source(%dma_start3A_50 : memref<64x32xf32, #tpu.memory_space<vmem_shared>>) target(%arg17 : memref<64x32xf32, #tpu.memory_space<vmem>>) target_semaphore(%run_scoped3A : memref<!tpu.dma_semaphore, #tpu.memory_space<semaphore_mem>>)
          %dma_wait3A = arith.constant 0 : i32
          %dma_wait3A_51 = tpu.memref_slice %arg12[%add3A, %dma_wait3A] : memref<50176x32xf32, #tpu.memory_space<vmem_shared>> -> memref<64x32xf32, #tpu.memory_space<vmem_shared>>
          %dma_wait3A_52 = arith.constant 0 : i32
          %dma_wait3A_53 = tpu.memref_slice %arg12[%add3A, %dma_wait3A_52] : memref<50176x32xf32, #tpu.memory_space<vmem_shared>> -> memref<64x32xf32, #tpu.memory_space<vmem_shared>>
          tpu.wait_dma2 semaphore(%run_scoped3A : memref<!tpu.dma_semaphore, #tpu.memory_space<semaphore_mem>>) src(%dma_wait3A_53 : memref<64x32xf32, #tpu.memory_space<vmem_shared>>) dst(%arg17 : memref<64x32xf32, #tpu.memory_space<vmem>>)
          tpu.yield
        }) : () -> ()
        %mul3A_45 = arith.constant 64 : i32
        %mul3A_46 = arith.muli %scan3A_42, %mul3A_45 : i32
        %add3A_47 = arith.addi %mul3A_0, %mul3A_46 : i32
        "tpu.region"() ({
          %run_scoped3A = tpu.sem_alloc : memref<!tpu.dma_semaphore, #tpu.memory_space<semaphore_mem>>
          %dma_start3A = arith.constant 0 : i32
          %dma_start3A_48 = tpu.memref_slice %arg11[%add3A_47, %dma_start3A] : memref<50176x32xf32, #tpu.memory_space<hbm>> -> memref<64x32xf32, #tpu.memory_space<hbm>>
          %dma_start3A_49 = arith.constant 0 : i32
          %dma_start3A_50 = tpu.memref_slice %arg11[%add3A_47, %dma_start3A_49] : memref<50176x32xf32, #tpu.memory_space<hbm>> -> memref<64x32xf32, #tpu.memory_space<hbm>>
          tpu.enqueue_dma source(%arg17 : memref<64x32xf32, #tpu.memory_space<vmem>>) target(%dma_start3A_50 : memref<64x32xf32, #tpu.memory_space<hbm>>) target_semaphore(%run_scoped3A : memref<!tpu.dma_semaphore, #tpu.memory_space<semaphore_mem>>)
          %dma_wait3A = arith.constant 0 : i32
          %dma_wait3A_51 = tpu.memref_slice %arg11[%add3A_47, %dma_wait3A] : memref<50176x32xf32, #tpu.memory_space<hbm>> -> memref<64x32xf32, #tpu.memory_space<hbm>>
          %dma_wait3A_52 = arith.constant 0 : i32
          %dma_wait3A_53 = tpu.memref_slice %arg11[%add3A_47, %dma_wait3A_52] : memref<50176x32xf32, #tpu.memory_space<hbm>> -> memref<64x32xf32, #tpu.memory_space<hbm>>
          tpu.wait_dma2 semaphore(%run_scoped3A : memref<!tpu.dma_semaphore, #tpu.memory_space<semaphore_mem>>) src(%arg17 : memref<64x32xf32, #tpu.memory_space<vmem>>) dst(%dma_wait3A_53 : memref<64x32xf32, #tpu.memory_space<hbm>>)
          tpu.yield
        }) : () -> ()
      }
      %scan3A_41 = arith.constant 49 : i32
    } else {
    }
    return
  }
}

#map = affine_map<(d0, d1) -> (0, 0)>
module attributes {stable_mosaic.version = 14 : i64} {
  func.func @_sc_seg_sum(%arg0: i32, %arg1: i32, %arg2: memref<50176x32xf32, #tpu.memory_space<hbm>>, %arg3: memref<50176x32xf32, #tpu.memory_space<hbm>>, %arg4: memref<50176x32xf32, #tpu.memory_space<hbm>>, %arg5: memref<50176x32xf32, #tpu.memory_space<hbm>>, %arg6: memref<6400x128xi32, #tpu.memory_space<hbm>>, %arg7: memref<6400x128xi32, #tpu.memory_space<hbm>>, %arg8: memref<50176x32xf32, #tpu.memory_space<hbm>>, %arg9: memref<50176x32xf32, #tpu.memory_space<hbm>>, %arg10: memref<50176x32xf32, #tpu.memory_space<hbm>>, %arg11: memref<50176x32xf32, #tpu.memory_space<hbm>>, %arg12: memref<50176x32xf32, #tpu.memory_space<vmem_shared>>, %arg13: memref<40x128xi32, #tpu.memory_space<vmem>>, %arg14: memref<40x128xi32, #tpu.memory_space<vmem>>, %arg15: memref<128x32xf32, #tpu.memory_space<vmem>>, %arg16: memref<64x32xf32, #tpu.memory_space<vmem>>, %arg17: memref<64x32xf32, #tpu.memory_space<vmem>>) attributes {dimension_semantics = [#tpu.dimension_semantics<core_parallel>, #tpu.dimension_semantics<subcore_parallel>], iteration_bounds = array<i64: 2, 16>, scalar_prefetch = 0 : i64, scratch_operands = 6 : i64, tpu.core_type = #tpu.core_type<sc_vector_subcore>, window_params = [{transform_indices = #map}, {transform_indices = #map}, {transform_indices = #map}, {transform_indices = #map}, {transform_indices = #map}, {transform_indices = #map}, {transform_indices = #map}, {transform_indices = #map}, {transform_indices = #map}, {transform_indices = #map}]} {
    %mul3A = arith.constant 3136 : i32
    %mul3A_0 = arith.muli %arg1, %mul3A : i32
    %scan3A = arith.constant 0 : i32
    %scan3A_1 = arith.constant 0 : i32
    %scan3A_2 = arith.constant 128 : i32
    %scan3A_3 = arith.addi %scan3A_1, %scan3A_2 : i32
    %scan3A_4 = arith.constant 1 : i32
    scf.for %scan3A_23 = %scan3A_1 to %scan3A_3 step %scan3A_4  : i32 {
      %jit3A = arith.constant 2 : i32
      %div3A = arith.divsi %scan3A_23, %jit3A : i32
      %sign3A = arith.constant 0 : i32
      %sign3A_24 = arith.cmpi sgt, %scan3A_23, %sign3A : i32
      %sign3A_25 = arith.extui %sign3A_24 : i1 to i32
      %sign3A_26 = arith.constant 0 : i32
      %sign3A_27 = arith.cmpi slt, %scan3A_23, %sign3A_26 : i32
      %sign3A_28 = arith.extui %sign3A_27 : i1 to i32
      %sign3A_29 = arith.subi %sign3A_25, %sign3A_28 : i32
      %sign3A_30 = arith.constant 0 : i32
      %sign3A_31 = arith.cmpi sgt, %jit3A, %sign3A_30 : i32
      %sign3A_32 = arith.extui %sign3A_31 : i1 to i32
      %sign3A_33 = arith.constant 0 : i32
      %sign3A_34 = arith.cmpi slt, %jit3A, %sign3A_33 : i32
      %sign3A_35 = arith.extui %sign3A_34 : i1 to i32
      %sign3A_36 = arith.subi %sign3A_32, %sign3A_35 : i32
      %ne3A = arith.cmpi ne, %sign3A_29, %sign3A_36 : i32
      %rem3A = arith.remsi %scan3A_23, %jit3A : i32
      %ne3A_37 = arith.constant 0 : i32
      %ne3A_38 = arith.cmpi ne, %rem3A, %ne3A_37 : i32
      %and3A = arith.andi %ne3A, %ne3A_38 : i1
      %sub3A = arith.constant 1 : i32
      %sub3A_39 = arith.subi %div3A, %sub3A : i32
      %select_n3A = arith.select %and3A, %sub3A_39, %div3A : i32
      %jit3A_40 = arith.constant 2 : i32
      %eq3A_41 = arith.constant 0 : i32
      %eq3A_42 = arith.cmpi eq, %jit3A_40, %eq3A_41 : i32
      %jit3A_43 = arith.constant 1 : i32
      %select_n3A_44 = arith.select %eq3A_42, %jit3A_43, %jit3A_40 : i32
      %rem3A_45 = arith.remsi %scan3A_23, %select_n3A_44 : i32
      %ne3A_46 = arith.constant 0 : i32
      %ne3A_47 = arith.cmpi ne, %rem3A_45, %ne3A_46 : i32
      %lt3A = arith.constant 0 : i32
      %lt3A_48 = arith.cmpi slt, %rem3A_45, %lt3A : i32
      %lt3A_49 = arith.constant 0 : i32
      %lt3A_50 = arith.cmpi slt, %select_n3A_44, %lt3A_49 : i32
      %ne3A_51 = arith.xori %lt3A_48, %lt3A_50 : i1
      %and3A_52 = arith.andi %ne3A_51, %ne3A_47 : i1
      %add3A = arith.addi %rem3A_45, %select_n3A_44 : i32
      %select_n3A_53 = arith.select %and3A_52, %add3A, %rem3A_45 : i32
      %broadcast_in_dim3A = arith.constant 0.000000e+00 : f32
      %broadcast_in_dim3A_54 = vector.broadcast %broadcast_in_dim3A : f32 to vector<16xf32>
      %mul3A_55 = arith.constant 16 : i32
      %mul3A_56 = arith.muli %select_n3A_53, %mul3A_55 : i32
      %swap3A = arith.index_cast %select_n3A : i32 to index
      %swap3A_57 = arith.index_cast %mul3A_56 : i32 to index
      %swap3A_58 = tpu.vector_load %arg16[%swap3A, %swap3A_57] {strides = array<i32>} : memref<64x32xf32, #tpu.memory_space<vmem>>, vector<1x16xf32>,
      %swap3A_59 = vector.shape_cast %swap3A_58 : vector<1x16xf32> to vector<16xf32>
      %swap3A_60 = vector.shape_cast %broadcast_in_dim3A_54 : vector<16xf32> to vector<1x16xf32>
      tpu.vector_store %arg16[%swap3A, %swap3A_57], %swap3A_60 {strides = array<i32>} : memref<64x32xf32, #tpu.memory_space<vmem>>, vector<1x16xf32>,
    }
    %scan3A_5 = arith.constant 128 : i32
    %eq3A = arith.constant 0 : i32
    %eq3A_6 = arith.cmpi eq, %arg0, %eq3A : i32
    %convert_element_type3A = arith.extui %eq3A_6 : i1 to i32
    %cond3A = arith.constant 0 : i32
    %cond3A_7 = arith.cmpi ne, %convert_element_type3A, %cond3A : i32
    scf.if %cond3A_7 {
      %scan3A_23 = arith.constant 0 : i32
      %scan3A_24 = arith.constant 0 : i32
      %scan3A_25 = arith.constant 49 : i32
      %scan3A_26 = arith.addi %scan3A_24, %scan3A_25 : i32
      %scan3A_27 = arith.constant 1 : i32
      scf.for %scan3A_42 = %scan3A_24 to %scan3A_26 step %scan3A_27  : i32 {
        %mul3A_43 = arith.constant 64 : i32
        %mul3A_44 = arith.muli %scan3A_42, %mul3A_43 : i32
        %add3A = arith.addi %mul3A_0, %mul3A_44 : i32
        "tpu.region"() ({
          %run_scoped3A = tpu.sem_alloc : memref<!tpu.dma_semaphore, #tpu.memory_space<semaphore_mem>>
          %dma_start3A = arith.constant 0 : i32
          %dma_start3A_45 = tpu.memref_slice %arg12[%add3A, %dma_start3A] : memref<50176x32xf32, #tpu.memory_space<vmem_shared>> -> memref<64x32xf32, #tpu.memory_space<vmem_shared>>
          %dma_start3A_46 = arith.constant 0 : i32
          %dma_start3A_47 = tpu.memref_slice %arg12[%add3A, %dma_start3A_46] : memref<50176x32xf32, #tpu.memory_space<vmem_shared>> -> memref<64x32xf32, #tpu.memory_space<vmem_shared>>
          tpu.enqueue_dma source(%arg16 : memref<64x32xf32, #tpu.memory_space<vmem>>) target(%dma_start3A_47 : memref<64x32xf32, #tpu.memory_space<vmem_shared>>) target_semaphore(%run_scoped3A : memref<!tpu.dma_semaphore, #tpu.memory_space<semaphore_mem>>)
          %dma_wait3A = arith.constant 0 : i32
          %dma_wait3A_48 = tpu.memref_slice %arg12[%add3A, %dma_wait3A] : memref<50176x32xf32, #tpu.memory_space<vmem_shared>> -> memref<64x32xf32, #tpu.memory_space<vmem_shared>>
          %dma_wait3A_49 = arith.constant 0 : i32
          %dma_wait3A_50 = tpu.memref_slice %arg12[%add3A, %dma_wait3A_49] : memref<50176x32xf32, #tpu.memory_space<vmem_shared>> -> memref<64x32xf32, #tpu.memory_space<vmem_shared>>
          tpu.wait_dma2 semaphore(%run_scoped3A : memref<!tpu.dma_semaphore, #tpu.memory_space<semaphore_mem>>) src(%arg16 : memref<64x32xf32, #tpu.memory_space<vmem>>) dst(%dma_wait3A_50 : memref<64x32xf32, #tpu.memory_space<vmem_shared>>)
          tpu.yield
        }) : () -> ()
      }
      %scan3A_28 = arith.constant 49 : i32
      %barrier3A = arith.constant 0 : index
      tpu.barrier barrier_id(%barrier3A)
      %scan3A_29 = arith.constant 0 : i32
      %scan3A_30 = arith.constant 0 : i32
      %scan3A_31 = arith.constant 10 : i32
      %scan3A_32 = arith.addi %scan3A_30, %scan3A_31 : i32
      %scan3A_33 = arith.constant 1 : i32
      scf.for %scan3A_42 = %scan3A_30 to %scan3A_32 step %scan3A_33  : i32 {
        %mul3A_43 = arith.constant 400 : i32
        %mul3A_44 = arith.muli %arg1, %mul3A_43 : i32
        %mul3A_45 = arith.constant 40 : i32
        %mul3A_46 = arith.muli %scan3A_42, %mul3A_45 : i32
        %add3A = arith.addi %mul3A_44, %mul3A_46 : i32
        "tpu.region"() ({
          %run_scoped3A = tpu.sem_alloc : memref<!tpu.dma_semaphore, #tpu.memory_space<semaphore_mem>>
          %dma_start3A = arith.constant 0 : i32
          %dma_start3A_52 = tpu.memref_slice %arg6[%add3A, %dma_start3A] : memref<6400x128xi32, #tpu.memory_space<hbm>> -> memref<40x128xi32, #tpu.memory_space<hbm>>
          %dma_start3A_53 = arith.constant 0 : i32
          %dma_start3A_54 = tpu.memref_slice %arg6[%add3A, %dma_start3A_53] : memref<6400x128xi32, #tpu.memory_space<hbm>> -> memref<40x128xi32, #tpu.memory_space<hbm>>
          tpu.enqueue_dma source(%dma_start3A_54 : memref<40x128xi32, #tpu.memory_space<hbm>>) target(%arg13 : memref<40x128xi32, #tpu.memory_space<vmem>>) target_semaphore(%run_scoped3A : memref<!tpu.dma_semaphore, #tpu.memory_space<semaphore_mem>>)
          %dma_wait3A = arith.constant 0 : i32
          %dma_wait3A_55 = tpu.memref_slice %arg6[%add3A, %dma_wait3A] : memref<6400x128xi32, #tpu.memory_space<hbm>> -> memref<40x128xi32, #tpu.memory_space<hbm>>
          %dma_wait3A_56 = arith.constant 0 : i32
          %dma_wait3A_57 = tpu.memref_slice %arg6[%add3A, %dma_wait3A_56] : memref<6400x128xi32, #tpu.memory_space<hbm>> -> memref<40x128xi32, #tpu.memory_space<hbm>>
          tpu.wait_dma2 semaphore(%run_scoped3A : memref<!tpu.dma_semaphore, #tpu.memory_space<semaphore_mem>>) src(%dma_wait3A_57 : memref<40x128xi32, #tpu.memory_space<hbm>>) dst(%arg13 : memref<40x128xi32, #tpu.memory_space<vmem>>)
          tpu.yield
        }) : () -> ()
        "tpu.region"() ({
          %run_scoped3A = tpu.sem_alloc : memref<!tpu.dma_semaphore, #tpu.memory_space<semaphore_mem>>
          %dma_start3A = arith.constant 0 : i32
          %dma_start3A_52 = tpu.memref_slice %arg7[%add3A, %dma_start3A] : memref<6400x128xi32, #tpu.memory_space<hbm>> -> memref<40x128xi32, #tpu.memory_space<hbm>>
          %dma_start3A_53 = arith.constant 0 : i32
          %dma_start3A_54 = tpu.memref_slice %arg7[%add3A, %dma_start3A_53] : memref<6400x128xi32, #tpu.memory_space<hbm>> -> memref<40x128xi32, #tpu.memory_space<hbm>>
          tpu.enqueue_dma source(%dma_start3A_54 : memref<40x128xi32, #tpu.memory_space<hbm>>) target(%arg14 : memref<40x128xi32, #tpu.memory_space<vmem>>) target_semaphore(%run_scoped3A : memref<!tpu.dma_semaphore, #tpu.memory_space<semaphore_mem>>)
          %dma_wait3A = arith.constant 0 : i32
          %dma_wait3A_55 = tpu.memref_slice %arg7[%add3A, %dma_wait3A] : memref<6400x128xi32, #tpu.memory_space<hbm>> -> memref<40x128xi32, #tpu.memory_space<hbm>>
          %dma_wait3A_56 = arith.constant 0 : i32
          %dma_wait3A_57 = tpu.memref_slice %arg7[%add3A, %dma_wait3A_56] : memref<6400x128xi32, #tpu.memory_space<hbm>> -> memref<40x128xi32, #tpu.memory_space<hbm>>
          tpu.wait_dma2 semaphore(%run_scoped3A : memref<!tpu.dma_semaphore, #tpu.memory_space<semaphore_mem>>) src(%dma_wait3A_57 : memref<40x128xi32, #tpu.memory_space<hbm>>) dst(%arg14 : memref<40x128xi32, #tpu.memory_space<vmem>>)
          tpu.yield
        }) : () -> ()
        %scan3A_47 = arith.constant 0 : i32
        %scan3A_48 = arith.constant 40 : i32
        %scan3A_49 = arith.addi %scan3A_47, %scan3A_48 : i32
        %scan3A_50 = arith.constant 1 : i32
        scf.for %scan3A_52 = %scan3A_47 to %scan3A_49 step %scan3A_50  : i32 {
          "tpu.region"() ({
            %run_scoped3A = tpu.sem_alloc : memref<!tpu.dma_semaphore, #tpu.memory_space<semaphore_mem>>
            %dma_start3A = arith.constant 0 : i32
            %dma_start3A_53 = tpu.memref_slice %arg13[%scan3A_52, %dma_start3A] : memref<40x128xi32, #tpu.memory_space<vmem>> -> memref<1x128xi32, #tpu.memory_space<vmem>>
            %dma_start3A_54 = tpu.memref_squeeze %dma_start3A_53 : memref<1x128xi32, #tpu.memory_space<vmem>> -> memref<128xi32, #tpu.memory_space<vmem>>
            %dma_start3A_55 = arith.constant 0 : i32
            %dma_start3A_56 = arith.constant 0 : i32
            %dma_start3A_57 = tpu.memref_slice %arg2[%dma_start3A_55, %dma_start3A_56] : memref<50176x32xf32, #tpu.memory_space<hbm>> -> memref<50176x32xf32, #tpu.memory_space<hbm>>
            tpu.enqueue_indirect_dma source(%dma_start3A_57 : memref<50176x32xf32, #tpu.memory_space<hbm>>) target(%arg15 : memref<128x32xf32, #tpu.memory_space<vmem>>) offsets(%dma_start3A_54 : memref<128xi32, #tpu.memory_space<vmem>>) semaphore(%run_scoped3A : memref<!tpu.dma_semaphore, #tpu.memory_space<semaphore_mem>>)
            %dma_wait3A = arith.constant 0 : i32
            %dma_wait3A_58 = tpu.memref_slice %arg13[%scan3A_52, %dma_wait3A] : memref<40x128xi32, #tpu.memory_space<vmem>> -> memref<1x128xi32, #tpu.memory_space<vmem>>
            %dma_wait3A_59 = tpu.memref_squeeze %dma_wait3A_58 : memref<1x128xi32, #tpu.memory_space<vmem>> -> memref<128xi32, #tpu.memory_space<vmem>>
            %dma_wait3A_60 = arith.constant 0 : i32
            %dma_wait3A_61 = arith.constant 0 : i32
            %dma_wait3A_62 = tpu.memref_slice %arg2[%dma_wait3A_60, %dma_wait3A_61] : memref<50176x32xf32, #tpu.memory_space<hbm>> -> memref<50176x32xf32, #tpu.memory_space<hbm>>
            tpu.wait_indirect_dma semaphore(%run_scoped3A : memref<!tpu.dma_semaphore, #tpu.memory_space<semaphore_mem>>) src(%dma_wait3A_62 : memref<50176x32xf32, #tpu.memory_space<hbm>>) dst(%arg15 : memref<128x32xf32, #tpu.memory_space<vmem>>)
            tpu.yield
          }) : () -> ()
          "tpu.region"() ({
            %run_scoped3A = tpu.sem_alloc : memref<!tpu.dma_semaphore, #tpu.memory_space<semaphore_mem>>
            %dma_start3A = arith.constant 0 : i32
            %dma_start3A_53 = tpu.memref_slice %arg14[%scan3A_52, %dma_start3A] : memref<40x128xi32, #tpu.memory_space<vmem>> -> memref<1x128xi32, #tpu.memory_space<vmem>>
            %dma_start3A_54 = tpu.memref_squeeze %dma_start3A_53 : memref<1x128xi32, #tpu.memory_space<vmem>> -> memref<128xi32, #tpu.memory_space<vmem>>
            %dma_start3A_55 = arith.constant 0 : i32
            %dma_start3A_56 = arith.constant 0 : i32
            %dma_start3A_57 = tpu.memref_slice %arg12[%dma_start3A_55, %dma_start3A_56] : memref<50176x32xf32, #tpu.memory_space<vmem_shared>> -> memref<50176x32xf32, #tpu.memory_space<vmem_shared>>
            tpu.enqueue_indirect_dma source(%arg15 : memref<128x32xf32, #tpu.memory_space<vmem>>) target(%dma_start3A_57 : memref<50176x32xf32, #tpu.memory_space<vmem_shared>>) offsets(%dma_start3A_54 : memref<128xi32, #tpu.memory_space<vmem>>) semaphore(%run_scoped3A : memref<!tpu.dma_semaphore, #tpu.memory_space<semaphore_mem>>) {add = true}
            %dma_wait3A = arith.constant 0 : i32
            %dma_wait3A_58 = tpu.memref_slice %arg14[%scan3A_52, %dma_wait3A] : memref<40x128xi32, #tpu.memory_space<vmem>> -> memref<1x128xi32, #tpu.memory_space<vmem>>
            %dma_wait3A_59 = tpu.memref_squeeze %dma_wait3A_58 : memref<1x128xi32, #tpu.memory_space<vmem>> -> memref<128xi32, #tpu.memory_space<vmem>>
            %dma_wait3A_60 = arith.constant 0 : i32
            %dma_wait3A_61 = arith.constant 0 : i32
            %dma_wait3A_62 = tpu.memref_slice %arg12[%dma_wait3A_60, %dma_wait3A_61] : memref<50176x32xf32, #tpu.memory_space<vmem_shared>> -> memref<50176x32xf32, #tpu.memory_space<vmem_shared>>
            tpu.wait_indirect_dma semaphore(%run_scoped3A : memref<!tpu.dma_semaphore, #tpu.memory_space<semaphore_mem>>) src(%arg15 : memref<128x32xf32, #tpu.memory_space<vmem>>) dst(%dma_wait3A_62 : memref<50176x32xf32, #tpu.memory_space<vmem_shared>>)
            tpu.yield
          }) : () -> ()
        }
        %scan3A_51 = arith.constant 40 : i32
      }
      %scan3A_34 = arith.constant 10 : i32
      %barrier3A_35 = arith.constant 0 : index
      tpu.barrier barrier_id(%barrier3A_35)
      %scan3A_36 = arith.constant 0 : i32
      %scan3A_37 = arith.constant 0 : i32
      %scan3A_38 = arith.constant 49 : i32
      %scan3A_39 = arith.addi %scan3A_37, %scan3A_38 : i32
      %scan3A_40 = arith.constant 1 : i32
      scf.for %scan3A_42 = %scan3A_37 to %scan3A_39 step %scan3A_40  : i32 {
        %mul3A_43 = arith.constant 64 : i32
        %mul3A_44 = arith.muli %scan3A_42, %mul3A_43 : i32
        %add3A = arith.addi %mul3A_0, %mul3A_44 : i32
        "tpu.region"() ({
          %run_scoped3A = tpu.sem_alloc : memref<!tpu.dma_semaphore, #tpu.memory_space<semaphore_mem>>
          %dma_start3A = arith.constant 0 : i32
          %dma_start3A_48 = tpu.memref_slice %arg12[%add3A, %dma_start3A] : memref<50176x32xf32, #tpu.memory_space<vmem_shared>> -> memref<64x32xf32, #tpu.memory_space<vmem_shared>>
          %dma_start3A_49 = arith.constant 0 : i32
          %dma_start3A_50 = tpu.memref_slice %arg12[%add3A, %dma_start3A_49] : memref<50176x32xf32, #tpu.memory_space<vmem_shared>> -> memref<64x32xf32, #tpu.memory_space<vmem_shared>>
          tpu.enqueue_dma source(%dma_start3A_50 : memref<64x32xf32, #tpu.memory_space<vmem_shared>>) target(%arg17 : memref<64x32xf32, #tpu.memory_space<vmem>>) target_semaphore(%run_scoped3A : memref<!tpu.dma_semaphore, #tpu.memory_space<semaphore_mem>>)
          %dma_wait3A = arith.constant 0 : i32
          %dma_wait3A_51 = tpu.memref_slice %arg12[%add3A, %dma_wait3A] : memref<50176x32xf32, #tpu.memory_space<vmem_shared>> -> memref<64x32xf32, #tpu.memory_space<vmem_shared>>
          %dma_wait3A_52 = arith.constant 0 : i32
          %dma_wait3A_53 = tpu.memref_slice %arg12[%add3A, %dma_wait3A_52] : memref<50176x32xf32, #tpu.memory_space<vmem_shared>> -> memref<64x32xf32, #tpu.memory_space<vmem_shared>>
          tpu.wait_dma2 semaphore(%run_scoped3A : memref<!tpu.dma_semaphore, #tpu.memory_space<semaphore_mem>>) src(%dma_wait3A_53 : memref<64x32xf32, #tpu.memory_space<vmem_shared>>) dst(%arg17 : memref<64x32xf32, #tpu.memory_space<vmem>>)
          tpu.yield
        }) : () -> ()
        %mul3A_45 = arith.constant 64 : i32
        %mul3A_46 = arith.muli %scan3A_42, %mul3A_45 : i32
        %add3A_47 = arith.addi %mul3A_0, %mul3A_46 : i32
        "tpu.region"() ({
          %run_scoped3A = tpu.sem_alloc : memref<!tpu.dma_semaphore, #tpu.memory_space<semaphore_mem>>
          %dma_start3A = arith.constant 0 : i32
          %dma_start3A_48 = tpu.memref_slice %arg8[%add3A_47, %dma_start3A] : memref<50176x32xf32, #tpu.memory_space<hbm>> -> memref<64x32xf32, #tpu.memory_space<hbm>>
          %dma_start3A_49 = arith.constant 0 : i32
          %dma_start3A_50 = tpu.memref_slice %arg8[%add3A_47, %dma_start3A_49] : memref<50176x32xf32, #tpu.memory_space<hbm>> -> memref<64x32xf32, #tpu.memory_space<hbm>>
          tpu.enqueue_dma source(%arg17 : memref<64x32xf32, #tpu.memory_space<vmem>>) target(%dma_start3A_50 : memref<64x32xf32, #tpu.memory_space<hbm>>) target_semaphore(%run_scoped3A : memref<!tpu.dma_semaphore, #tpu.memory_space<semaphore_mem>>)
          %dma_wait3A = arith.constant 0 : i32
          %dma_wait3A_51 = tpu.memref_slice %arg8[%add3A_47, %dma_wait3A] : memref<50176x32xf32, #tpu.memory_space<hbm>> -> memref<64x32xf32, #tpu.memory_space<hbm>>
          %dma_wait3A_52 = arith.constant 0 : i32
          %dma_wait3A_53 = tpu.memref_slice %arg8[%add3A_47, %dma_wait3A_52] : memref<50176x32xf32, #tpu.memory_space<hbm>> -> memref<64x32xf32, #tpu.memory_space<hbm>>
          tpu.wait_dma2 semaphore(%run_scoped3A : memref<!tpu.dma_semaphore, #tpu.memory_space<semaphore_mem>>) src(%arg17 : memref<64x32xf32, #tpu.memory_space<vmem>>) dst(%dma_wait3A_53 : memref<64x32xf32, #tpu.memory_space<hbm>>)
          tpu.yield
        }) : () -> ()
      }
      %scan3A_41 = arith.constant 49 : i32
    } else {
    }
    %eq3A_8 = arith.constant 0 : i32
    %eq3A_9 = arith.cmpi eq, %arg0, %eq3A_8 : i32
    %convert_element_type3A_10 = arith.extui %eq3A_9 : i1 to i32
    %cond3A_11 = arith.constant 0 : i32
    %cond3A_12 = arith.cmpi ne, %convert_element_type3A_10, %cond3A_11 : i32
    scf.if %cond3A_12 {
      %scan3A_23 = arith.constant 0 : i32
      %scan3A_24 = arith.constant 0 : i32
      %scan3A_25 = arith.constant 49 : i32
      %scan3A_26 = arith.addi %scan3A_24, %scan3A_25 : i32
      %scan3A_27 = arith.constant 1 : i32
      scf.for %scan3A_42 = %scan3A_24 to %scan3A_26 step %scan3A_27  : i32 {
        %mul3A_43 = arith.constant 64 : i32
        %mul3A_44 = arith.muli %scan3A_42, %mul3A_43 : i32
        %add3A = arith.addi %mul3A_0, %mul3A_44 : i32
        "tpu.region"() ({
          %run_scoped3A = tpu.sem_alloc : memref<!tpu.dma_semaphore, #tpu.memory_space<semaphore_mem>>
          %dma_start3A = arith.constant 0 : i32
          %dma_start3A_45 = tpu.memref_slice %arg12[%add3A, %dma_start3A] : memref<50176x32xf32, #tpu.memory_space<vmem_shared>> -> memref<64x32xf32, #tpu.memory_space<vmem_shared>>
          %dma_start3A_46 = arith.constant 0 : i32
          %dma_start3A_47 = tpu.memref_slice %arg12[%add3A, %dma_start3A_46] : memref<50176x32xf32, #tpu.memory_space<vmem_shared>> -> memref<64x32xf32, #tpu.memory_space<vmem_shared>>
          tpu.enqueue_dma source(%arg16 : memref<64x32xf32, #tpu.memory_space<vmem>>) target(%dma_start3A_47 : memref<64x32xf32, #tpu.memory_space<vmem_shared>>) target_semaphore(%run_scoped3A : memref<!tpu.dma_semaphore, #tpu.memory_space<semaphore_mem>>)
          %dma_wait3A = arith.constant 0 : i32
          %dma_wait3A_48 = tpu.memref_slice %arg12[%add3A, %dma_wait3A] : memref<50176x32xf32, #tpu.memory_space<vmem_shared>> -> memref<64x32xf32, #tpu.memory_space<vmem_shared>>
          %dma_wait3A_49 = arith.constant 0 : i32
          %dma_wait3A_50 = tpu.memref_slice %arg12[%add3A, %dma_wait3A_49] : memref<50176x32xf32, #tpu.memory_space<vmem_shared>> -> memref<64x32xf32, #tpu.memory_space<vmem_shared>>
          tpu.wait_dma2 semaphore(%run_scoped3A : memref<!tpu.dma_semaphore, #tpu.memory_space<semaphore_mem>>) src(%arg16 : memref<64x32xf32, #tpu.memory_space<vmem>>) dst(%dma_wait3A_50 : memref<64x32xf32, #tpu.memory_space<vmem_shared>>)
          tpu.yield
        }) : () -> ()
      }
      %scan3A_28 = arith.constant 49 : i32
      %barrier3A = arith.constant 0 : index
      tpu.barrier barrier_id(%barrier3A)
      %scan3A_29 = arith.constant 0 : i32
      %scan3A_30 = arith.constant 0 : i32
      %scan3A_31 = arith.constant 10 : i32
      %scan3A_32 = arith.addi %scan3A_30, %scan3A_31 : i32
      %scan3A_33 = arith.constant 1 : i32
      scf.for %scan3A_42 = %scan3A_30 to %scan3A_32 step %scan3A_33  : i32 {
        %mul3A_43 = arith.constant 400 : i32
        %mul3A_44 = arith.muli %arg1, %mul3A_43 : i32
        %mul3A_45 = arith.constant 40 : i32
        %mul3A_46 = arith.muli %scan3A_42, %mul3A_45 : i32
        %add3A = arith.addi %mul3A_44, %mul3A_46 : i32
        "tpu.region"() ({
          %run_scoped3A = tpu.sem_alloc : memref<!tpu.dma_semaphore, #tpu.memory_space<semaphore_mem>>
          %dma_start3A = arith.constant 0 : i32
          %dma_start3A_52 = tpu.memref_slice %arg6[%add3A, %dma_start3A] : memref<6400x128xi32, #tpu.memory_space<hbm>> -> memref<40x128xi32, #tpu.memory_space<hbm>>
          %dma_start3A_53 = arith.constant 0 : i32
          %dma_start3A_54 = tpu.memref_slice %arg6[%add3A, %dma_start3A_53] : memref<6400x128xi32, #tpu.memory_space<hbm>> -> memref<40x128xi32, #tpu.memory_space<hbm>>
          tpu.enqueue_dma source(%dma_start3A_54 : memref<40x128xi32, #tpu.memory_space<hbm>>) target(%arg13 : memref<40x128xi32, #tpu.memory_space<vmem>>) target_semaphore(%run_scoped3A : memref<!tpu.dma_semaphore, #tpu.memory_space<semaphore_mem>>)
          %dma_wait3A = arith.constant 0 : i32
          %dma_wait3A_55 = tpu.memref_slice %arg6[%add3A, %dma_wait3A] : memref<6400x128xi32, #tpu.memory_space<hbm>> -> memref<40x128xi32, #tpu.memory_space<hbm>>
          %dma_wait3A_56 = arith.constant 0 : i32
          %dma_wait3A_57 = tpu.memref_slice %arg6[%add3A, %dma_wait3A_56] : memref<6400x128xi32, #tpu.memory_space<hbm>> -> memref<40x128xi32, #tpu.memory_space<hbm>>
          tpu.wait_dma2 semaphore(%run_scoped3A : memref<!tpu.dma_semaphore, #tpu.memory_space<semaphore_mem>>) src(%dma_wait3A_57 : memref<40x128xi32, #tpu.memory_space<hbm>>) dst(%arg13 : memref<40x128xi32, #tpu.memory_space<vmem>>)
          tpu.yield
        }) : () -> ()
        "tpu.region"() ({
          %run_scoped3A = tpu.sem_alloc : memref<!tpu.dma_semaphore, #tpu.memory_space<semaphore_mem>>
          %dma_start3A = arith.constant 0 : i32
          %dma_start3A_52 = tpu.memref_slice %arg7[%add3A, %dma_start3A] : memref<6400x128xi32, #tpu.memory_space<hbm>> -> memref<40x128xi32, #tpu.memory_space<hbm>>
          %dma_start3A_53 = arith.constant 0 : i32
          %dma_start3A_54 = tpu.memref_slice %arg7[%add3A, %dma_start3A_53] : memref<6400x128xi32, #tpu.memory_space<hbm>> -> memref<40x128xi32, #tpu.memory_space<hbm>>
          tpu.enqueue_dma source(%dma_start3A_54 : memref<40x128xi32, #tpu.memory_space<hbm>>) target(%arg14 : memref<40x128xi32, #tpu.memory_space<vmem>>) target_semaphore(%run_scoped3A : memref<!tpu.dma_semaphore, #tpu.memory_space<semaphore_mem>>)
          %dma_wait3A = arith.constant 0 : i32
          %dma_wait3A_55 = tpu.memref_slice %arg7[%add3A, %dma_wait3A] : memref<6400x128xi32, #tpu.memory_space<hbm>> -> memref<40x128xi32, #tpu.memory_space<hbm>>
          %dma_wait3A_56 = arith.constant 0 : i32
          %dma_wait3A_57 = tpu.memref_slice %arg7[%add3A, %dma_wait3A_56] : memref<6400x128xi32, #tpu.memory_space<hbm>> -> memref<40x128xi32, #tpu.memory_space<hbm>>
          tpu.wait_dma2 semaphore(%run_scoped3A : memref<!tpu.dma_semaphore, #tpu.memory_space<semaphore_mem>>) src(%dma_wait3A_57 : memref<40x128xi32, #tpu.memory_space<hbm>>) dst(%arg14 : memref<40x128xi32, #tpu.memory_space<vmem>>)
          tpu.yield
        }) : () -> ()
        %scan3A_47 = arith.constant 0 : i32
        %scan3A_48 = arith.constant 40 : i32
        %scan3A_49 = arith.addi %scan3A_47, %scan3A_48 : i32
        %scan3A_50 = arith.constant 1 : i32
        scf.for %scan3A_52 = %scan3A_47 to %scan3A_49 step %scan3A_50  : i32 {
          "tpu.region"() ({
            %run_scoped3A = tpu.sem_alloc : memref<!tpu.dma_semaphore, #tpu.memory_space<semaphore_mem>>
            %dma_start3A = arith.constant 0 : i32
            %dma_start3A_53 = tpu.memref_slice %arg13[%scan3A_52, %dma_start3A] : memref<40x128xi32, #tpu.memory_space<vmem>> -> memref<1x128xi32, #tpu.memory_space<vmem>>
            %dma_start3A_54 = tpu.memref_squeeze %dma_start3A_53 : memref<1x128xi32, #tpu.memory_space<vmem>> -> memref<128xi32, #tpu.memory_space<vmem>>
            %dma_start3A_55 = arith.constant 0 : i32
            %dma_start3A_56 = arith.constant 0 : i32
            %dma_start3A_57 = tpu.memref_slice %arg3[%dma_start3A_55, %dma_start3A_56] : memref<50176x32xf32, #tpu.memory_space<hbm>> -> memref<50176x32xf32, #tpu.memory_space<hbm>>
            tpu.enqueue_indirect_dma source(%dma_start3A_57 : memref<50176x32xf32, #tpu.memory_space<hbm>>) target(%arg15 : memref<128x32xf32, #tpu.memory_space<vmem>>) offsets(%dma_start3A_54 : memref<128xi32, #tpu.memory_space<vmem>>) semaphore(%run_scoped3A : memref<!tpu.dma_semaphore, #tpu.memory_space<semaphore_mem>>)
            %dma_wait3A = arith.constant 0 : i32
            %dma_wait3A_58 = tpu.memref_slice %arg13[%scan3A_52, %dma_wait3A] : memref<40x128xi32, #tpu.memory_space<vmem>> -> memref<1x128xi32, #tpu.memory_space<vmem>>
            %dma_wait3A_59 = tpu.memref_squeeze %dma_wait3A_58 : memref<1x128xi32, #tpu.memory_space<vmem>> -> memref<128xi32, #tpu.memory_space<vmem>>
            %dma_wait3A_60 = arith.constant 0 : i32
            %dma_wait3A_61 = arith.constant 0 : i32
            %dma_wait3A_62 = tpu.memref_slice %arg3[%dma_wait3A_60, %dma_wait3A_61] : memref<50176x32xf32, #tpu.memory_space<hbm>> -> memref<50176x32xf32, #tpu.memory_space<hbm>>
            tpu.wait_indirect_dma semaphore(%run_scoped3A : memref<!tpu.dma_semaphore, #tpu.memory_space<semaphore_mem>>) src(%dma_wait3A_62 : memref<50176x32xf32, #tpu.memory_space<hbm>>) dst(%arg15 : memref<128x32xf32, #tpu.memory_space<vmem>>)
            tpu.yield
          }) : () -> ()
          "tpu.region"() ({
            %run_scoped3A = tpu.sem_alloc : memref<!tpu.dma_semaphore, #tpu.memory_space<semaphore_mem>>
            %dma_start3A = arith.constant 0 : i32
            %dma_start3A_53 = tpu.memref_slice %arg14[%scan3A_52, %dma_start3A] : memref<40x128xi32, #tpu.memory_space<vmem>> -> memref<1x128xi32, #tpu.memory_space<vmem>>
            %dma_start3A_54 = tpu.memref_squeeze %dma_start3A_53 : memref<1x128xi32, #tpu.memory_space<vmem>> -> memref<128xi32, #tpu.memory_space<vmem>>
            %dma_start3A_55 = arith.constant 0 : i32
            %dma_start3A_56 = arith.constant 0 : i32
            %dma_start3A_57 = tpu.memref_slice %arg12[%dma_start3A_55, %dma_start3A_56] : memref<50176x32xf32, #tpu.memory_space<vmem_shared>> -> memref<50176x32xf32, #tpu.memory_space<vmem_shared>>
            tpu.enqueue_indirect_dma source(%arg15 : memref<128x32xf32, #tpu.memory_space<vmem>>) target(%dma_start3A_57 : memref<50176x32xf32, #tpu.memory_space<vmem_shared>>) offsets(%dma_start3A_54 : memref<128xi32, #tpu.memory_space<vmem>>) semaphore(%run_scoped3A : memref<!tpu.dma_semaphore, #tpu.memory_space<semaphore_mem>>) {add = true}
            %dma_wait3A = arith.constant 0 : i32
            %dma_wait3A_58 = tpu.memref_slice %arg14[%scan3A_52, %dma_wait3A] : memref<40x128xi32, #tpu.memory_space<vmem>> -> memref<1x128xi32, #tpu.memory_space<vmem>>
            %dma_wait3A_59 = tpu.memref_squeeze %dma_wait3A_58 : memref<1x128xi32, #tpu.memory_space<vmem>> -> memref<128xi32, #tpu.memory_space<vmem>>
            %dma_wait3A_60 = arith.constant 0 : i32
            %dma_wait3A_61 = arith.constant 0 : i32
            %dma_wait3A_62 = tpu.memref_slice %arg12[%dma_wait3A_60, %dma_wait3A_61] : memref<50176x32xf32, #tpu.memory_space<vmem_shared>> -> memref<50176x32xf32, #tpu.memory_space<vmem_shared>>
            tpu.wait_indirect_dma semaphore(%run_scoped3A : memref<!tpu.dma_semaphore, #tpu.memory_space<semaphore_mem>>) src(%arg15 : memref<128x32xf32, #tpu.memory_space<vmem>>) dst(%dma_wait3A_62 : memref<50176x32xf32, #tpu.memory_space<vmem_shared>>)
            tpu.yield
          }) : () -> ()
        }
        %scan3A_51 = arith.constant 40 : i32
      }
      %scan3A_34 = arith.constant 10 : i32
      %barrier3A_35 = arith.constant 0 : index
      tpu.barrier barrier_id(%barrier3A_35)
      %scan3A_36 = arith.constant 0 : i32
      %scan3A_37 = arith.constant 0 : i32
      %scan3A_38 = arith.constant 49 : i32
      %scan3A_39 = arith.addi %scan3A_37, %scan3A_38 : i32
      %scan3A_40 = arith.constant 1 : i32
      scf.for %scan3A_42 = %scan3A_37 to %scan3A_39 step %scan3A_40  : i32 {
        %mul3A_43 = arith.constant 64 : i32
        %mul3A_44 = arith.muli %scan3A_42, %mul3A_43 : i32
        %add3A = arith.addi %mul3A_0, %mul3A_44 : i32
        "tpu.region"() ({
          %run_scoped3A = tpu.sem_alloc : memref<!tpu.dma_semaphore, #tpu.memory_space<semaphore_mem>>
          %dma_start3A = arith.constant 0 : i32
          %dma_start3A_48 = tpu.memref_slice %arg12[%add3A, %dma_start3A] : memref<50176x32xf32, #tpu.memory_space<vmem_shared>> -> memref<64x32xf32, #tpu.memory_space<vmem_shared>>
          %dma_start3A_49 = arith.constant 0 : i32
          %dma_start3A_50 = tpu.memref_slice %arg12[%add3A, %dma_start3A_49] : memref<50176x32xf32, #tpu.memory_space<vmem_shared>> -> memref<64x32xf32, #tpu.memory_space<vmem_shared>>
          tpu.enqueue_dma source(%dma_start3A_50 : memref<64x32xf32, #tpu.memory_space<vmem_shared>>) target(%arg17 : memref<64x32xf32, #tpu.memory_space<vmem>>) target_semaphore(%run_scoped3A : memref<!tpu.dma_semaphore, #tpu.memory_space<semaphore_mem>>)
          %dma_wait3A = arith.constant 0 : i32
          %dma_wait3A_51 = tpu.memref_slice %arg12[%add3A, %dma_wait3A] : memref<50176x32xf32, #tpu.memory_space<vmem_shared>> -> memref<64x32xf32, #tpu.memory_space<vmem_shared>>
          %dma_wait3A_52 = arith.constant 0 : i32
          %dma_wait3A_53 = tpu.memref_slice %arg12[%add3A, %dma_wait3A_52] : memref<50176x32xf32, #tpu.memory_space<vmem_shared>> -> memref<64x32xf32, #tpu.memory_space<vmem_shared>>
          tpu.wait_dma2 semaphore(%run_scoped3A : memref<!tpu.dma_semaphore, #tpu.memory_space<semaphore_mem>>) src(%dma_wait3A_53 : memref<64x32xf32, #tpu.memory_space<vmem_shared>>) dst(%arg17 : memref<64x32xf32, #tpu.memory_space<vmem>>)
          tpu.yield
        }) : () -> ()
        %mul3A_45 = arith.constant 64 : i32
        %mul3A_46 = arith.muli %scan3A_42, %mul3A_45 : i32
        %add3A_47 = arith.addi %mul3A_0, %mul3A_46 : i32
        "tpu.region"() ({
          %run_scoped3A = tpu.sem_alloc : memref<!tpu.dma_semaphore, #tpu.memory_space<semaphore_mem>>
          %dma_start3A = arith.constant 0 : i32
          %dma_start3A_48 = tpu.memref_slice %arg9[%add3A_47, %dma_start3A] : memref<50176x32xf32, #tpu.memory_space<hbm>> -> memref<64x32xf32, #tpu.memory_space<hbm>>
          %dma_start3A_49 = arith.constant 0 : i32
          %dma_start3A_50 = tpu.memref_slice %arg9[%add3A_47, %dma_start3A_49] : memref<50176x32xf32, #tpu.memory_space<hbm>> -> memref<64x32xf32, #tpu.memory_space<hbm>>
          tpu.enqueue_dma source(%arg17 : memref<64x32xf32, #tpu.memory_space<vmem>>) target(%dma_start3A_50 : memref<64x32xf32, #tpu.memory_space<hbm>>) target_semaphore(%run_scoped3A : memref<!tpu.dma_semaphore, #tpu.memory_space<semaphore_mem>>)
          %dma_wait3A = arith.constant 0 : i32
          %dma_wait3A_51 = tpu.memref_slice %arg9[%add3A_47, %dma_wait3A] : memref<50176x32xf32, #tpu.memory_space<hbm>> -> memref<64x32xf32, #tpu.memory_space<hbm>>
          %dma_wait3A_52 = arith.constant 0 : i32
          %dma_wait3A_53 = tpu.memref_slice %arg9[%add3A_47, %dma_wait3A_52] : memref<50176x32xf32, #tpu.memory_space<hbm>> -> memref<64x32xf32, #tpu.memory_space<hbm>>
          tpu.wait_dma2 semaphore(%run_scoped3A : memref<!tpu.dma_semaphore, #tpu.memory_space<semaphore_mem>>) src(%arg17 : memref<64x32xf32, #tpu.memory_space<vmem>>) dst(%dma_wait3A_53 : memref<64x32xf32, #tpu.memory_space<hbm>>)
          tpu.yield
        }) : () -> ()
      }
      %scan3A_41 = arith.constant 49 : i32
    } else {
    }
    %eq3A_13 = arith.constant 1 : i32
    %eq3A_14 = arith.cmpi eq, %arg0, %eq3A_13 : i32
    %convert_element_type3A_15 = arith.extui %eq3A_14 : i1 to i32
    %cond3A_16 = arith.constant 0 : i32
    %cond3A_17 = arith.cmpi ne, %convert_element_type3A_15, %cond3A_16 : i32
    scf.if %cond3A_17 {
      %scan3A_23 = arith.constant 0 : i32
      %scan3A_24 = arith.constant 0 : i32
      %scan3A_25 = arith.constant 49 : i32
      %scan3A_26 = arith.addi %scan3A_24, %scan3A_25 : i32
      %scan3A_27 = arith.constant 1 : i32
      scf.for %scan3A_42 = %scan3A_24 to %scan3A_26 step %scan3A_27  : i32 {
        %mul3A_43 = arith.constant 64 : i32
        %mul3A_44 = arith.muli %scan3A_42, %mul3A_43 : i32
        %add3A = arith.addi %mul3A_0, %mul3A_44 : i32
        "tpu.region"() ({
          %run_scoped3A = tpu.sem_alloc : memref<!tpu.dma_semaphore, #tpu.memory_space<semaphore_mem>>
          %dma_start3A = arith.constant 0 : i32
          %dma_start3A_45 = tpu.memref_slice %arg12[%add3A, %dma_start3A] : memref<50176x32xf32, #tpu.memory_space<vmem_shared>> -> memref<64x32xf32, #tpu.memory_space<vmem_shared>>
          %dma_start3A_46 = arith.constant 0 : i32
          %dma_start3A_47 = tpu.memref_slice %arg12[%add3A, %dma_start3A_46] : memref<50176x32xf32, #tpu.memory_space<vmem_shared>> -> memref<64x32xf32, #tpu.memory_space<vmem_shared>>
          tpu.enqueue_dma source(%arg16 : memref<64x32xf32, #tpu.memory_space<vmem>>) target(%dma_start3A_47 : memref<64x32xf32, #tpu.memory_space<vmem_shared>>) target_semaphore(%run_scoped3A : memref<!tpu.dma_semaphore, #tpu.memory_space<semaphore_mem>>)
          %dma_wait3A = arith.constant 0 : i32
          %dma_wait3A_48 = tpu.memref_slice %arg12[%add3A, %dma_wait3A] : memref<50176x32xf32, #tpu.memory_space<vmem_shared>> -> memref<64x32xf32, #tpu.memory_space<vmem_shared>>
          %dma_wait3A_49 = arith.constant 0 : i32
          %dma_wait3A_50 = tpu.memref_slice %arg12[%add3A, %dma_wait3A_49] : memref<50176x32xf32, #tpu.memory_space<vmem_shared>> -> memref<64x32xf32, #tpu.memory_space<vmem_shared>>
          tpu.wait_dma2 semaphore(%run_scoped3A : memref<!tpu.dma_semaphore, #tpu.memory_space<semaphore_mem>>) src(%arg16 : memref<64x32xf32, #tpu.memory_space<vmem>>) dst(%dma_wait3A_50 : memref<64x32xf32, #tpu.memory_space<vmem_shared>>)
          tpu.yield
        }) : () -> ()
      }
      %scan3A_28 = arith.constant 49 : i32
      %barrier3A = arith.constant 0 : index
      tpu.barrier barrier_id(%barrier3A)
      %scan3A_29 = arith.constant 0 : i32
      %scan3A_30 = arith.constant 0 : i32
      %scan3A_31 = arith.constant 10 : i32
      %scan3A_32 = arith.addi %scan3A_30, %scan3A_31 : i32
      %scan3A_33 = arith.constant 1 : i32
      scf.for %scan3A_42 = %scan3A_30 to %scan3A_32 step %scan3A_33  : i32 {
        %mul3A_43 = arith.constant 400 : i32
        %mul3A_44 = arith.muli %arg1, %mul3A_43 : i32
        %mul3A_45 = arith.constant 40 : i32
        %mul3A_46 = arith.muli %scan3A_42, %mul3A_45 : i32
        %add3A = arith.addi %mul3A_44, %mul3A_46 : i32
        "tpu.region"() ({
          %run_scoped3A = tpu.sem_alloc : memref<!tpu.dma_semaphore, #tpu.memory_space<semaphore_mem>>
          %dma_start3A = arith.constant 0 : i32
          %dma_start3A_52 = tpu.memref_slice %arg6[%add3A, %dma_start3A] : memref<6400x128xi32, #tpu.memory_space<hbm>> -> memref<40x128xi32, #tpu.memory_space<hbm>>
          %dma_start3A_53 = arith.constant 0 : i32
          %dma_start3A_54 = tpu.memref_slice %arg6[%add3A, %dma_start3A_53] : memref<6400x128xi32, #tpu.memory_space<hbm>> -> memref<40x128xi32, #tpu.memory_space<hbm>>
          tpu.enqueue_dma source(%dma_start3A_54 : memref<40x128xi32, #tpu.memory_space<hbm>>) target(%arg13 : memref<40x128xi32, #tpu.memory_space<vmem>>) target_semaphore(%run_scoped3A : memref<!tpu.dma_semaphore, #tpu.memory_space<semaphore_mem>>)
          %dma_wait3A = arith.constant 0 : i32
          %dma_wait3A_55 = tpu.memref_slice %arg6[%add3A, %dma_wait3A] : memref<6400x128xi32, #tpu.memory_space<hbm>> -> memref<40x128xi32, #tpu.memory_space<hbm>>
          %dma_wait3A_56 = arith.constant 0 : i32
          %dma_wait3A_57 = tpu.memref_slice %arg6[%add3A, %dma_wait3A_56] : memref<6400x128xi32, #tpu.memory_space<hbm>> -> memref<40x128xi32, #tpu.memory_space<hbm>>
          tpu.wait_dma2 semaphore(%run_scoped3A : memref<!tpu.dma_semaphore, #tpu.memory_space<semaphore_mem>>) src(%dma_wait3A_57 : memref<40x128xi32, #tpu.memory_space<hbm>>) dst(%arg13 : memref<40x128xi32, #tpu.memory_space<vmem>>)
          tpu.yield
        }) : () -> ()
        "tpu.region"() ({
          %run_scoped3A = tpu.sem_alloc : memref<!tpu.dma_semaphore, #tpu.memory_space<semaphore_mem>>
          %dma_start3A = arith.constant 0 : i32
          %dma_start3A_52 = tpu.memref_slice %arg7[%add3A, %dma_start3A] : memref<6400x128xi32, #tpu.memory_space<hbm>> -> memref<40x128xi32, #tpu.memory_space<hbm>>
          %dma_start3A_53 = arith.constant 0 : i32
          %dma_start3A_54 = tpu.memref_slice %arg7[%add3A, %dma_start3A_53] : memref<6400x128xi32, #tpu.memory_space<hbm>> -> memref<40x128xi32, #tpu.memory_space<hbm>>
          tpu.enqueue_dma source(%dma_start3A_54 : memref<40x128xi32, #tpu.memory_space<hbm>>) target(%arg14 : memref<40x128xi32, #tpu.memory_space<vmem>>) target_semaphore(%run_scoped3A : memref<!tpu.dma_semaphore, #tpu.memory_space<semaphore_mem>>)
          %dma_wait3A = arith.constant 0 : i32
          %dma_wait3A_55 = tpu.memref_slice %arg7[%add3A, %dma_wait3A] : memref<6400x128xi32, #tpu.memory_space<hbm>> -> memref<40x128xi32, #tpu.memory_space<hbm>>
          %dma_wait3A_56 = arith.constant 0 : i32
          %dma_wait3A_57 = tpu.memref_slice %arg7[%add3A, %dma_wait3A_56] : memref<6400x128xi32, #tpu.memory_space<hbm>> -> memref<40x128xi32, #tpu.memory_space<hbm>>
          tpu.wait_dma2 semaphore(%run_scoped3A : memref<!tpu.dma_semaphore, #tpu.memory_space<semaphore_mem>>) src(%dma_wait3A_57 : memref<40x128xi32, #tpu.memory_space<hbm>>) dst(%arg14 : memref<40x128xi32, #tpu.memory_space<vmem>>)
          tpu.yield
        }) : () -> ()
        %scan3A_47 = arith.constant 0 : i32
        %scan3A_48 = arith.constant 40 : i32
        %scan3A_49 = arith.addi %scan3A_47, %scan3A_48 : i32
        %scan3A_50 = arith.constant 1 : i32
        scf.for %scan3A_52 = %scan3A_47 to %scan3A_49 step %scan3A_50  : i32 {
          "tpu.region"() ({
            %run_scoped3A = tpu.sem_alloc : memref<!tpu.dma_semaphore, #tpu.memory_space<semaphore_mem>>
            %dma_start3A = arith.constant 0 : i32
            %dma_start3A_53 = tpu.memref_slice %arg13[%scan3A_52, %dma_start3A] : memref<40x128xi32, #tpu.memory_space<vmem>> -> memref<1x128xi32, #tpu.memory_space<vmem>>
            %dma_start3A_54 = tpu.memref_squeeze %dma_start3A_53 : memref<1x128xi32, #tpu.memory_space<vmem>> -> memref<128xi32, #tpu.memory_space<vmem>>
            %dma_start3A_55 = arith.constant 0 : i32
            %dma_start3A_56 = arith.constant 0 : i32
            %dma_start3A_57 = tpu.memref_slice %arg4[%dma_start3A_55, %dma_start3A_56] : memref<50176x32xf32, #tpu.memory_space<hbm>> -> memref<50176x32xf32, #tpu.memory_space<hbm>>
            tpu.enqueue_indirect_dma source(%dma_start3A_57 : memref<50176x32xf32, #tpu.memory_space<hbm>>) target(%arg15 : memref<128x32xf32, #tpu.memory_space<vmem>>) offsets(%dma_start3A_54 : memref<128xi32, #tpu.memory_space<vmem>>) semaphore(%run_scoped3A : memref<!tpu.dma_semaphore, #tpu.memory_space<semaphore_mem>>)
            %dma_wait3A = arith.constant 0 : i32
            %dma_wait3A_58 = tpu.memref_slice %arg13[%scan3A_52, %dma_wait3A] : memref<40x128xi32, #tpu.memory_space<vmem>> -> memref<1x128xi32, #tpu.memory_space<vmem>>
            %dma_wait3A_59 = tpu.memref_squeeze %dma_wait3A_58 : memref<1x128xi32, #tpu.memory_space<vmem>> -> memref<128xi32, #tpu.memory_space<vmem>>
            %dma_wait3A_60 = arith.constant 0 : i32
            %dma_wait3A_61 = arith.constant 0 : i32
            %dma_wait3A_62 = tpu.memref_slice %arg4[%dma_wait3A_60, %dma_wait3A_61] : memref<50176x32xf32, #tpu.memory_space<hbm>> -> memref<50176x32xf32, #tpu.memory_space<hbm>>
            tpu.wait_indirect_dma semaphore(%run_scoped3A : memref<!tpu.dma_semaphore, #tpu.memory_space<semaphore_mem>>) src(%dma_wait3A_62 : memref<50176x32xf32, #tpu.memory_space<hbm>>) dst(%arg15 : memref<128x32xf32, #tpu.memory_space<vmem>>)
            tpu.yield
          }) : () -> ()
          "tpu.region"() ({
            %run_scoped3A = tpu.sem_alloc : memref<!tpu.dma_semaphore, #tpu.memory_space<semaphore_mem>>
            %dma_start3A = arith.constant 0 : i32
            %dma_start3A_53 = tpu.memref_slice %arg14[%scan3A_52, %dma_start3A] : memref<40x128xi32, #tpu.memory_space<vmem>> -> memref<1x128xi32, #tpu.memory_space<vmem>>
            %dma_start3A_54 = tpu.memref_squeeze %dma_start3A_53 : memref<1x128xi32, #tpu.memory_space<vmem>> -> memref<128xi32, #tpu.memory_space<vmem>>
            %dma_start3A_55 = arith.constant 0 : i32
            %dma_start3A_56 = arith.constant 0 : i32
            %dma_start3A_57 = tpu.memref_slice %arg12[%dma_start3A_55, %dma_start3A_56] : memref<50176x32xf32, #tpu.memory_space<vmem_shared>> -> memref<50176x32xf32, #tpu.memory_space<vmem_shared>>
            tpu.enqueue_indirect_dma source(%arg15 : memref<128x32xf32, #tpu.memory_space<vmem>>) target(%dma_start3A_57 : memref<50176x32xf32, #tpu.memory_space<vmem_shared>>) offsets(%dma_start3A_54 : memref<128xi32, #tpu.memory_space<vmem>>) semaphore(%run_scoped3A : memref<!tpu.dma_semaphore, #tpu.memory_space<semaphore_mem>>) {add = true}
            %dma_wait3A = arith.constant 0 : i32
            %dma_wait3A_58 = tpu.memref_slice %arg14[%scan3A_52, %dma_wait3A] : memref<40x128xi32, #tpu.memory_space<vmem>> -> memref<1x128xi32, #tpu.memory_space<vmem>>
            %dma_wait3A_59 = tpu.memref_squeeze %dma_wait3A_58 : memref<1x128xi32, #tpu.memory_space<vmem>> -> memref<128xi32, #tpu.memory_space<vmem>>
            %dma_wait3A_60 = arith.constant 0 : i32
            %dma_wait3A_61 = arith.constant 0 : i32
            %dma_wait3A_62 = tpu.memref_slice %arg12[%dma_wait3A_60, %dma_wait3A_61] : memref<50176x32xf32, #tpu.memory_space<vmem_shared>> -> memref<50176x32xf32, #tpu.memory_space<vmem_shared>>
            tpu.wait_indirect_dma semaphore(%run_scoped3A : memref<!tpu.dma_semaphore, #tpu.memory_space<semaphore_mem>>) src(%arg15 : memref<128x32xf32, #tpu.memory_space<vmem>>) dst(%dma_wait3A_62 : memref<50176x32xf32, #tpu.memory_space<vmem_shared>>)
            tpu.yield
          }) : () -> ()
        }
        %scan3A_51 = arith.constant 40 : i32
      }
      %scan3A_34 = arith.constant 10 : i32
      %barrier3A_35 = arith.constant 0 : index
      tpu.barrier barrier_id(%barrier3A_35)
      %scan3A_36 = arith.constant 0 : i32
      %scan3A_37 = arith.constant 0 : i32
      %scan3A_38 = arith.constant 49 : i32
      %scan3A_39 = arith.addi %scan3A_37, %scan3A_38 : i32
      %scan3A_40 = arith.constant 1 : i32
      scf.for %scan3A_42 = %scan3A_37 to %scan3A_39 step %scan3A_40  : i32 {
        %mul3A_43 = arith.constant 64 : i32
        %mul3A_44 = arith.muli %scan3A_42, %mul3A_43 : i32
        %add3A = arith.addi %mul3A_0, %mul3A_44 : i32
        "tpu.region"() ({
          %run_scoped3A = tpu.sem_alloc : memref<!tpu.dma_semaphore, #tpu.memory_space<semaphore_mem>>
          %dma_start3A = arith.constant 0 : i32
          %dma_start3A_48 = tpu.memref_slice %arg12[%add3A, %dma_start3A] : memref<50176x32xf32, #tpu.memory_space<vmem_shared>> -> memref<64x32xf32, #tpu.memory_space<vmem_shared>>
          %dma_start3A_49 = arith.constant 0 : i32
          %dma_start3A_50 = tpu.memref_slice %arg12[%add3A, %dma_start3A_49] : memref<50176x32xf32, #tpu.memory_space<vmem_shared>> -> memref<64x32xf32, #tpu.memory_space<vmem_shared>>
          tpu.enqueue_dma source(%dma_start3A_50 : memref<64x32xf32, #tpu.memory_space<vmem_shared>>) target(%arg17 : memref<64x32xf32, #tpu.memory_space<vmem>>) target_semaphore(%run_scoped3A : memref<!tpu.dma_semaphore, #tpu.memory_space<semaphore_mem>>)
          %dma_wait3A = arith.constant 0 : i32
          %dma_wait3A_51 = tpu.memref_slice %arg12[%add3A, %dma_wait3A] : memref<50176x32xf32, #tpu.memory_space<vmem_shared>> -> memref<64x32xf32, #tpu.memory_space<vmem_shared>>
          %dma_wait3A_52 = arith.constant 0 : i32
          %dma_wait3A_53 = tpu.memref_slice %arg12[%add3A, %dma_wait3A_52] : memref<50176x32xf32, #tpu.memory_space<vmem_shared>> -> memref<64x32xf32, #tpu.memory_space<vmem_shared>>
          tpu.wait_dma2 semaphore(%run_scoped3A : memref<!tpu.dma_semaphore, #tpu.memory_space<semaphore_mem>>) src(%dma_wait3A_53 : memref<64x32xf32, #tpu.memory_space<vmem_shared>>) dst(%arg17 : memref<64x32xf32, #tpu.memory_space<vmem>>)
          tpu.yield
        }) : () -> ()
        %mul3A_45 = arith.constant 64 : i32
        %mul3A_46 = arith.muli %scan3A_42, %mul3A_45 : i32
        %add3A_47 = arith.addi %mul3A_0, %mul3A_46 : i32
        "tpu.region"() ({
          %run_scoped3A = tpu.sem_alloc : memref<!tpu.dma_semaphore, #tpu.memory_space<semaphore_mem>>
          %dma_start3A = arith.constant 0 : i32
          %dma_start3A_48 = tpu.memref_slice %arg10[%add3A_47, %dma_start3A] : memref<50176x32xf32, #tpu.memory_space<hbm>> -> memref<64x32xf32, #tpu.memory_space<hbm>>
          %dma_start3A_49 = arith.constant 0 : i32
          %dma_start3A_50 = tpu.memref_slice %arg10[%add3A_47, %dma_start3A_49] : memref<50176x32xf32, #tpu.memory_space<hbm>> -> memref<64x32xf32, #tpu.memory_space<hbm>>
          tpu.enqueue_dma source(%arg17 : memref<64x32xf32, #tpu.memory_space<vmem>>) target(%dma_start3A_50 : memref<64x32xf32, #tpu.memory_space<hbm>>) target_semaphore(%run_scoped3A : memref<!tpu.dma_semaphore, #tpu.memory_space<semaphore_mem>>)
          %dma_wait3A = arith.constant 0 : i32
          %dma_wait3A_51 = tpu.memref_slice %arg10[%add3A_47, %dma_wait3A] : memref<50176x32xf32, #tpu.memory_space<hbm>> -> memref<64x32xf32, #tpu.memory_space<hbm>>
          %dma_wait3A_52 = arith.constant 0 : i32
          %dma_wait3A_53 = tpu.memref_slice %arg10[%add3A_47, %dma_wait3A_52] : memref<50176x32xf32, #tpu.memory_space<hbm>> -> memref<64x32xf32, #tpu.memory_space<hbm>>
          tpu.wait_dma2 semaphore(%run_scoped3A : memref<!tpu.dma_semaphore, #tpu.memory_space<semaphore_mem>>) src(%arg17 : memref<64x32xf32, #tpu.memory_space<vmem>>) dst(%dma_wait3A_53 : memref<64x32xf32, #tpu.memory_space<hbm>>)
          tpu.yield
        }) : () -> ()
      }
      %scan3A_41 = arith.constant 49 : i32
    } else {
    }
    %eq3A_18 = arith.constant 1 : i32
    %eq3A_19 = arith.cmpi eq, %arg0, %eq3A_18 : i32
    %convert_element_type3A_20 = arith.extui %eq3A_19 : i1 to i32
    %cond3A_21 = arith.constant 0 : i32
    %cond3A_22 = arith.cmpi ne, %convert_element_type3A_20, %cond3A_21 : i32
    scf.if %cond3A_22 {
      %scan3A_23 = arith.constant 0 : i32
      %scan3A_24 = arith.constant 0 : i32
      %scan3A_25 = arith.constant 49 : i32
      %scan3A_26 = arith.addi %scan3A_24, %scan3A_25 : i32
      %scan3A_27 = arith.constant 1 : i32
      scf.for %scan3A_42 = %scan3A_24 to %scan3A_26 step %scan3A_27  : i32 {
        %mul3A_43 = arith.constant 64 : i32
        %mul3A_44 = arith.muli %scan3A_42, %mul3A_43 : i32
        %add3A = arith.addi %mul3A_0, %mul3A_44 : i32
        "tpu.region"() ({
          %run_scoped3A = tpu.sem_alloc : memref<!tpu.dma_semaphore, #tpu.memory_space<semaphore_mem>>
          %dma_start3A = arith.constant 0 : i32
          %dma_start3A_45 = tpu.memref_slice %arg12[%add3A, %dma_start3A] : memref<50176x32xf32, #tpu.memory_space<vmem_shared>> -> memref<64x32xf32, #tpu.memory_space<vmem_shared>>
          %dma_start3A_46 = arith.constant 0 : i32
          %dma_start3A_47 = tpu.memref_slice %arg12[%add3A, %dma_start3A_46] : memref<50176x32xf32, #tpu.memory_space<vmem_shared>> -> memref<64x32xf32, #tpu.memory_space<vmem_shared>>
          tpu.enqueue_dma source(%arg16 : memref<64x32xf32, #tpu.memory_space<vmem>>) target(%dma_start3A_47 : memref<64x32xf32, #tpu.memory_space<vmem_shared>>) target_semaphore(%run_scoped3A : memref<!tpu.dma_semaphore, #tpu.memory_space<semaphore_mem>>)
          %dma_wait3A = arith.constant 0 : i32
          %dma_wait3A_48 = tpu.memref_slice %arg12[%add3A, %dma_wait3A] : memref<50176x32xf32, #tpu.memory_space<vmem_shared>> -> memref<64x32xf32, #tpu.memory_space<vmem_shared>>
          %dma_wait3A_49 = arith.constant 0 : i32
          %dma_wait3A_50 = tpu.memref_slice %arg12[%add3A, %dma_wait3A_49] : memref<50176x32xf32, #tpu.memory_space<vmem_shared>> -> memref<64x32xf32, #tpu.memory_space<vmem_shared>>
          tpu.wait_dma2 semaphore(%run_scoped3A : memref<!tpu.dma_semaphore, #tpu.memory_space<semaphore_mem>>) src(%arg16 : memref<64x32xf32, #tpu.memory_space<vmem>>) dst(%dma_wait3A_50 : memref<64x32xf32, #tpu.memory_space<vmem_shared>>)
          tpu.yield
        }) : () -> ()
      }
      %scan3A_28 = arith.constant 49 : i32
      %barrier3A = arith.constant 0 : index
      tpu.barrier barrier_id(%barrier3A)
      %scan3A_29 = arith.constant 0 : i32
      %scan3A_30 = arith.constant 0 : i32
      %scan3A_31 = arith.constant 10 : i32
      %scan3A_32 = arith.addi %scan3A_30, %scan3A_31 : i32
      %scan3A_33 = arith.constant 1 : i32
      scf.for %scan3A_42 = %scan3A_30 to %scan3A_32 step %scan3A_33  : i32 {
        %mul3A_43 = arith.constant 400 : i32
        %mul3A_44 = arith.muli %arg1, %mul3A_43 : i32
        %mul3A_45 = arith.constant 40 : i32
        %mul3A_46 = arith.muli %scan3A_42, %mul3A_45 : i32
        %add3A = arith.addi %mul3A_44, %mul3A_46 : i32
        "tpu.region"() ({
          %run_scoped3A = tpu.sem_alloc : memref<!tpu.dma_semaphore, #tpu.memory_space<semaphore_mem>>
          %dma_start3A = arith.constant 0 : i32
          %dma_start3A_52 = tpu.memref_slice %arg6[%add3A, %dma_start3A] : memref<6400x128xi32, #tpu.memory_space<hbm>> -> memref<40x128xi32, #tpu.memory_space<hbm>>
          %dma_start3A_53 = arith.constant 0 : i32
          %dma_start3A_54 = tpu.memref_slice %arg6[%add3A, %dma_start3A_53] : memref<6400x128xi32, #tpu.memory_space<hbm>> -> memref<40x128xi32, #tpu.memory_space<hbm>>
          tpu.enqueue_dma source(%dma_start3A_54 : memref<40x128xi32, #tpu.memory_space<hbm>>) target(%arg13 : memref<40x128xi32, #tpu.memory_space<vmem>>) target_semaphore(%run_scoped3A : memref<!tpu.dma_semaphore, #tpu.memory_space<semaphore_mem>>)
          %dma_wait3A = arith.constant 0 : i32
          %dma_wait3A_55 = tpu.memref_slice %arg6[%add3A, %dma_wait3A] : memref<6400x128xi32, #tpu.memory_space<hbm>> -> memref<40x128xi32, #tpu.memory_space<hbm>>
          %dma_wait3A_56 = arith.constant 0 : i32
          %dma_wait3A_57 = tpu.memref_slice %arg6[%add3A, %dma_wait3A_56] : memref<6400x128xi32, #tpu.memory_space<hbm>> -> memref<40x128xi32, #tpu.memory_space<hbm>>
          tpu.wait_dma2 semaphore(%run_scoped3A : memref<!tpu.dma_semaphore, #tpu.memory_space<semaphore_mem>>) src(%dma_wait3A_57 : memref<40x128xi32, #tpu.memory_space<hbm>>) dst(%arg13 : memref<40x128xi32, #tpu.memory_space<vmem>>)
          tpu.yield
        }) : () -> ()
        "tpu.region"() ({
          %run_scoped3A = tpu.sem_alloc : memref<!tpu.dma_semaphore, #tpu.memory_space<semaphore_mem>>
          %dma_start3A = arith.constant 0 : i32
          %dma_start3A_52 = tpu.memref_slice %arg7[%add3A, %dma_start3A] : memref<6400x128xi32, #tpu.memory_space<hbm>> -> memref<40x128xi32, #tpu.memory_space<hbm>>
          %dma_start3A_53 = arith.constant 0 : i32
          %dma_start3A_54 = tpu.memref_slice %arg7[%add3A, %dma_start3A_53] : memref<6400x128xi32, #tpu.memory_space<hbm>> -> memref<40x128xi32, #tpu.memory_space<hbm>>
          tpu.enqueue_dma source(%dma_start3A_54 : memref<40x128xi32, #tpu.memory_space<hbm>>) target(%arg14 : memref<40x128xi32, #tpu.memory_space<vmem>>) target_semaphore(%run_scoped3A : memref<!tpu.dma_semaphore, #tpu.memory_space<semaphore_mem>>)
          %dma_wait3A = arith.constant 0 : i32
          %dma_wait3A_55 = tpu.memref_slice %arg7[%add3A, %dma_wait3A] : memref<6400x128xi32, #tpu.memory_space<hbm>> -> memref<40x128xi32, #tpu.memory_space<hbm>>
          %dma_wait3A_56 = arith.constant 0 : i32
          %dma_wait3A_57 = tpu.memref_slice %arg7[%add3A, %dma_wait3A_56] : memref<6400x128xi32, #tpu.memory_space<hbm>> -> memref<40x128xi32, #tpu.memory_space<hbm>>
          tpu.wait_dma2 semaphore(%run_scoped3A : memref<!tpu.dma_semaphore, #tpu.memory_space<semaphore_mem>>) src(%dma_wait3A_57 : memref<40x128xi32, #tpu.memory_space<hbm>>) dst(%arg14 : memref<40x128xi32, #tpu.memory_space<vmem>>)
          tpu.yield
        }) : () -> ()
        %scan3A_47 = arith.constant 0 : i32
        %scan3A_48 = arith.constant 40 : i32
        %scan3A_49 = arith.addi %scan3A_47, %scan3A_48 : i32
        %scan3A_50 = arith.constant 1 : i32
        scf.for %scan3A_52 = %scan3A_47 to %scan3A_49 step %scan3A_50  : i32 {
          "tpu.region"() ({
            %run_scoped3A = tpu.sem_alloc : memref<!tpu.dma_semaphore, #tpu.memory_space<semaphore_mem>>
            %dma_start3A = arith.constant 0 : i32
            %dma_start3A_53 = tpu.memref_slice %arg13[%scan3A_52, %dma_start3A] : memref<40x128xi32, #tpu.memory_space<vmem>> -> memref<1x128xi32, #tpu.memory_space<vmem>>
            %dma_start3A_54 = tpu.memref_squeeze %dma_start3A_53 : memref<1x128xi32, #tpu.memory_space<vmem>> -> memref<128xi32, #tpu.memory_space<vmem>>
            %dma_start3A_55 = arith.constant 0 : i32
            %dma_start3A_56 = arith.constant 0 : i32
            %dma_start3A_57 = tpu.memref_slice %arg5[%dma_start3A_55, %dma_start3A_56] : memref<50176x32xf32, #tpu.memory_space<hbm>> -> memref<50176x32xf32, #tpu.memory_space<hbm>>
            tpu.enqueue_indirect_dma source(%dma_start3A_57 : memref<50176x32xf32, #tpu.memory_space<hbm>>) target(%arg15 : memref<128x32xf32, #tpu.memory_space<vmem>>) offsets(%dma_start3A_54 : memref<128xi32, #tpu.memory_space<vmem>>) semaphore(%run_scoped3A : memref<!tpu.dma_semaphore, #tpu.memory_space<semaphore_mem>>)
            %dma_wait3A = arith.constant 0 : i32
            %dma_wait3A_58 = tpu.memref_slice %arg13[%scan3A_52, %dma_wait3A] : memref<40x128xi32, #tpu.memory_space<vmem>> -> memref<1x128xi32, #tpu.memory_space<vmem>>
            %dma_wait3A_59 = tpu.memref_squeeze %dma_wait3A_58 : memref<1x128xi32, #tpu.memory_space<vmem>> -> memref<128xi32, #tpu.memory_space<vmem>>
            %dma_wait3A_60 = arith.constant 0 : i32
            %dma_wait3A_61 = arith.constant 0 : i32
            %dma_wait3A_62 = tpu.memref_slice %arg5[%dma_wait3A_60, %dma_wait3A_61] : memref<50176x32xf32, #tpu.memory_space<hbm>> -> memref<50176x32xf32, #tpu.memory_space<hbm>>
            tpu.wait_indirect_dma semaphore(%run_scoped3A : memref<!tpu.dma_semaphore, #tpu.memory_space<semaphore_mem>>) src(%dma_wait3A_62 : memref<50176x32xf32, #tpu.memory_space<hbm>>) dst(%arg15 : memref<128x32xf32, #tpu.memory_space<vmem>>)
            tpu.yield
          }) : () -> ()
          "tpu.region"() ({
            %run_scoped3A = tpu.sem_alloc : memref<!tpu.dma_semaphore, #tpu.memory_space<semaphore_mem>>
            %dma_start3A = arith.constant 0 : i32
            %dma_start3A_53 = tpu.memref_slice %arg14[%scan3A_52, %dma_start3A] : memref<40x128xi32, #tpu.memory_space<vmem>> -> memref<1x128xi32, #tpu.memory_space<vmem>>
            %dma_start3A_54 = tpu.memref_squeeze %dma_start3A_53 : memref<1x128xi32, #tpu.memory_space<vmem>> -> memref<128xi32, #tpu.memory_space<vmem>>
            %dma_start3A_55 = arith.constant 0 : i32
            %dma_start3A_56 = arith.constant 0 : i32
            %dma_start3A_57 = tpu.memref_slice %arg12[%dma_start3A_55, %dma_start3A_56] : memref<50176x32xf32, #tpu.memory_space<vmem_shared>> -> memref<50176x32xf32, #tpu.memory_space<vmem_shared>>
            tpu.enqueue_indirect_dma source(%arg15 : memref<128x32xf32, #tpu.memory_space<vmem>>) target(%dma_start3A_57 : memref<50176x32xf32, #tpu.memory_space<vmem_shared>>) offsets(%dma_start3A_54 : memref<128xi32, #tpu.memory_space<vmem>>) semaphore(%run_scoped3A : memref<!tpu.dma_semaphore, #tpu.memory_space<semaphore_mem>>) {add = true}
            %dma_wait3A = arith.constant 0 : i32
            %dma_wait3A_58 = tpu.memref_slice %arg14[%scan3A_52, %dma_wait3A] : memref<40x128xi32, #tpu.memory_space<vmem>> -> memref<1x128xi32, #tpu.memory_space<vmem>>
            %dma_wait3A_59 = tpu.memref_squeeze %dma_wait3A_58 : memref<1x128xi32, #tpu.memory_space<vmem>> -> memref<128xi32, #tpu.memory_space<vmem>>
            %dma_wait3A_60 = arith.constant 0 : i32
            %dma_wait3A_61 = arith.constant 0 : i32
            %dma_wait3A_62 = tpu.memref_slice %arg12[%dma_wait3A_60, %dma_wait3A_61] : memref<50176x32xf32, #tpu.memory_space<vmem_shared>> -> memref<50176x32xf32, #tpu.memory_space<vmem_shared>>
            tpu.wait_indirect_dma semaphore(%run_scoped3A : memref<!tpu.dma_semaphore, #tpu.memory_space<semaphore_mem>>) src(%arg15 : memref<128x32xf32, #tpu.memory_space<vmem>>) dst(%dma_wait3A_62 : memref<50176x32xf32, #tpu.memory_space<vmem_shared>>)
            tpu.yield
          }) : () -> ()
        }
        %scan3A_51 = arith.constant 40 : i32
      }
      %scan3A_34 = arith.constant 10 : i32
      %barrier3A_35 = arith.constant 0 : index
      tpu.barrier barrier_id(%barrier3A_35)
      %scan3A_36 = arith.constant 0 : i32
      %scan3A_37 = arith.constant 0 : i32
      %scan3A_38 = arith.constant 49 : i32
      %scan3A_39 = arith.addi %scan3A_37, %scan3A_38 : i32
      %scan3A_40 = arith.constant 1 : i32
      scf.for %scan3A_42 = %scan3A_37 to %scan3A_39 step %scan3A_40  : i32 {
        %mul3A_43 = arith.constant 64 : i32
        %mul3A_44 = arith.muli %scan3A_42, %mul3A_43 : i32
        %add3A = arith.addi %mul3A_0, %mul3A_44 : i32
        "tpu.region"() ({
          %run_scoped3A = tpu.sem_alloc : memref<!tpu.dma_semaphore, #tpu.memory_space<semaphore_mem>>
          %dma_start3A = arith.constant 0 : i32
          %dma_start3A_48 = tpu.memref_slice %arg12[%add3A, %dma_start3A] : memref<50176x32xf32, #tpu.memory_space<vmem_shared>> -> memref<64x32xf32, #tpu.memory_space<vmem_shared>>
          %dma_start3A_49 = arith.constant 0 : i32
          %dma_start3A_50 = tpu.memref_slice %arg12[%add3A, %dma_start3A_49] : memref<50176x32xf32, #tpu.memory_space<vmem_shared>> -> memref<64x32xf32, #tpu.memory_space<vmem_shared>>
          tpu.enqueue_dma source(%dma_start3A_50 : memref<64x32xf32, #tpu.memory_space<vmem_shared>>) target(%arg17 : memref<64x32xf32, #tpu.memory_space<vmem>>) target_semaphore(%run_scoped3A : memref<!tpu.dma_semaphore, #tpu.memory_space<semaphore_mem>>)
          %dma_wait3A = arith.constant 0 : i32
          %dma_wait3A_51 = tpu.memref_slice %arg12[%add3A, %dma_wait3A] : memref<50176x32xf32, #tpu.memory_space<vmem_shared>> -> memref<64x32xf32, #tpu.memory_space<vmem_shared>>
          %dma_wait3A_52 = arith.constant 0 : i32
          %dma_wait3A_53 = tpu.memref_slice %arg12[%add3A, %dma_wait3A_52] : memref<50176x32xf32, #tpu.memory_space<vmem_shared>> -> memref<64x32xf32, #tpu.memory_space<vmem_shared>>
          tpu.wait_dma2 semaphore(%run_scoped3A : memref<!tpu.dma_semaphore, #tpu.memory_space<semaphore_mem>>) src(%dma_wait3A_53 : memref<64x32xf32, #tpu.memory_space<vmem_shared>>) dst(%arg17 : memref<64x32xf32, #tpu.memory_space<vmem>>)
          tpu.yield
        }) : () -> ()
        %mul3A_45 = arith.constant 64 : i32
        %mul3A_46 = arith.muli %scan3A_42, %mul3A_45 : i32
        %add3A_47 = arith.addi %mul3A_0, %mul3A_46 : i32
        "tpu.region"() ({
          %run_scoped3A = tpu.sem_alloc : memref<!tpu.dma_semaphore, #tpu.memory_space<semaphore_mem>>
          %dma_start3A = arith.constant 0 : i32
          %dma_start3A_48 = tpu.memref_slice %arg11[%add3A_47, %dma_start3A] : memref<50176x32xf32, #tpu.memory_space<hbm>> -> memref<64x32xf32, #tpu.memory_space<hbm>>
          %dma_start3A_49 = arith.constant 0 : i32
          %dma_start3A_50 = tpu.memref_slice %arg11[%add3A_47, %dma_start3A_49] : memref<50176x32xf32, #tpu.memory_space<hbm>> -> memref<64x32xf32, #tpu.memory_space<hbm>>
          tpu.enqueue_dma source(%arg17 : memref<64x32xf32, #tpu.memory_space<vmem>>) target(%dma_start3A_50 : memref<64x32xf32, #tpu.memory_space<hbm>>) target_semaphore(%run_scoped3A : memref<!tpu.dma_semaphore, #tpu.memory_space<semaphore_mem>>)
          %dma_wait3A = arith.constant 0 : i32
          %dma_wait3A_51 = tpu.memref_slice %arg11[%add3A_47, %dma_wait3A] : memref<50176x32xf32, #tpu.memory_space<hbm>> -> memref<64x32xf32, #tpu.memory_space<hbm>>
          %dma_wait3A_52 = arith.constant 0 : i32
          %dma_wait3A_53 = tpu.memref_slice %arg11[%add3A_47, %dma_wait3A_52] : memref<50176x32xf32, #tpu.memory_space<hbm>> -> memref<64x32xf32, #tpu.memory_space<hbm>>
          tpu.wait_dma2 semaphore(%run_scoped3A : memref<!tpu.dma_semaphore, #tpu.memory_space<semaphore_mem>>) src(%arg17 : memref<64x32xf32, #tpu.memory_space<vmem>>) dst(%dma_wait3A_53 : memref<64x32xf32, #tpu.memory_space<hbm>>)
          tpu.yield
        }) : () -> ()
      }
      %scan3A_41 = arith.constant 49 : i32
    } else {
    }
    return
  }
}

module attributes {stable_mosaic.version = 14 : i64} {
  func.func @_tc1_body(%arg0: i32, %arg1: memref<2x1024x1xf32, #tpu.memory_space<vmem>>, %arg2: memref<2x1024x1xf32, #tpu.memory_space<vmem>>, %arg3: memref<1024x1xf32, #tpu.memory_space<vmem>>, %arg4: memref<1x128xf32, #tpu.memory_space<vmem>>, %arg5: memref<1x128xf32, #tpu.memory_space<vmem>>, %arg6: memref<1x128xf32, #tpu.memory_space<vmem>>, %arg7: memref<1024x32xf32, #tpu.memory_space<vmem>>, %arg8: memref<1024x32xf32, #tpu.memory_space<vmem>>, %arg9: memref<1024x32xf32, #tpu.memory_space<vmem>>, %arg10: memref<1024x32xf32, #tpu.memory_space<vmem>>, %arg11: memref<1024x1xf32, #tpu.memory_space<vmem>>) attributes {dimension_semantics = [#tpu.dimension_semantics<arbitrary>], iteration_bounds = array<i64: 49>, scalar_prefetch = 0 : i64, scratch_operands = 0 : i64, tpu.core_type = #tpu.core_type<tc>, window_params = [{transform_indices = @transform_0, window_bounds = array<i64: 2, 1024, 1>}, {transform_indices = @transform_1, window_bounds = array<i64: 2, 1024, 1>}, {transform_indices = @transform_2, window_bounds = array<i64: 1024, 1>}, {pipeline_mode = #tpu.pipeline_mode<synchronous>, transform_indices = @transform_3, window_bounds = array<i64: 1, 128>}, {pipeline_mode = #tpu.pipeline_mode<synchronous>, transform_indices = @transform_4, window_bounds = array<i64: 1, 128>}, {pipeline_mode = #tpu.pipeline_mode<synchronous>, transform_indices = @transform_5, window_bounds = array<i64: 1, 128>}, {transform_indices = @transform_6, window_bounds = array<i64: 1024, 32>}, {transform_indices = @transform_7, window_bounds = array<i64: 1024, 32>}, {transform_indices = @transform_8, window_bounds = array<i64: 1024, 32>}, {transform_indices = @transform_9, window_bounds = array<i64: 1024, 32>}, {transform_indices = @transform_10, window_bounds = array<i64: 1024, 1>}]} {
    %get3A = arith.constant 0 : index
    %get3A_0 = arith.constant 0 : index
    %get3A_1 = arith.constant 0 : index
    %get3A_2 = vector.load %arg1[%get3A, %get3A_0, %get3A_1] : memref<2x1024x1xf32, #tpu.memory_space<vmem>>, vector<1x1024x1xf32>
    %get3A_3 = vector.shape_cast %get3A_2 : vector<1x1024x1xf32> to vector<1024x1xf32>
    %get3A_4 = arith.constant 1 : index
    %get3A_5 = arith.constant 0 : index
    %get3A_6 = arith.constant 0 : index
    %get3A_7 = vector.load %arg1[%get3A_4, %get3A_5, %get3A_6] : memref<2x1024x1xf32, #tpu.memory_space<vmem>>, vector<1x1024x1xf32>
    %get3A_8 = vector.shape_cast %get3A_7 : vector<1x1024x1xf32> to vector<1024x1xf32>
    %add3A = arith.addf %get3A_3, %get3A_8 : vector<1024x1xf32>
    %get3A_9 = arith.constant 0 : index
    %get3A_10 = arith.constant 0 : index
    %get3A_11 = arith.constant 0 : index
    %get3A_12 = vector.load %arg2[%get3A_9, %get3A_10, %get3A_11] : memref<2x1024x1xf32, #tpu.memory_space<vmem>>, vector<1x1024x1xf32>
    %get3A_13 = vector.shape_cast %get3A_12 : vector<1x1024x1xf32> to vector<1024x1xf32>
    %get3A_14 = arith.constant 1 : index
    %get3A_15 = arith.constant 0 : index
    %get3A_16 = arith.constant 0 : index
    %get3A_17 = vector.load %arg2[%get3A_14, %get3A_15, %get3A_16] : memref<2x1024x1xf32, #tpu.memory_space<vmem>>, vector<1x1024x1xf32>
    %get3A_18 = vector.shape_cast %get3A_17 : vector<1x1024x1xf32> to vector<1024x1xf32>
    %add3A_19 = arith.addf %get3A_13, %get3A_18 : vector<1024x1xf32>
    %max3A = arith.constant 1.000000e+00 : f32
    %max3A_20 = vector.broadcast %max3A : f32 to vector<1024x1xf32>
    %max3A_21 = arith.maximumf %add3A_19, %max3A_20 : vector<1024x1xf32>
    %div3A = arith.constant 1.000000e+00 : f32
    %div3A_22 = vector.broadcast %div3A : f32 to vector<1024x1xf32>
    %div3A_23 = arith.divf %div3A_22, %max3A_21 : vector<1024x1xf32>
    %swap3A = arith.constant 0 : index
    %swap3A_24 = arith.constant 0 : index
    %swap3A_25 = vector.load %arg11[%swap3A, %swap3A_24] : memref<1024x1xf32, #tpu.memory_space<vmem>>, vector<1024x1xf32>
    tpu.vector_store %arg11[%swap3A, %swap3A_24], %div3A_23 {strides = array<i32>} : memref<1024x1xf32, #tpu.memory_space<vmem>>, vector<1024x1xf32>,
    %mul3A = arith.mulf %add3A, %div3A_23 : vector<1024x1xf32>
    %get3A_26 = arith.constant 0 : index
    %get3A_27 = arith.constant 0 : index
    %get3A_28 = vector.load %arg4[%get3A_26, %get3A_27] : memref<1x128xf32, #tpu.memory_space<vmem>>, vector<1x128xf32>
    %mul3A_29 = vector.broadcast %mul3A : vector<1024x1xf32> to vector<1024x128xf32>
    %mul3A_30 = vector.broadcast %get3A_28 : vector<1x128xf32> to vector<1024x128xf32>
    %mul3A_31 = arith.mulf %mul3A_29, %mul3A_30 : vector<1024x128xf32>
    %get3A_32 = arith.constant 0 : index
    %get3A_33 = arith.constant 0 : index
    %get3A_34 = vector.load %arg3[%get3A_32, %get3A_33] : memref<1024x1xf32, #tpu.memory_space<vmem>>, vector<1024x1xf32>
    %get3A_35 = arith.constant 0 : index
    %get3A_36 = arith.constant 0 : index
    %get3A_37 = vector.load %arg5[%get3A_35, %get3A_36] : memref<1x128xf32, #tpu.memory_space<vmem>>, vector<1x128xf32>
    %mul3A_38 = vector.broadcast %get3A_34 : vector<1024x1xf32> to vector<1024x128xf32>
    %mul3A_39 = vector.broadcast %get3A_37 : vector<1x128xf32> to vector<1024x128xf32>
    %mul3A_40 = arith.mulf %mul3A_38, %mul3A_39 : vector<1024x128xf32>
    %add3A_41 = arith.addf %mul3A_31, %mul3A_40 : vector<1024x128xf32>
    %get3A_42 = arith.constant 0 : index
    %get3A_43 = arith.constant 0 : index
    %get3A_44 = vector.load %arg6[%get3A_42, %get3A_43] : memref<1x128xf32, #tpu.memory_space<vmem>>, vector<1x128xf32>
    %add3A_45 = vector.broadcast %get3A_44 : vector<1x128xf32> to vector<1024x128xf32>
    %add3A_46 = arith.addf %add3A_41, %add3A_45 : vector<1024x128xf32>
    %max3A_47 = arith.constant 0.000000e+00 : f32
    %max3A_48 = vector.broadcast %max3A_47 : f32 to vector<1024x128xf32>
    %max3A_49 = arith.maximumf %add3A_46, %max3A_48 : vector<1024x128xf32>
    %slice3A = vector.extract_strided_slice %max3A_49 {offsets = [0, 0], sizes = [1024, 32], strides = [1, 1]} : vector<1024x128xf32> to vector<1024x32xf32>
    %swap3A_50 = arith.constant 0 : index
    %swap3A_51 = arith.constant 0 : index
    %swap3A_52 = vector.load %arg7[%swap3A_50, %swap3A_51] : memref<1024x32xf32, #tpu.memory_space<vmem>>, vector<1024x32xf32>
    tpu.vector_store %arg7[%swap3A_50, %swap3A_51], %slice3A {strides = array<i32>} : memref<1024x32xf32, #tpu.memory_space<vmem>>, vector<1024x32xf32>,
    %slice3A_53 = vector.extract_strided_slice %max3A_49 {offsets = [0, 32], sizes = [1024, 32], strides = [1, 1]} : vector<1024x128xf32> to vector<1024x32xf32>
    %swap3A_54 = arith.constant 0 : index
    %swap3A_55 = arith.constant 0 : index
    %swap3A_56 = vector.load %arg8[%swap3A_54, %swap3A_55] : memref<1024x32xf32, #tpu.memory_space<vmem>>, vector<1024x32xf32>
    tpu.vector_store %arg8[%swap3A_54, %swap3A_55], %slice3A_53 {strides = array<i32>} : memref<1024x32xf32, #tpu.memory_space<vmem>>, vector<1024x32xf32>,
    %slice3A_57 = vector.extract_strided_slice %max3A_49 {offsets = [0, 64], sizes = [1024, 32], strides = [1, 1]} : vector<1024x128xf32> to vector<1024x32xf32>
    %swap3A_58 = arith.constant 0 : index
    %swap3A_59 = arith.constant 0 : index
    %swap3A_60 = vector.load %arg9[%swap3A_58, %swap3A_59] : memref<1024x32xf32, #tpu.memory_space<vmem>>, vector<1024x32xf32>
    tpu.vector_store %arg9[%swap3A_58, %swap3A_59], %slice3A_57 {strides = array<i32>} : memref<1024x32xf32, #tpu.memory_space<vmem>>, vector<1024x32xf32>,
    %slice3A_61 = vector.extract_strided_slice %max3A_49 {offsets = [0, 96], sizes = [1024, 32], strides = [1, 1]} : vector<1024x128xf32> to vector<1024x32xf32>
    %swap3A_62 = arith.constant 0 : index
    %swap3A_63 = arith.constant 0 : index
    %swap3A_64 = vector.load %arg10[%swap3A_62, %swap3A_63] : memref<1024x32xf32, #tpu.memory_space<vmem>>, vector<1024x32xf32>
    tpu.vector_store %arg10[%swap3A_62, %swap3A_63], %slice3A_61 {strides = array<i32>} : memref<1024x32xf32, #tpu.memory_space<vmem>>, vector<1024x32xf32>,
    return
  }
  func.func @transform_0(%arg0: i32) -> (i32, i32, i32) {
    %c0_i32 = arith.constant 0 : i32
    %c0_i32_0 = arith.constant 0 : i32
    %c0_i32_1 = arith.constant 0 : i32
    return %c0_i32, %arg0, %c0_i32_0 : i32, i32, i32
  }
  func.func @transform_1(%arg0: i32) -> (i32, i32, i32) {
    %c0_i32 = arith.constant 0 : i32
    %c0_i32_0 = arith.constant 0 : i32
    %c0_i32_1 = arith.constant 0 : i32
    return %c0_i32, %arg0, %c0_i32_0 : i32, i32, i32
  }
  func.func @transform_2(%arg0: i32) -> (i32, i32) {
    %c0_i32 = arith.constant 0 : i32
    %c0_i32_0 = arith.constant 0 : i32
    return %arg0, %c0_i32 : i32, i32
  }
  func.func @transform_3(%arg0: i32) -> (i32, i32) {
    %c0_i32 = arith.constant 0 : i32
    %c0_i32_0 = arith.constant 0 : i32
    %c0_i32_1 = arith.constant 0 : i32
    return %c0_i32, %c0_i32_0 : i32, i32
  }
  func.func @transform_4(%arg0: i32) -> (i32, i32) {
    %c0_i32 = arith.constant 0 : i32
    %c0_i32_0 = arith.constant 0 : i32
    %c0_i32_1 = arith.constant 0 : i32
    return %c0_i32, %c0_i32_0 : i32, i32
  }
  func.func @transform_5(%arg0: i32) -> (i32, i32) {
    %c0_i32 = arith.constant 0 : i32
    %c0_i32_0 = arith.constant 0 : i32
    %c0_i32_1 = arith.constant 0 : i32
    return %c0_i32, %c0_i32_0 : i32, i32
  }
  func.func @transform_6(%arg0: i32) -> (i32, i32) {
    %c0_i32 = arith.constant 0 : i32
    %c0_i32_0 = arith.constant 0 : i32
    return %arg0, %c0_i32 : i32, i32
  }
  func.func @transform_7(%arg0: i32) -> (i32, i32) {
    %c0_i32 = arith.constant 0 : i32
    %c0_i32_0 = arith.constant 0 : i32
    return %arg0, %c0_i32 : i32, i32
  }
  func.func @transform_8(%arg0: i32) -> (i32, i32) {
    %c0_i32 = arith.constant 0 : i32
    %c0_i32_0 = arith.constant 0 : i32
    return %arg0, %c0_i32 : i32, i32
  }
  func.func @transform_9(%arg0: i32) -> (i32, i32) {
    %c0_i32 = arith.constant 0 : i32
    %c0_i32_0 = arith.constant 0 : i32
    return %arg0, %c0_i32 : i32, i32
  }
  func.func @transform_10(%arg0: i32) -> (i32, i32) {
    %c0_i32 = arith.constant 0 : i32
    %c0_i32_0 = arith.constant 0 : i32
    return %arg0, %c0_i32 : i32, i32
  }
}

module attributes {stable_mosaic.version = 14 : i64} {
  func.func @_tc2_body(%arg0: i32, %arg1: memref<512x32xf32, #tpu.memory_space<vmem>>, %arg2: memref<512x32xf32, #tpu.memory_space<vmem>>, %arg3: memref<512x32xf32, #tpu.memory_space<vmem>>, %arg4: memref<512x32xf32, #tpu.memory_space<vmem>>, %arg5: memref<512x1xf32, #tpu.memory_space<vmem>>, %arg6: memref<512x32xf32, #tpu.memory_space<vmem>>, %arg7: memref<512x32xf32, #tpu.memory_space<vmem>>, %arg8: memref<512x32xf32, #tpu.memory_space<vmem>>, %arg9: memref<512x32xf32, #tpu.memory_space<vmem>>, %arg10: memref<128x256xf32, #tpu.memory_space<vmem>>, %arg11: memref<128x256xf32, #tpu.memory_space<vmem>>, %arg12: memref<1x256xf32, #tpu.memory_space<vmem>>, %arg13: memref<256x128xf32, #tpu.memory_space<vmem>>, %arg14: memref<256x128xf32, #tpu.memory_space<vmem>>, %arg15: memref<512x32xf32, #tpu.memory_space<vmem>>, %arg16: memref<512x32xf32, #tpu.memory_space<vmem>>, %arg17: memref<512x32xf32, #tpu.memory_space<vmem>>, %arg18: memref<512x32xf32, #tpu.memory_space<vmem>>, %arg19: memref<512x128xf32, #tpu.memory_space<vmem>>) attributes {dimension_semantics = [#tpu.dimension_semantics<arbitrary>], iteration_bounds = array<i64: 98>, scalar_prefetch = 0 : i64, scratch_operands = 0 : i64, tpu.core_type = #tpu.core_type<tc>, window_params = [{transform_indices = @transform_0, window_bounds = array<i64: 512, 32>}, {transform_indices = @transform_1, window_bounds = array<i64: 512, 32>}, {transform_indices = @transform_2, window_bounds = array<i64: 512, 32>}, {transform_indices = @transform_3, window_bounds = array<i64: 512, 32>}, {transform_indices = @transform_4, window_bounds = array<i64: 512, 1>}, {transform_indices = @transform_5, window_bounds = array<i64: 512, 32>}, {transform_indices = @transform_6, window_bounds = array<i64: 512, 32>}, {transform_indices = @transform_7, window_bounds = array<i64: 512, 32>}, {transform_indices = @transform_8, window_bounds = array<i64: 512, 32>}, {pipeline_mode = #tpu.pipeline_mode<synchronous>, transform_indices = @transform_9, window_bounds = array<i64: 128, 256>}, {pipeline_mode = #tpu.pipeline_mode<synchronous>, transform_indices = @transform_10, window_bounds = array<i64: 128, 256>}, {pipeline_mode = #tpu.pipeline_mode<synchronous>, transform_indices = @transform_11, window_bounds = array<i64: 1, 256>}, {pipeline_mode = #tpu.pipeline_mode<synchronous>, transform_indices = @transform_12, window_bounds = array<i64: 256, 128>}, {pipeline_mode = #tpu.pipeline_mode<synchronous>, transform_indices = @transform_13, window_bounds = array<i64: 256, 128>}, {transform_indices = @transform_14, window_bounds = array<i64: 512, 32>}, {transform_indices = @transform_15, window_bounds = array<i64: 512, 32>}, {transform_indices = @transform_16, window_bounds = array<i64: 512, 32>}, {transform_indices = @transform_17, window_bounds = array<i64: 512, 32>}, {transform_indices = @transform_18, window_bounds = array<i64: 512, 128>}]} {
    %get3A = arith.constant 0 : index
    %get3A_0 = arith.constant 0 : index
    %get3A_1 = vector.load %arg1[%get3A, %get3A_0] : memref<512x32xf32, #tpu.memory_space<vmem>>, vector<512x32xf32>
    %get3A_2 = arith.constant 0 : index
    %get3A_3 = arith.constant 0 : index
    %get3A_4 = vector.load %arg2[%get3A_2, %get3A_3] : memref<512x32xf32, #tpu.memory_space<vmem>>, vector<512x32xf32>
    %get3A_5 = arith.constant 0 : index
    %get3A_6 = arith.constant 0 : index
    %get3A_7 = vector.load %arg3[%get3A_5, %get3A_6] : memref<512x32xf32, #tpu.memory_space<vmem>>, vector<512x32xf32>
    %get3A_8 = arith.constant 0 : index
    %get3A_9 = arith.constant 0 : index
    %get3A_10 = vector.load %arg4[%get3A_8, %get3A_9] : memref<512x32xf32, #tpu.memory_space<vmem>>, vector<512x32xf32>
    %concatenate3A = tpu.concatenate %get3A_1, %get3A_4, %get3A_7, %get3A_10 in 1 : vector<512x32xf32>, vector<512x32xf32>, vector<512x32xf32>, vector<512x32xf32> -> vector<512x128xf32>
    %get3A_11 = arith.constant 0 : index
    %get3A_12 = arith.constant 0 : index
    %get3A_13 = vector.load %arg5[%get3A_11, %get3A_12] : memref<512x1xf32, #tpu.memory_space<vmem>>, vector<512x1xf32>
    %mul3A = vector.broadcast %get3A_13 : vector<512x1xf32> to vector<512x128xf32>
    %mul3A_14 = arith.mulf %concatenate3A, %mul3A : vector<512x128xf32>
    %get3A_15 = arith.constant 0 : index
    %get3A_16 = arith.constant 0 : index
    %get3A_17 = vector.load %arg6[%get3A_15, %get3A_16] : memref<512x32xf32, #tpu.memory_space<vmem>>, vector<512x32xf32>
    %get3A_18 = arith.constant 0 : index
    %get3A_19 = arith.constant 0 : index
    %get3A_20 = vector.load %arg7[%get3A_18, %get3A_19] : memref<512x32xf32, #tpu.memory_space<vmem>>, vector<512x32xf32>
    %get3A_21 = arith.constant 0 : index
    %get3A_22 = arith.constant 0 : index
    %get3A_23 = vector.load %arg8[%get3A_21, %get3A_22] : memref<512x32xf32, #tpu.memory_space<vmem>>, vector<512x32xf32>
    %get3A_24 = arith.constant 0 : index
    %get3A_25 = arith.constant 0 : index
    %get3A_26 = vector.load %arg9[%get3A_24, %get3A_25] : memref<512x32xf32, #tpu.memory_space<vmem>>, vector<512x32xf32>
    %concatenate3A_27 = tpu.concatenate %get3A_17, %get3A_20, %get3A_23, %get3A_26 in 1 : vector<512x32xf32>, vector<512x32xf32>, vector<512x32xf32>, vector<512x32xf32> -> vector<512x128xf32>
    %get3A_28 = arith.constant 0 : index
    %get3A_29 = arith.constant 0 : index
    %get3A_30 = vector.load %arg10[%get3A_28, %get3A_29] : memref<128x256xf32, #tpu.memory_space<vmem>>, vector<128x256xf32>
    %dot_general3A = arith.constant dense<0.000000e+00> : vector<512x256xf32>
    %dot_general3A_31 = tpu.matmul %mul3A_14, %get3A_30, %dot_general3A {dimension_numbers = #tpu.dot_dimension_numbers<[1], [0], [0], [1], [0, 0, 1, 1], [], []>, transpose_lhs_hint = false} : vector<512x128xf32>, vector<128x256xf32>, vector<512x256xf32> -> vector<512x256xf32>
    %get3A_32 = arith.constant 0 : index
    %get3A_33 = arith.constant 0 : index
    %get3A_34 = vector.load %arg11[%get3A_32, %get3A_33] : memref<128x256xf32, #tpu.memory_space<vmem>>, vector<128x256xf32>
    %dot_general3A_35 = arith.constant dense<0.000000e+00> : vector<512x256xf32>
    %dot_general3A_36 = tpu.matmul %concatenate3A_27, %get3A_34, %dot_general3A_35 {dimension_numbers = #tpu.dot_dimension_numbers<[1], [0], [0], [1], [0, 0, 1, 1], [], []>, transpose_lhs_hint = false} : vector<512x128xf32>, vector<128x256xf32>, vector<512x256xf32> -> vector<512x256xf32>
    %add3A = arith.addf %dot_general3A_31, %dot_general3A_36 : vector<512x256xf32>
    %get3A_37 = arith.constant 0 : index
    %get3A_38 = arith.constant 0 : index
    %get3A_39 = vector.load %arg12[%get3A_37, %get3A_38] : memref<1x256xf32, #tpu.memory_space<vmem>>, vector<1x256xf32>
    %add3A_40 = vector.broadcast %get3A_39 : vector<1x256xf32> to vector<512x256xf32>
    %add3A_41 = arith.addf %add3A, %add3A_40 : vector<512x256xf32>
    %max3A = arith.constant 0.000000e+00 : f32
    %max3A_42 = vector.broadcast %max3A : f32 to vector<512x256xf32>
    %max3A_43 = arith.maximumf %add3A_41, %max3A_42 : vector<512x256xf32>
    %get3A_44 = arith.constant 0 : index
    %get3A_45 = arith.constant 0 : index
    %get3A_46 = vector.load %arg13[%get3A_44, %get3A_45] : memref<256x128xf32, #tpu.memory_space<vmem>>, vector<256x128xf32>
    %dot_general3A_47 = arith.constant dense<0.000000e+00> : vector<512x128xf32>
    %dot_general3A_48 = tpu.matmul %max3A_43, %get3A_46, %dot_general3A_47 {dimension_numbers = #tpu.dot_dimension_numbers<[1], [0], [0], [1], [0, 0, 1, 1], [], []>, transpose_lhs_hint = false} : vector<512x256xf32>, vector<256x128xf32>, vector<512x128xf32> -> vector<512x128xf32>
    %get3A_49 = arith.constant 0 : index
    %get3A_50 = arith.constant 0 : index
    %get3A_51 = vector.load %arg14[%get3A_49, %get3A_50] : memref<256x128xf32, #tpu.memory_space<vmem>>, vector<256x128xf32>
    %dot_general3A_52 = arith.constant dense<0.000000e+00> : vector<512x128xf32>
    %dot_general3A_53 = tpu.matmul %max3A_43, %get3A_51, %dot_general3A_52 {dimension_numbers = #tpu.dot_dimension_numbers<[1], [0], [0], [1], [0, 0, 1, 1], [], []>, transpose_lhs_hint = false} : vector<512x256xf32>, vector<256x128xf32>, vector<512x128xf32> -> vector<512x128xf32>
    %swap3A = arith.constant 0 : index
    %swap3A_54 = arith.constant 0 : index
    %swap3A_55 = vector.load %arg19[%swap3A, %swap3A_54] : memref<512x128xf32, #tpu.memory_space<vmem>>, vector<512x128xf32>
    tpu.vector_store %arg19[%swap3A, %swap3A_54], %dot_general3A_53 {strides = array<i32>} : memref<512x128xf32, #tpu.memory_space<vmem>>, vector<512x128xf32>,
    %slice3A = vector.extract_strided_slice %dot_general3A_48 {offsets = [0, 0], sizes = [512, 32], strides = [1, 1]} : vector<512x128xf32> to vector<512x32xf32>
    %swap3A_56 = arith.constant 0 : index
    %swap3A_57 = arith.constant 0 : index
    %swap3A_58 = vector.load %arg15[%swap3A_56, %swap3A_57] : memref<512x32xf32, #tpu.memory_space<vmem>>, vector<512x32xf32>
    tpu.vector_store %arg15[%swap3A_56, %swap3A_57], %slice3A {strides = array<i32>} : memref<512x32xf32, #tpu.memory_space<vmem>>, vector<512x32xf32>,
    %slice3A_59 = vector.extract_strided_slice %dot_general3A_48 {offsets = [0, 32], sizes = [512, 32], strides = [1, 1]} : vector<512x128xf32> to vector<512x32xf32>
    %swap3A_60 = arith.constant 0 : index
    %swap3A_61 = arith.constant 0 : index
    %swap3A_62 = vector.load %arg16[%swap3A_60, %swap3A_61] : memref<512x32xf32, #tpu.memory_space<vmem>>, vector<512x32xf32>
    tpu.vector_store %arg16[%swap3A_60, %swap3A_61], %slice3A_59 {strides = array<i32>} : memref<512x32xf32, #tpu.memory_space<vmem>>, vector<512x32xf32>,
    %slice3A_63 = vector.extract_strided_slice %dot_general3A_48 {offsets = [0, 64], sizes = [512, 32], strides = [1, 1]} : vector<512x128xf32> to vector<512x32xf32>
    %swap3A_64 = arith.constant 0 : index
    %swap3A_65 = arith.constant 0 : index
    %swap3A_66 = vector.load %arg17[%swap3A_64, %swap3A_65] : memref<512x32xf32, #tpu.memory_space<vmem>>, vector<512x32xf32>
    tpu.vector_store %arg17[%swap3A_64, %swap3A_65], %slice3A_63 {strides = array<i32>} : memref<512x32xf32, #tpu.memory_space<vmem>>, vector<512x32xf32>,
    %slice3A_67 = vector.extract_strided_slice %dot_general3A_48 {offsets = [0, 96], sizes = [512, 32], strides = [1, 1]} : vector<512x128xf32> to vector<512x32xf32>
    %swap3A_68 = arith.constant 0 : index
    %swap3A_69 = arith.constant 0 : index
    %swap3A_70 = vector.load %arg18[%swap3A_68, %swap3A_69] : memref<512x32xf32, #tpu.memory_space<vmem>>, vector<512x32xf32>
    tpu.vector_store %arg18[%swap3A_68, %swap3A_69], %slice3A_67 {strides = array<i32>} : memref<512x32xf32, #tpu.memory_space<vmem>>, vector<512x32xf32>,
    return
  }
  func.func @transform_0(%arg0: i32) -> (i32, i32) {
    %c0_i32 = arith.constant 0 : i32
    %c0_i32_0 = arith.constant 0 : i32
    return %arg0, %c0_i32 : i32, i32
  }
  func.func @transform_1(%arg0: i32) -> (i32, i32) {
    %c0_i32 = arith.constant 0 : i32
    %c0_i32_0 = arith.constant 0 : i32
    return %arg0, %c0_i32 : i32, i32
  }
  func.func @transform_2(%arg0: i32) -> (i32, i32) {
    %c0_i32 = arith.constant 0 : i32
    %c0_i32_0 = arith.constant 0 : i32
    return %arg0, %c0_i32 : i32, i32
  }
  func.func @transform_3(%arg0: i32) -> (i32, i32) {
    %c0_i32 = arith.constant 0 : i32
    %c0_i32_0 = arith.constant 0 : i32
    return %arg0, %c0_i32 : i32, i32
  }
  func.func @transform_4(%arg0: i32) -> (i32, i32) {
    %c0_i32 = arith.constant 0 : i32
    %c0_i32_0 = arith.constant 0 : i32
    return %arg0, %c0_i32 : i32, i32
  }
  func.func @transform_5(%arg0: i32) -> (i32, i32) {
    %c0_i32 = arith.constant 0 : i32
    %c0_i32_0 = arith.constant 0 : i32
    return %arg0, %c0_i32 : i32, i32
  }
  func.func @transform_6(%arg0: i32) -> (i32, i32) {
    %c0_i32 = arith.constant 0 : i32
    %c0_i32_0 = arith.constant 0 : i32
    return %arg0, %c0_i32 : i32, i32
  }
  func.func @transform_7(%arg0: i32) -> (i32, i32) {
    %c0_i32 = arith.constant 0 : i32
    %c0_i32_0 = arith.constant 0 : i32
    return %arg0, %c0_i32 : i32, i32
  }
  func.func @transform_8(%arg0: i32) -> (i32, i32) {
    %c0_i32 = arith.constant 0 : i32
    %c0_i32_0 = arith.constant 0 : i32
    return %arg0, %c0_i32 : i32, i32
  }
  func.func @transform_9(%arg0: i32) -> (i32, i32) {
    %c0_i32 = arith.constant 0 : i32
    %c0_i32_0 = arith.constant 0 : i32
    %c0_i32_1 = arith.constant 0 : i32
    return %c0_i32, %c0_i32_0 : i32, i32
  }
  func.func @transform_10(%arg0: i32) -> (i32, i32) {
    %c0_i32 = arith.constant 0 : i32
    %c0_i32_0 = arith.constant 0 : i32
    %c0_i32_1 = arith.constant 0 : i32
    return %c0_i32, %c0_i32_0 : i32, i32
  }
  func.func @transform_11(%arg0: i32) -> (i32, i32) {
    %c0_i32 = arith.constant 0 : i32
    %c0_i32_0 = arith.constant 0 : i32
    %c0_i32_1 = arith.constant 0 : i32
    return %c0_i32, %c0_i32_0 : i32, i32
  }
  func.func @transform_12(%arg0: i32) -> (i32, i32) {
    %c0_i32 = arith.constant 0 : i32
    %c0_i32_0 = arith.constant 0 : i32
    %c0_i32_1 = arith.constant 0 : i32
    return %c0_i32, %c0_i32_0 : i32, i32
  }
  func.func @transform_13(%arg0: i32) -> (i32, i32) {
    %c0_i32 = arith.constant 0 : i32
    %c0_i32_0 = arith.constant 0 : i32
    %c0_i32_1 = arith.constant 0 : i32
    return %c0_i32, %c0_i32_0 : i32, i32
  }
  func.func @transform_14(%arg0: i32) -> (i32, i32) {
    %c0_i32 = arith.constant 0 : i32
    %c0_i32_0 = arith.constant 0 : i32
    return %arg0, %c0_i32 : i32, i32
  }
  func.func @transform_15(%arg0: i32) -> (i32, i32) {
    %c0_i32 = arith.constant 0 : i32
    %c0_i32_0 = arith.constant 0 : i32
    return %arg0, %c0_i32 : i32, i32
  }
  func.func @transform_16(%arg0: i32) -> (i32, i32) {
    %c0_i32 = arith.constant 0 : i32
    %c0_i32_0 = arith.constant 0 : i32
    return %arg0, %c0_i32 : i32, i32
  }
  func.func @transform_17(%arg0: i32) -> (i32, i32) {
    %c0_i32 = arith.constant 0 : i32
    %c0_i32_0 = arith.constant 0 : i32
    return %arg0, %c0_i32 : i32, i32
  }
  func.func @transform_18(%arg0: i32) -> (i32, i32) {
    %c0_i32 = arith.constant 0 : i32
    %c0_i32_0 = arith.constant 0 : i32
    return %arg0, %c0_i32 : i32, i32
  }
}

module attributes {stable_mosaic.version = 14 : i64} {
  func.func @_tc3_body(%arg0: i32, %arg1: memref<512x32xf32, #tpu.memory_space<vmem>>, %arg2: memref<512x32xf32, #tpu.memory_space<vmem>>, %arg3: memref<512x32xf32, #tpu.memory_space<vmem>>, %arg4: memref<512x32xf32, #tpu.memory_space<vmem>>, %arg5: memref<512x1xf32, #tpu.memory_space<vmem>>, %arg6: memref<512x128xf32, #tpu.memory_space<vmem>>, %arg7: memref<1x128xf32, #tpu.memory_space<vmem>>, %arg8: memref<128x10xf32, #tpu.memory_space<vmem>>, %arg9: memref<1x10xf32, #tpu.memory_space<vmem>>, %arg10: memref<1x10xf32, #tpu.memory_space<vmem>>, %arg11: memref<8x128xf32, #tpu.memory_space<vmem>>) attributes {dimension_semantics = [#tpu.dimension_semantics<arbitrary>], iteration_bounds = array<i64: 98>, scalar_prefetch = 0 : i64, scratch_operands = 1 : i64, tpu.core_type = #tpu.core_type<tc>, window_params = [{transform_indices = @transform_0, window_bounds = array<i64: 512, 32>}, {transform_indices = @transform_1, window_bounds = array<i64: 512, 32>}, {transform_indices = @transform_2, window_bounds = array<i64: 512, 32>}, {transform_indices = @transform_3, window_bounds = array<i64: 512, 32>}, {transform_indices = @transform_4, window_bounds = array<i64: 512, 1>}, {transform_indices = @transform_5, window_bounds = array<i64: 512, 128>}, {pipeline_mode = #tpu.pipeline_mode<synchronous>, transform_indices = @transform_6, window_bounds = array<i64: 1, 128>}, {pipeline_mode = #tpu.pipeline_mode<synchronous>, transform_indices = @transform_7, window_bounds = array<i64: 128, 10>}, {pipeline_mode = #tpu.pipeline_mode<synchronous>, transform_indices = @transform_8, window_bounds = array<i64: 1, 10>}, {pipeline_mode = #tpu.pipeline_mode<synchronous>, transform_indices = @transform_9, window_bounds = array<i64: 1, 10>}]} {
    %eq3A = arith.constant 0 : i32
    %eq3A_0 = arith.cmpi eq, %arg0, %eq3A : i32
    %convert_element_type3A = arith.extui %eq3A_0 : i1 to i32
    %cond3A = arith.constant 0 : i32
    %cond3A_1 = arith.cmpi ne, %convert_element_type3A, %cond3A : i32
    scf.if %cond3A_1 {
      %broadcast_in_dim3A_45 = arith.constant 0.000000e+00 : f32
      %broadcast_in_dim3A_46 = vector.broadcast %broadcast_in_dim3A_45 : f32 to vector<8x128xf32>
      %swap3A_47 = arith.constant 0 : index
      %swap3A_48 = arith.constant 0 : index
      %swap3A_49 = vector.load %arg11[%swap3A_47, %swap3A_48] : memref<8x128xf32, #tpu.memory_space<vmem>>, vector<8x128xf32>
      tpu.vector_store %arg11[%swap3A_47, %swap3A_48], %broadcast_in_dim3A_46 {strides = array<i32>} : memref<8x128xf32, #tpu.memory_space<vmem>>, vector<8x128xf32>,
    } else {
    }
    %get3A = arith.constant 0 : index
    %get3A_2 = arith.constant 0 : index
    %get3A_3 = vector.load %arg1[%get3A, %get3A_2] : memref<512x32xf32, #tpu.memory_space<vmem>>, vector<512x32xf32>
    %get3A_4 = arith.constant 0 : index
    %get3A_5 = arith.constant 0 : index
    %get3A_6 = vector.load %arg2[%get3A_4, %get3A_5] : memref<512x32xf32, #tpu.memory_space<vmem>>, vector<512x32xf32>
    %get3A_7 = arith.constant 0 : index
    %get3A_8 = arith.constant 0 : index
    %get3A_9 = vector.load %arg3[%get3A_7, %get3A_8] : memref<512x32xf32, #tpu.memory_space<vmem>>, vector<512x32xf32>
    %get3A_10 = arith.constant 0 : index
    %get3A_11 = arith.constant 0 : index
    %get3A_12 = vector.load %arg4[%get3A_10, %get3A_11] : memref<512x32xf32, #tpu.memory_space<vmem>>, vector<512x32xf32>
    %concatenate3A = tpu.concatenate %get3A_3, %get3A_6, %get3A_9, %get3A_12 in 1 : vector<512x32xf32>, vector<512x32xf32>, vector<512x32xf32>, vector<512x32xf32> -> vector<512x128xf32>
    %get3A_13 = arith.constant 0 : index
    %get3A_14 = arith.constant 0 : index
    %get3A_15 = vector.load %arg5[%get3A_13, %get3A_14] : memref<512x1xf32, #tpu.memory_space<vmem>>, vector<512x1xf32>
    %mul3A = vector.broadcast %get3A_15 : vector<512x1xf32> to vector<512x128xf32>
    %mul3A_16 = arith.mulf %concatenate3A, %mul3A : vector<512x128xf32>
    %get3A_17 = arith.constant 0 : index
    %get3A_18 = arith.constant 0 : index
    %get3A_19 = vector.load %arg6[%get3A_17, %get3A_18] : memref<512x128xf32, #tpu.memory_space<vmem>>, vector<512x128xf32>
    %add3A = arith.addf %mul3A_16, %get3A_19 : vector<512x128xf32>
    %get3A_20 = arith.constant 0 : index
    %get3A_21 = arith.constant 0 : index
    %get3A_22 = vector.load %arg7[%get3A_20, %get3A_21] : memref<1x128xf32, #tpu.memory_space<vmem>>, vector<1x128xf32>
    %add3A_23 = vector.broadcast %get3A_22 : vector<1x128xf32> to vector<512x128xf32>
    %add3A_24 = arith.addf %add3A, %add3A_23 : vector<512x128xf32>
    %max3A = arith.constant 0.000000e+00 : f32
    %max3A_25 = vector.broadcast %max3A : f32 to vector<512x128xf32>
    %max3A_26 = arith.maximumf %add3A_24, %max3A_25 : vector<512x128xf32>
    %mul3A_27 = arith.constant 512 : i32
    %mul3A_28 = arith.muli %arg0, %mul3A_27 : i32
    %iota3A = tpu.iota {dimensions = array<i32: 0>} : vector<512x128xi32>
    %add3A_29 = vector.broadcast %mul3A_28 : i32 to vector<512x128xi32>
    %add3A_30 = arith.addi %add3A_29, %iota3A : vector<512x128xi32>
    %lt3A = arith.constant 50000 : i32
    %lt3A_31 = vector.broadcast %lt3A : i32 to vector<512x128xi32>
    %lt3A_32 = arith.cmpi slt, %add3A_30, %lt3A_31 : vector<512x128xi32>
    %jit3A = arith.constant 0.000000e+00 : f32
    %broadcast_in_dim3A = vector.broadcast %jit3A : f32 to vector<512x128xf32>
    %select_n3A = arith.select %lt3A_32, %max3A_26, %broadcast_in_dim3A : vector<512x128xi1>, vector<512x128xf32>
    %get3A_33 = arith.constant 0 : index
    %get3A_34 = arith.constant 0 : index
    %get3A_35 = vector.load %arg11[%get3A_33, %get3A_34] : memref<8x128xf32, #tpu.memory_space<vmem>>, vector<8x128xf32>
    %reshape3A = vector.shape_cast %select_n3A : vector<512x128xf32> to vector<64x8x128xf32>
    %reduce_sum3A = arith.constant dense<0.000000e+00> : vector<8x128xf32>
    %reduce_sum3A_36 = vector.multi_reduction <add>, %reshape3A, %reduce_sum3A [0] : vector<64x8x128xf32> to vector<8x128xf32>
    %add3A_37 = arith.addf %get3A_35, %reduce_sum3A_36 : vector<8x128xf32>
    %swap3A = arith.constant 0 : index
    %swap3A_38 = arith.constant 0 : index
    %swap3A_39 = vector.load %arg11[%swap3A, %swap3A_38] : memref<8x128xf32, #tpu.memory_space<vmem>>, vector<8x128xf32>
    tpu.vector_store %arg11[%swap3A, %swap3A_38], %add3A_37 {strides = array<i32>} : memref<8x128xf32, #tpu.memory_space<vmem>>, vector<8x128xf32>,
    %eq3A_40 = arith.constant 97 : i32
    %eq3A_41 = arith.cmpi eq, %arg0, %eq3A_40 : i32
    %convert_element_type3A_42 = arith.extui %eq3A_41 : i1 to i32
    %cond3A_43 = arith.constant 0 : i32
    %cond3A_44 = arith.cmpi ne, %convert_element_type3A_42, %cond3A_43 : i32
    scf.if %cond3A_44 {
      %get3A_45 = arith.constant 0 : index
      %get3A_46 = arith.constant 0 : index
      %get3A_47 = vector.load %arg11[%get3A_45, %get3A_46] : memref<8x128xf32, #tpu.memory_space<vmem>>, vector<8x128xf32>
      %reduce_sum3A_48 = arith.constant dense<0.000000e+00> : vector<128xf32>
      %reduce_sum3A_49 = vector.multi_reduction <add>, %get3A_47, %reduce_sum3A_48 [0] : vector<8x128xf32> to vector<128xf32>
      %broadcast_in_dim3A_50 = vector.shape_cast %reduce_sum3A_49 : vector<128xf32> to vector<1x128xf32>
      %mul3A_51 = arith.constant 2.000000e-05 : f32
      %mul3A_52 = vector.broadcast %mul3A_51 : f32 to vector<1x128xf32>
      %mul3A_53 = arith.mulf %broadcast_in_dim3A_50, %mul3A_52 : vector<1x128xf32>
      %get3A_54 = arith.constant 0 : index
      %get3A_55 = arith.constant 0 : index
      %get3A_56 = vector.load %arg8[%get3A_54, %get3A_55] : memref<128x10xf32, #tpu.memory_space<vmem>>, vector<128x10xf32>
      %dot_general3A = arith.constant dense<0.000000e+00> : vector<1x10xf32>
      %dot_general3A_57 = tpu.matmul %mul3A_53, %get3A_56, %dot_general3A {dimension_numbers = #tpu.dot_dimension_numbers<[1], [0], [0], [1], [0, 0, 1, 1], [], []>, transpose_lhs_hint = false} : vector<1x128xf32>, vector<128x10xf32>, vector<1x10xf32> -> vector<1x10xf32>
      %get3A_58 = arith.constant 0 : index
      %get3A_59 = arith.constant 0 : index
      %get3A_60 = vector.load %arg9[%get3A_58, %get3A_59] : memref<1x10xf32, #tpu.memory_space<vmem>>, vector<1x10xf32>
      %add3A_61 = arith.addf %dot_general3A_57, %get3A_60 : vector<1x10xf32>
      %swap3A_62 = arith.constant 0 : index
      %swap3A_63 = arith.constant 0 : index
      %swap3A_64 = vector.load %arg10[%swap3A_62, %swap3A_63] : memref<1x10xf32, #tpu.memory_space<vmem>>, vector<1x10xf32>
      tpu.vector_store %arg10[%swap3A_62, %swap3A_63], %add3A_61 {strides = array<i32>} : memref<1x10xf32, #tpu.memory_space<vmem>>, vector<1x10xf32>,
    } else {
    }
    return
  }
  func.func @transform_0(%arg0: i32) -> (i32, i32) {
    %c0_i32 = arith.constant 0 : i32
    %c0_i32_0 = arith.constant 0 : i32
    return %arg0, %c0_i32 : i32, i32
  }
  func.func @transform_1(%arg0: i32) -> (i32, i32) {
    %c0_i32 = arith.constant 0 : i32
    %c0_i32_0 = arith.constant 0 : i32
    return %arg0, %c0_i32 : i32, i32
  }
  func.func @transform_2(%arg0: i32) -> (i32, i32) {
    %c0_i32 = arith.constant 0 : i32
    %c0_i32_0 = arith.constant 0 : i32
    return %arg0, %c0_i32 : i32, i32
  }
  func.func @transform_3(%arg0: i32) -> (i32, i32) {
    %c0_i32 = arith.constant 0 : i32
    %c0_i32_0 = arith.constant 0 : i32
    return %arg0, %c0_i32 : i32, i32
  }
  func.func @transform_4(%arg0: i32) -> (i32, i32) {
    %c0_i32 = arith.constant 0 : i32
    %c0_i32_0 = arith.constant 0 : i32
    return %arg0, %c0_i32 : i32, i32
  }
  func.func @transform_5(%arg0: i32) -> (i32, i32) {
    %c0_i32 = arith.constant 0 : i32
    %c0_i32_0 = arith.constant 0 : i32
    return %arg0, %c0_i32 : i32, i32
  }
  func.func @transform_6(%arg0: i32) -> (i32, i32) {
    %c0_i32 = arith.constant 0 : i32
    %c0_i32_0 = arith.constant 0 : i32
    %c0_i32_1 = arith.constant 0 : i32
    return %c0_i32, %c0_i32_0 : i32, i32
  }
  func.func @transform_7(%arg0: i32) -> (i32, i32) {
    %c0_i32 = arith.constant 0 : i32
    %c0_i32_0 = arith.constant 0 : i32
    %c0_i32_1 = arith.constant 0 : i32
    return %c0_i32, %c0_i32_0 : i32, i32
  }
  func.func @transform_8(%arg0: i32) -> (i32, i32) {
    %c0_i32 = arith.constant 0 : i32
    %c0_i32_0 = arith.constant 0 : i32
    %c0_i32_1 = arith.constant 0 : i32
    return %c0_i32, %c0_i32_0 : i32, i32
  }
  func.func @transform_9(%arg0: i32) -> (i32, i32) {
    %c0_i32 = arith.constant 0 : i32
    %c0_i32_0 = arith.constant 0 : i32
    %c0_i32_1 = arith.constant 0 : i32
    return %c0_i32, %c0_i32_0 : i32, i32
  }
}

</mosaic_0001>

<sc_bundles>
// kernel: kernel.11.cloned.1.call-start
scs
__scs_entry_jumppad:
0x0: {  	(pc) =	sbr.rel $0x88, $3  }
0x1: {  	(tag) =	ssettag $0x0;
	lr =	simm.s32 $0x1  }
0x2: {  	[smem:$0x3F94] =	sst lr;
	_ =	strace $0xD0000000  }
0x3: {  	_ = 	snop  }
0x4: {  	_ = 	snop  }
0x5: {  	_ = 	snop  }
0x6: {  	_ = 	snop  }
0x7: {  	_ = 	snop  }
__scs_overlays_trampoline_lowered:
0x8: {  	[smem:$0x3FA3] =	sst s0  }
0x9: {  	[smem:$0x3FA4] =	sst s1  }
0xa: {  	[smem:$0x3FA5] =	sst s2  }
0xb: {  	[smem:$0x3FA6] =	sst s3  }
0xc: {  	[smem:$0x3FA7] =	sst s4  }
0xd: {  	[smem:$0x3FA8] =	sst s5  }
0xe: {  	[smem:$0x3FA9] =	sst s6  }
0xf: {  	[smem:$0x3FAA] =	sst s7  }
0x10: {  	[smem:$0x3FAB] =	sst s8  }
0x11: {  	[smem:$0x3FAC] =	sst s9;
	s0 =	simm.s32 @!p0 $0x0  }
0x12: {  	s1 =	sld [smem:$0x3F92];
	s0 =	simm.s32 @p0 $0x1  }
0x13: {  	[smem:$0x3FAD] =	sst s0;
	s0 =	simm.s32 @!p1 $0x0  }
0x14: {  	s2 =	sld [smem:$0x3F91];
	s0 =	simm.s32 @p1 $0x1  }
0x15: {  	[smem:$0x3FAE] =	sst s0;
	s0 =	simm.s32 @!p2 $0x0  }
0x16: {  	s3 =	sld [smem:$0x3FDB];
	s0 =	simm.s32 @p2 $0x1  }
0x17: {  	s4 =	simm.s32 $0x1BF5;
	[smem:$0x3FB0] =	sst s0  }
0x18: {  	s0 =	sld [smem:$0x3F93];
	_ =	swait.ge [sflag:s4], $0x0  }
0x19: {  	s7 =	sld [smem:$0x3F94]  }
0x1a: {  	s8 =	sadd.s32 $0xFFFFE003, lr  }
0x1b: {  	s9 =	sadd.s32 $0xFFFFFEF7, lr;
	s5 =	simm.s32 $0xFFFFFFFF;
	p2 =	slt.u32 s8, $0xFFFFF086  }
0x1c: {  	p1 =	slt.u32 s9, $0xF7A;
	s5 =	simm.s32 @!p2 $0x0  }
0x1d: {  	s5 =	simm.s32 @p1 $0x1;
	p0 =	seq.s32 s7, s2  }
0x1e: {  	s7 =	smul.u32 @!p0 $0xF7A, s2;
	p2 =	seq.s32 @!p0 s5, $0x0  }
0x1f: {  	s9 =	smul.u32 $0xF7A, s1;
	s8 =	simm.s32 @!p0 $0x1BF5;
	p2 =	por !p2, p0  }
0x20: {  	[sflag:s8] =	ssyncset.s32 @!p0 $0xFFFFF086;
	s6 =	sadd.s32 @!p0 s3, s7;
	s7 =	simm.s32 @!p0 $0x108  }
0x21: {  	s3 =	sadd.s32 s3, s9;
	s6 =	sadd.s32 @!p0 $0x88, s6;
	s7 =	simm.s32 @p2 $0x1082  }
0x22: {  	[simem:s7], [sflag:s8] =	dma.local @!p0 [hbm:s6], $0xF7A  }
0x23: {  	s9 =	sor.u32 $0xD0000000, s2;
	s6 =	simm.s32 $0x108;
	_ =	swait.ge @!p0 [sflag:s8], $0x0  }
0x24: {  	s3 =	sadd.s32 $0x88, s3;
	s6 =	simm.s32 @!p1 $0x1082;
	[sflag:s4] =	ssyncset.s32 $0xFFFFF086  }
0x25: {  	[simem:s6], [sflag:s4] =	dma.local [hbm:s3], $0xF7A  }
0x26: {  	[smem:$0x3F94] =	sst s1;
	(tag) =	ssettag s2;
	_ =	strace s9  }
0x27: {  	s1 =	sld [smem:$0x3FA4]  }
0x28: {  	s2 =	sld [smem:$0x3FA5]  }
0x29: {  	s4 =	sld [smem:$0x3FA7]  }
0x2a: {  	p0 =	seq.s32 s5, $0x0;
	s5 =	sld [smem:$0x3FA8]  }
0x2b: {  	s6 =	sld [smem:$0x3FA9]  }
0x2c: {  	s7 =	sld [smem:$0x3FAA]  }
0x2d: {  	s3 =	simm.s32 $0x108;
	s8 =	sld [smem:$0x3FAB]  }
0x2e: {  	s3 =	simm.s32 @!p0 $0x1082;
	s9 =	sld [smem:$0x3FAC]  }
0x2f: {  	lr =	sadd.s32 s0, s3;
	s0 =	sld [smem:$0x3FA3]  }
0x30: {  	s3 =	sld [smem:$0x3FA6]  }
0x31: {  	[smem:$0x3FAF] =	sst s10  }
0x32: {  	s10 =	sld [smem:$0x3FAD];
	_ =	sdelay $0x3  }
0x33: {  	p0 =	seq.s32 s10, $0x1;
	s10 =	sld [smem:$0x3FAF];
	_ =	sdelay $0x3  }
0x34: {  	[smem:$0x3FAF] =	sst s10  }
0x35: {  	s10 =	sld [smem:$0x3FAE];
	_ =	sdelay $0x3  }
0x36: {  	p1 =	seq.s32 s10, $0x1;
	s10 =	sld [smem:$0x3FAF];
	_ =	sdelay $0x3  }
0x37: {  	[smem:$0x3FAF] =	sst s10  }
0x38: {  	s10 =	sld [smem:$0x3FB0]  }
0x39: {  	_ = 	snop;
	(pc) =	sbr.ind lr, $3  }
0x3a: {  	_ = 	snop  }
0x3b: {  	_ = 	snop  }
0x3c: {  	p2 =	seq.s32 s10, $0x1;
	s10 =	sld [smem:$0x3FAF]  }
0x3d: {  	_ =	shalt  }
0x3e: {  	_ =	shalt  }
0x3f: {  	_ =	shalt  }
0x40: {  	_ =	shalt  }
0x41: {  	_ =	shalt  }
0x42: {  	_ =	shalt  }
0x43: {  	_ =	shalt  }
0x44: {  	_ =	shalt  }
0x45: {  	_ =	shalt  }
0x46: {  	_ =	shalt  }
0x47: {  	_ =	shalt  }
0x48: {  	_ =	shalt  }
0x49: {  	_ =	shalt  }
0x4a: {  	_ =	shalt  }
0x4b: {  	_ =	shalt  }
0x4c: {  	_ =	shalt  }
0x4d: {  	_ =	shalt  }
0x4e: {  	_ =	shalt  }
0x4f: {  	_ =	shalt  }
0x50: {  	_ =	shalt  }
0x51: {  	_ =	shalt  }
0x52: {  	_ =	shalt  }
0x53: {  	_ =	shalt  }
0x54: {  	_ =	shalt  }
0x55: {  	_ =	shalt  }
0x56: {  	_ =	shalt  }
0x57: {  	_ =	shalt  }
0x58: {  	_ =	shalt  }
0x59: {  	_ =	shalt  }
0x5a: {  	_ =	shalt  }
0x5b: {  	_ =	shalt  }
0x5c: {  	_ =	shalt  }
0x5d: {  	_ =	shalt  }
0x5e: {  	_ =	shalt  }
0x5f: {  	_ =	shalt  }
0x60: {  	_ =	shalt  }
0x61: {  	_ =	shalt  }
0x62: {  	_ =	shalt  }
0x63: {  	_ =	shalt  }
0x64: {  	_ =	shalt  }
0x65: {  	_ =	shalt  }
0x66: {  	_ =	shalt  }
0x67: {  	_ =	shalt  }
0x68: {  	_ =	shalt  }
0x69: {  	_ =	shalt  }
0x6a: {  	_ =	shalt  }
0x6b: {  	_ =	shalt  }
0x6c: {  	_ =	shalt  }
0x6d: {  	_ =	shalt  }
0x6e: {  	_ =	shalt  }
0x6f: {  	_ =	shalt  }
0x70: {  	_ =	shalt  }
0x71: {  	_ =	shalt  }
0x72: {  	_ =	shalt  }
0x73: {  	_ =	shalt  }
0x74: {  	_ =	shalt  }
0x75: {  	_ =	shalt  }
0x76: {  	_ =	shalt  }
0x77: {  	_ =	shalt  }
0x78: {  	_ =	shalt  }
0x79: {  	_ =	shalt  }
0x7a: {  	_ =	shalt  }
0x7b: {  	_ =	shalt  }
0x7c: {  	_ =	shalt  }
0x7d: {  	_ =	shalt  }
0x7e: {  	_ =	shalt  }
0x7f: {  	_ =	shalt  }
0x80: {  	_ =	shalt  }
0x81: {  	_ =	shalt  }
0x82: {  	_ =	shalt  }
0x83: {  	_ =	shalt  }
0x84: {  	_ =	shalt  }
0x85: {  	_ =	shalt  }
0x86: {  	_ =	shalt  }
0x87: {  	_ =	shalt  }
.Lfunc_end0:
.L_simem_size_0:
called_computation.1_lowered:
.L_overlay_start_0:
0x88: {  	s2 =	sld [smem:$0x3FD9]  }
0x89: {  	s3 =	sld [smem:$0x3FFE];
	_ =	sdelay $0x1  }
0x8a: {  	s1 =	srdreg.scid  }
0x8b: {  	s0 =	sand.u32 $0x1, s1  }
0x8c: {  	s16 =	sshll.u32 s0, $0xA;
	s2 =	sadd.s32 s3, s2  }
0x8d: {  	s2 =	sadd.s32 s2, s16  }
0x8e: {  	[smem:$0x3FBB] =	sst s2  }
0x8f: {  	_ = 	snop  }
0x90: {  	(tm) =	ssettm $0x1  }
0x91: {  	s17 =	sld [smem:$0x3FFB];
	_ =	sdelay $0x3  }
0x92: {  	_ =	strace s17  }
0x93: {  	s2 =	sld [smem:$0x3FFC];
	_ =	sdelay $0x3  }
0x94: {  	_ =	strace s2  }
0x95: {  	s2 =	sld [smem:$0x3FFD];
	_ =	sdelay $0x3  }
0x96: {  	_ =	strace s2  }
0x97: {  	_ =	strace $0x8FFFFFFF  }
0x98: {  	s18 =	sld [smem:$0x3FDB];
	_ =	sdelay $0x1  }
0x99: {  	s19 =	simm.s32 $_scs_section_size  }
0x9a: {  	s4 =	simm.s32 $_size__tile_overlayer_lowered;
	s5 =	simm.s32 $_tile_overlayer_lowered  }
0x9b: {  	s22 =	simm.s32 $0x1BFF;
	s21 =	sshll.u32 s5, $0x1;
	s2 =	sadd.s32 s19, s18  }
0x9c: {  	s6 =	simm.s32 $0x0;
	s20 =	sshll.u32 s4, $0x1;
	s4 =	sadd.s32 s21, s2  }
0x9d: {  	[timem:s6], [sflag:s22] =	dma.local [hbm:s4], s20  }
0x9e: {  	_ =	swait.ge [sflag:s22], s20  }
0x9f: {  	s3 =	ssub.s32 $0x0, s20;
	[sflag:s22] =	ssyncset.done $0x0  }
0xa0: {  	[sflag:s22] =	ssyncadd.s32 s3;
	_ =	sdelay $0x1  }
0xa1: {  	s23 =	simm.s32 $0x1B8B  }
0xa2: {  	_ =	swait.ge [sflag:s23], $0x1  }
0xa3: {  	[sflag:s23] =	ssyncset.done $0x0  }
0xa4: {  	s25 =	simm.s32 $0x1B8E;
	s24 =	sld [smem:$0x3FFE];
	[sflag:s23] =	ssyncadd.s32 $0xFFFFFFFF  }
0xa5: {  	s26 =	simm.s32 $execute0_lowered;
	[smem:$0x3FD2] =	sst s25  }
0xa6: {  	s4 =	sshll.u32 s26, $0x1;
	_ =	strace $0x80000049;
	[dreg:$0x1] =	wrdreg $0xFFFFFFFF  }
0xa7: {  	s28 =	simm.s32 $_size_execute0_lowered;
	s2 =	sadd.s32 s2, s4;
	[dreg:$0x0] =	wrdreg $0x0  }
0xa8: {  	s4 =	sshll.u32 s28, $0x1;
	[dreg:$0x2] =	wrdreg s2  }
0xa9: {  	[dreg:$0x3] =	wrdreg s4  }
0xaa: {  	[dreg:$0x4] =	wrdreg $0xC0  }
0xab: {  	_ =	task [dreg:s6], $0x5FFFF  }
0xac: {  	[dreg:$0x1] =	wrdreg $0xFFFFFFFF  }
0xad: {  	[dreg:$0x0] =	wrdreg $0x60  }
0xae: {  	[dreg:$0x2] =	wrdreg s24  }
0xaf: {  	[dreg:$0x3] =	wrdreg $0x0  }
0xb0: {  	[dreg:$0x4] =	wrdreg $0x9  }
0xb1: {  	_ =	task.clear_ibuf [dreg:s6], $0x5FFFF;
	_ =	strace $0x90000049  }
0xb2: {  	s29 =	simm.s32 $0x9;
	_ =	strace $0x8000004B  }
0xb3: {  	_ =	swait.ge [sflag:s29], $0x1  }
0xb4: {  	[sflag:s29] =	ssyncadd.s32 $0xFFFFFFFF  }
0xb5: {  	_ =	strace $0x9000004B  }
0xb6: {  	_ =	sfence  }
0xb7: {  	s30 =	sld [smem:$0x0];
	_ =	sdelay $0x2  }
0xb8: {  	s31 =	sshll.u32 s1, $0xD;
	s1 =	sshrl.u32 s1, $0x2  }
0xb9: {  	s3 =	sand.u32 $0x4000, s31;
	s1 =	sadd.s32 s1, s30  }
0xba: {  	s0 =	sor.u32 s3, s0;
	s1 =	sshll.u32 s1, $0x11  }
0xbb: {  	s0 =	sor.u32 s1, s0  }
0xbc: {  	s0 =	sadd.s32 $0x8F2B, s0  }
0xbd: {  	[sflag:s0] =	ssyncadd.remote.s32 $0x1  }
0xbe: {  	_ =	sfence.sel $0xFFFF  }
0xbf: {  	[dreg:$0x0] =	wrdreg $0xFFFFFFFF;
	(pc) =	sbr.abs _section_cstart, $3  }
0xc0: {  	[dreg:$0x1] =	wrdreg $0xFFFFFFFF  }
0xc1: {  	_ =	task.clear_ibuf [dreg:s6], $0x2FFFF;
	_ =	strace $0x9FFFFFFF  }
0xc2: {  	(tm) =	ssettm $0x7FFFFFFF  }
0xc3: {  	_ =	shalt  }
tec
execute0_lowered:
.L_overlay_start_1:
0x0: {  	(tag) =	ssettag $0x1  }
0x1: {  	s10 =	rddreg [dreg:$0x0]  }
0x2: {  	s1 =	rddreg [dreg:$0x1]  }
0x3: {  	s2 =	simm.s32 $0x0;
	s3 =	stileid.u32;
	s8 =	srdreg.scid  }
0x4: {  	s17 =	simm.s32 $0x1C000;
	s18 =	simm.s32 $0x1;
	s19 =	simm.s32 $0x18800  }
0x5: {  	s20 =	simm.s32 $0x19C00;
	s21 =	simm.s32 $0x80;
	s22 =	simm.s32 $0x1B000  }
0x6: {  	s23 =	simm.s32 $0x1C800;
	s24 =	simm.s32 $0x0;
	[smem:$0x7FF] =	sst s2  }
0x7: {  	s4 =	sadd.s32 $0xCBE00, s10;
	s5 =	sadd.s32 $0x9AE00, s10;
	s6 =	sadd.s32 $0x69E00, s10  }
0x8: {  	s7 =	sadd.s32 $0x38E00, s10;
	s11 =	smul.u32 $0x3100, s3;
	s12 =	sand.u32 $0x1, s8  }
0x9: {  	s8 =	sadd.s32 $0x6E00, s10;
	s14 =	smul.u32 $0x62000, s3;
	s9 =	sadd.s32 $0x1FE00, s10  }
.Ltmp0:
0xa: {  	_ =	strace $0x8000004A;
	s13 =	ssub.s32 $0x2, s12;
	(pc) =	sbr.rel .LBB2_1-.Ltmp0, $4  }
0xb: {  	p0 =	seq.s32 s12, $0x1;
	s16 =	sadd.s32 s11, s10;
	s30 =	sshrl.u32 s13, $0x1  }
0xc: {  	s31 =	sshrl.u32 s14, $0x2;
	s11 =	smul.u32 $0x190, s3;
	s13 =	ssub.s32 s13, s30  }
0xd: {  	s10 =	sadd.s32 s31, s1;
	s12 =	sadd.s32 $0x18FE00, s16;
	s14 =	sadd.s32 $0x15EE00, s16  }
0xe: {  	v0 =	vimm.f32 $0.0e+00;
	s15 =	sadd.s32 $0x12DE00, s16;
	s16 =	sadd.s32 $0xFCE00, s16;
	s13 =	smax.u32 s13, $0x1  }
.LBB2_38:
0xf: {  	s24 =	sadd.s32 $0x1, s24  }
0x10: {  	p1 =	sne.s32 s24, s13  }
.Ltmp1:
0x11: {  	_ = 	snop;
	(pc) =	sbr.rel @!p1 .LBB2_39-.Ltmp1, $1  }
0x12: {  	_ =	sdelay $0x3  }
.LBB2_1:
0x13: {  	s25 =	sand.u32 $0x1F80, s2  }
0x14: {  	s26 =	sand.u32 $0x10, s2;
	s28 =	sshrl.u32 s25, $0x2  }
0x15: {  	s25 =	simm.s32 $0x40;
	s28 =	sor.u32 s26, s28;
	s26 =	simm.s32 $0x0  }
.LBB2_2:
0x16: {  	p1 =	sne.s32 s25, $0x1FC0  }
0x17: {  	[tilespmem:s28+$0x1C000] =	vst v0;
	s26 =	sadd.s32 $0x10, s26;
	s28 =	smov.u32 s25;
	s25 =	sadd.s32 $0x40, s25  }
.Ltmp2:
0x18: {  	(pc) =	sbr.rel @p1 .LBB2_2-.Ltmp2, $4  }
0x19: {  	_ = 	snop  }
0x1a: {  	s28 =	sand.u32 $0x1F80, s28  }
0x1b: {  	s29 =	sand.u32 $0x10, s26;
	s28 =	sshrl.u32 s28, $0x2  }
0x1c: {  	s28 =	sor.u32 s29, s28  }
.Ltmp3:
0x1d: {  	(pc) =	sbr.rel @!p0 .LBB2_4-.Ltmp3, $2  }
0x1e: {  	_ =	sdelay $0x2  }
0x1f: {  	[tilespmem:s28+$0x1C000] =	vst v0;
	s25 =	simm.s32 $0x0  }
0x20: {  	s0 =	sshra.s32 s25, $0x2  }
0x21: {  	s0 =	sadd.s32 s0, s10  }
0x22: {  	[spmem:s0] =	stream.linear.scatter [tilespmem:s17], [sflag:$0x1], $0x800, $0x38;
	[tilespmem:$0x1D000] =	vst v63  }
0x23: {  	s25 =	sadd.s32 $0x2000, s25;
	_ =	swait.ge [sflag:s18], $0x800  }
.LBB2_22:
0x24: {  	s0 =	sshra.s32 s25, $0x2;
	[sflag:s18] =	ssyncset.done $0x0;
	p1 =	sne.s32 s25, $0x60000  }
.Ltmp4:
0x25: {  	s0 =	sadd.s32 s0, s10;
	[sflag:s18] =	ssyncadd.s32 $0xFFFFF800;
	(pc) =	sbr.rel @p1 .LBB2_22-.Ltmp4, $3  }
0x26: {  	[spmem:s0] =	stream.linear.scatter [tilespmem:s17], [sflag:$0x1], $0x800, $0x38;
	[tilespmem:$0x1D000] =	vst v63  }
0x27: {  	s25 =	sadd.s32 $0x2000, s25;
	_ =	sdelay $0x1  }
0x28: {  	_ =	swait.ge [sflag:s18], $0x800  }
0x29: {  	[sflag:s18] =	ssyncset.done $0x0  }
0x2a: {  	[sflag:s18] =	ssyncadd.s32 $0xFFFFF800  }
0x2b: {  	s25 =	simm.s32 $0x0;
	s26 =	simm.s32 $0x0;
	[bflag:$0x0] =	sbarrier.arrive $0xFFFF  }
.LBB2_24:
0x2c: {  	s0 =	smul.u32 $0x28, s26;
	_ =	sdelay $0x1  }
0x2d: {  	s0 =	sadd.s32 s11, s0  }
0x2e: {  	s0 =	sshll.u32 s0, $0x4  }
0x2f: {  	s28 =	sadd.s32 s8, s0  }
0x30: {  	[tilespmem:s19], [sflag:$0x1] =	stream.linear.gather [hbm4b:s28+s25], $0x1400, $0x38;
	[tilespmem:$0x1D000] =	vst v63  }
0x31: {  	_ =	swait.ge [sflag:s18], $0x1400  }
0x32: {  	[sflag:s18] =	ssyncset.done $0x0  }
0x33: {  	s0 =	sadd.s32 s9, s0;
	[sflag:s18] =	ssyncadd.s32 $0xFFFFEC00  }
0x34: {  	[tilespmem:s20], [sflag:$0x1] =	stream.linear.gather [hbm4b:s0+s25], $0x1400, $0x38;
	[tilespmem:$0x1D000] =	vst v63  }
0x35: {  	_ =	swait.ge [sflag:s18], $0x1400  }
0x36: {  	[sflag:s18] =	ssyncset.done $0x0  }
0x37: {  	s30 =	simm.s32 $0x18800;
	[sflag:s18] =	ssyncadd.s32 $0xFFFFEC00  }
0x38: {  	[tilespmem:s22], [sflag:$0x1] =	stream.indirect.gather [hbm4b:s6+s21], $0x20, s30, s21, $0xb8;
	[tilespmem:$0x1D000] =	vst v63  }
0x39: {  	_ =	swait.ge [sflag:s18], $0x1000  }
0x3a: {  	[sflag:s18] =	ssyncset.done $0x0  }
0x3b: {  	s31 =	simm.s32 $0x19C00;
	[sflag:s18] =	ssyncadd.s32 $0xFFFFF000  }
0x3c: {  	[spmem:s1] =	stream.indirect.scatter.add.f32 [tilespmem:s22], [sflag:$0x1], $0x20, s31, s21, $0xb8;
	[tilespmem:$0x1D000] =	vst v63  }
0x3d: {  	_ =	swait.ge [sflag:s18], $0x1000  }
0x3e: {  	s29 =	simm.s32 $0x400;
	s28 =	simm.s32 $0x80;
	[sflag:s18] =	ssyncset.done $0x0  }
.LBB2_25:
0x3f: {  	s0 =	sadd.s32 $0x18800, s28  }
0x40: {  	[sflag:s18] =	ssyncadd.s32 $0xFFFFF000;
	s30 =	smov.u32 s29;
	s31 =	sadd.s32 $0x200, s29  }
0x41: {  	[tilespmem:s22], [sflag:$0x1] =	stream.indirect.gather [hbm4b:s6+s21], $0x20, s0, s21, $0xb8;
	[tilespmem:$0x1D000] =	vst v63  }
0x42: {  	p1 =	sne.s32 s29, $0x4E00;
	_ =	swait.ge [sflag:s18], $0x1000  }
.Ltmp5:
0x43: {  	[sflag:s18] =	ssyncset.done $0x0;
	(pc) =	sbr.rel @p1 .LBB2_25-.Ltmp5, $4  }
0x44: {  	s0 =	sadd.s32 $0x19C00, s28;
	[sflag:s18] =	ssyncadd.s32 $0xFFFFF000  }
0x45: {  	[spmem:s1] =	stream.indirect.scatter.add.f32 [tilespmem:s22], [sflag:$0x1], $0x20, s0, s21, $0xb8;
	[tilespmem:$0x1D000] =	vst v63  }
0x46: {  	_ =	swait.ge [sflag:s18], $0x1000  }
0x47: {  	s28 =	sshra.s32 s30, $0x2;
	s29 =	smov.u32 s31;
	[sflag:s18] =	ssyncset.done $0x0  }
0x48: {  	s0 =	sadd.s32 $0x18800, s28;
	[sflag:s18] =	ssyncadd.s32 $0xFFFFF000  }
0x49: {  	[tilespmem:s22], [sflag:$0x1] =	stream.indirect.gather [hbm4b:s6+s21], $0x20, s0, s21, $0xb8;
	[tilespmem:$0x1D000] =	vst v63  }
0x4a: {  	s26 =	sadd.s32 $0x1, s26;
	_ =	swait.ge [sflag:s18], $0x1000  }
0x4b: {  	p1 =	sne.s32 s26, $0xA;
	[sflag:s18] =	ssyncset.done $0x0  }
.Ltmp6:
0x4c: {  	s31 =	sadd.s32 $0x19C00, s28;
	[sflag:s18] =	ssyncadd.s32 $0xFFFFF000;
	(pc) =	sbr.rel @p1 .LBB2_24-.Ltmp6, $4  }
0x4d: {  	[spmem:s1] =	stream.indirect.scatter.add.f32 [tilespmem:s22], [sflag:$0x1], $0x20, s31, s21, $0xb8;
	[tilespmem:$0x1D000] =	vst v63  }
0x4e: {  	_ =	swait.ge [sflag:s18], $0x1000  }
0x4f: {  	[sflag:s18] =	ssyncset.done $0x0  }
0x50: {  	[sflag:s18] =	ssyncadd.s32 $0xFFFFF000  }
0x51: {  	[bflag:$0x0] =	sbarrier.arrive $0xFFFF  }
0x52: {  	[tilespmem:s23], [sflag:$0x1] =	stream.linear.gather [spmem:s10], $0x800, $0x38;
	[tilespmem:$0x1D000] =	vst v63  }
0x53: {  	_ =	swait.ge [sflag:s18], $0x800  }
0x54: {  	[sflag:s18] =	ssyncset.done $0x0  }
0x55: {  	s25 =	simm.s32 $0x0;
	s0 =	sadd.s32 $0x0, s15;
	[sflag:s18] =	ssyncadd.s32 $0xFFFFF800  }
0x56: {  	[hbm4b:s0+s25] =	stream.linear.scatter [tilespmem:s23], [sflag:$0x1], $0x800, $0x38;
	[tilespmem:$0x1D000] =	vst v63  }
0x57: {  	_ =	swait.ge [sflag:s18], $0x800  }
0x58: {  	s26 =	simm.s32 $0x100;
	s28 =	smov.u32 s10;
	[sflag:s18] =	ssyncset.done $0x0  }
.LBB2_28:
0x59: {  	p1 =	sne.s32 s26, $0x3000;
	[sflag:s18] =	ssyncadd.s32 $0xFFFFF800;
	s28 =	sadd.s32 $0x800, s28  }
0x5a: {  	[tilespmem:s23], [sflag:$0x1] =	stream.linear.gather [spmem:s28], $0x800, $0x38;
	[tilespmem:$0x1D000] =	vst v63  }
0x5b: {  	s0 =	smov.u32 s26;
	s26 =	sadd.s32 $0x100, s26;
	_ =	swait.ge [sflag:s18], $0x800  }
.Ltmp7:
0x5c: {  	[sflag:s18] =	ssyncset.done $0x0;
	(pc) =	sbr.rel @p1 .LBB2_28-.Ltmp7, $4  }
0x5d: {  	s0 =	sadd.s32 s0, s15;
	[sflag:s18] =	ssyncadd.s32 $0xFFFFF800  }
0x5e: {  	[hbm4b:s0+s25] =	stream.linear.scatter [tilespmem:s23], [sflag:$0x1], $0x800, $0x38;
	[tilespmem:$0x1D000] =	vst v63  }
0x5f: {  	_ =	swait.ge [sflag:s18], $0x800  }
0x60: {  	[sflag:s18] =	ssyncset.done $0x0  }
0x61: {  	[sflag:s18] =	ssyncadd.s32 $0xFFFFF800;
	s0 =	sadd.s32 $0x0, s10  }
0x62: {  	[spmem:s0] =	stream.linear.scatter [tilespmem:s17], [sflag:$0x1], $0x800, $0x38;
	[tilespmem:$0x1D000] =	vst v63  }
0x63: {  	s25 =	simm.s32 $0x2000;
	_ =	swait.ge [sflag:s18], $0x800  }
.LBB2_30:
0x64: {  	s0 =	sshra.s32 s25, $0x2;
	[sflag:s18] =	ssyncset.done $0x0;
	p1 =	sne.s32 s25, $0x60000  }
.Ltmp8:
0x65: {  	s0 =	sadd.s32 s0, s10;
	[sflag:s18] =	ssyncadd.s32 $0xFFFFF800;
	(pc) =	sbr.rel @p1 .LBB2_30-.Ltmp8, $3  }
0x66: {  	[spmem:s0] =	stream.linear.scatter [tilespmem:s17], [sflag:$0x1], $0x800, $0x38;
	[tilespmem:$0x1D000] =	vst v63  }
0x67: {  	s25 =	sadd.s32 $0x2000, s25;
	_ =	sdelay $0x1  }
0x68: {  	_ =	swait.ge [sflag:s18], $0x800  }
0x69: {  	[sflag:s18] =	ssyncset.done $0x0  }
0x6a: {  	[sflag:s18] =	ssyncadd.s32 $0xFFFFF800  }
0x6b: {  	s25 =	simm.s32 $0x0;
	s26 =	simm.s32 $0x0;
	[bflag:$0x0] =	sbarrier.arrive $0xFFFF  }
.LBB2_32:
0x6c: {  	s0 =	smul.u32 $0x28, s26;
	_ =	sdelay $0x1  }
0x6d: {  	s0 =	sadd.s32 s11, s0  }
0x6e: {  	s0 =	sshll.u32 s0, $0x4  }
0x6f: {  	s28 =	sadd.s32 s8, s0  }
0x70: {  	[tilespmem:s19], [sflag:$0x1] =	stream.linear.gather [hbm4b:s28+s25], $0x1400, $0x38;
	[tilespmem:$0x1D000] =	vst v63  }
0x71: {  	_ =	swait.ge [sflag:s18], $0x1400  }
0x72: {  	[sflag:s18] =	ssyncset.done $0x0  }
0x73: {  	s0 =	sadd.s32 s9, s0;
	[sflag:s18] =	ssyncadd.s32 $0xFFFFEC00  }
0x74: {  	[tilespmem:s20], [sflag:$0x1] =	stream.linear.gather [hbm4b:s0+s25], $0x1400, $0x38;
	[tilespmem:$0x1D000] =	vst v63  }
0x75: {  	_ =	swait.ge [sflag:s18], $0x1400  }
0x76: {  	[sflag:s18] =	ssyncset.done $0x0  }
0x77: {  	s30 =	simm.s32 $0x18800;
	[sflag:s18] =	ssyncadd.s32 $0xFFFFEC00  }
0x78: {  	[tilespmem:s22], [sflag:$0x1] =	stream.indirect.gather [hbm4b:s7+s21], $0x20, s30, s21, $0xb8;
	[tilespmem:$0x1D000] =	vst v63  }
0x79: {  	_ =	swait.ge [sflag:s18], $0x1000  }
0x7a: {  	[sflag:s18] =	ssyncset.done $0x0  }
0x7b: {  	s31 =	simm.s32 $0x19C00;
	[sflag:s18] =	ssyncadd.s32 $0xFFFFF000  }
0x7c: {  	[spmem:s1] =	stream.indirect.scatter.add.f32 [tilespmem:s22], [sflag:$0x1], $0x20, s31, s21, $0xb8;
	[tilespmem:$0x1D000] =	vst v63  }
0x7d: {  	_ =	swait.ge [sflag:s18], $0x1000  }
0x7e: {  	s29 =	simm.s32 $0x400;
	s28 =	simm.s32 $0x80;
	[sflag:s18] =	ssyncset.done $0x0  }
.LBB2_33:
0x7f: {  	s0 =	sadd.s32 $0x18800, s28  }
0x80: {  	[sflag:s18] =	ssyncadd.s32 $0xFFFFF000;
	s30 =	smov.u32 s29;
	s31 =	sadd.s32 $0x200, s29  }
0x81: {  	[tilespmem:s22], [sflag:$0x1] =	stream.indirect.gather [hbm4b:s7+s21], $0x20, s0, s21, $0xb8;
	[tilespmem:$0x1D000] =	vst v63  }
0x82: {  	p1 =	sne.s32 s29, $0x4E00;
	_ =	swait.ge [sflag:s18], $0x1000  }
.Ltmp9:
0x83: {  	[sflag:s18] =	ssyncset.done $0x0;
	(pc) =	sbr.rel @p1 .LBB2_33-.Ltmp9, $4  }
0x84: {  	s0 =	sadd.s32 $0x19C00, s28;
	[sflag:s18] =	ssyncadd.s32 $0xFFFFF000  }
0x85: {  	[spmem:s1] =	stream.indirect.scatter.add.f32 [tilespmem:s22], [sflag:$0x1], $0x20, s0, s21, $0xb8;
	[tilespmem:$0x1D000] =	vst v63  }
0x86: {  	_ =	swait.ge [sflag:s18], $0x1000  }
0x87: {  	s28 =	sshra.s32 s30, $0x2;
	s29 =	smov.u32 s31;
	[sflag:s18] =	ssyncset.done $0x0  }
0x88: {  	s0 =	sadd.s32 $0x18800, s28;
	[sflag:s18] =	ssyncadd.s32 $0xFFFFF000  }
0x89: {  	[tilespmem:s22], [sflag:$0x1] =	stream.indirect.gather [hbm4b:s7+s21], $0x20, s0, s21, $0xb8;
	[tilespmem:$0x1D000] =	vst v63  }
0x8a: {  	s26 =	sadd.s32 $0x1, s26;
	_ =	swait.ge [sflag:s18], $0x1000  }
0x8b: {  	p1 =	sne.s32 s26, $0xA;
	[sflag:s18] =	ssyncset.done $0x0  }
.Ltmp10:
0x8c: {  	s31 =	sadd.s32 $0x19C00, s28;
	[sflag:s18] =	ssyncadd.s32 $0xFFFFF000;
	(pc) =	sbr.rel @p1 .LBB2_32-.Ltmp10, $4  }
0x8d: {  	[spmem:s1] =	stream.indirect.scatter.add.f32 [tilespmem:s22], [sflag:$0x1], $0x20, s31, s21, $0xb8;
	[tilespmem:$0x1D000] =	vst v63  }
0x8e: {  	_ =	swait.ge [sflag:s18], $0x1000  }
0x8f: {  	[sflag:s18] =	ssyncset.done $0x0  }
0x90: {  	[sflag:s18] =	ssyncadd.s32 $0xFFFFF000  }
0x91: {  	[bflag:$0x0] =	sbarrier.arrive $0xFFFF  }
0x92: {  	[tilespmem:s23], [sflag:$0x1] =	stream.linear.gather [spmem:s10], $0x800, $0x38;
	[tilespmem:$0x1D000] =	vst v63  }
0x93: {  	_ =	swait.ge [sflag:s18], $0x800  }
0x94: {  	[sflag:s18] =	ssyncset.done $0x0  }
0x95: {  	s0 =	sadd.s32 $0x0, s16;
	[sflag:s18] =	ssyncadd.s32 $0xFFFFF800  }
0x96: {  	[hbm4b:s0+s2] =	stream.linear.scatter [tilespmem:s23], [sflag:$0x1], $0x800, $0x38;
	[tilespmem:$0x1D000] =	vst v63  }
0x97: {  	_ =	swait.ge [sflag:s18], $0x800  }
0x98: {  	s25 =	simm.s32 $0x100;
	s26 =	smov.u32 s10;
	[sflag:s18] =	ssyncset.done $0x0  }
.LBB2_36:
0x99: {  	p1 =	sne.s32 s25, $0x3000;
	[sflag:s18] =	ssyncadd.s32 $0xFFFFF800;
	s26 =	sadd.s32 $0x800, s26  }
0x9a: {  	[tilespmem:s23], [sflag:$0x1] =	stream.linear.gather [spmem:s26], $0x800, $0x38;
	[tilespmem:$0x1D000] =	vst v63  }
0x9b: {  	s0 =	smov.u32 s25;
	s25 =	sadd.s32 $0x100, s25;
	_ =	swait.ge [sflag:s18], $0x800  }
.Ltmp11:
0x9c: {  	[sflag:s18] =	ssyncset.done $0x0;
	(pc) =	sbr.rel @p1 .LBB2_36-.Ltmp11, $4  }
0x9d: {  	s0 =	sadd.s32 s0, s16;
	[sflag:s18] =	ssyncadd.s32 $0xFFFFF800  }
0x9e: {  	[hbm4b:s0+s2] =	stream.linear.scatter [tilespmem:s23], [sflag:$0x1], $0x800, $0x38;
	[tilespmem:$0x1D000] =	vst v63  }
0x9f: {  	_ =	swait.ge [sflag:s18], $0x800  }
0xa0: {  	[sflag:s18] =	ssyncset.done $0x0  }
.Ltmp12:
0xa1: {  	(pc) =	sbr.rel .LBB2_38-.Ltmp12, $2  }
0xa2: {  	_ =	sdelay $0x2  }
0xa3: {  	[sflag:s18] =	ssyncadd.s32 $0xFFFFF800  }
.LBB2_4:
0xa4: {  	s26 =	sshra.s32 s25, $0x2  }
0xa5: {  	s26 =	sadd.s32 s26, s10  }
0xa6: {  	[spmem:s26] =	stream.linear.scatter [tilespmem:s17], [sflag:$0x1], $0x800, $0x38;
	[tilespmem:$0x1D000] =	vst v63  }
0xa7: {  	s25 =	sadd.s32 $0x2000, s25;
	_ =	swait.ge [sflag:s18], $0x800  }
.LBB2_5:
0xa8: {  	s26 =	sshra.s32 s25, $0x2;
	[sflag:s18] =	ssyncset.done $0x0;
	p1 =	sne.s32 s25, $0x60000  }
.Ltmp13:
0xa9: {  	s26 =	sadd.s32 s26, s10;
	[sflag:s18] =	ssyncadd.s32 $0xFFFFF800;
	(pc) =	sbr.rel @p1 .LBB2_5-.Ltmp13, $3  }
0xaa: {  	[spmem:s26] =	stream.linear.scatter [tilespmem:s17], [sflag:$0x1], $0x800, $0x38;
	[tilespmem:$0x1D000] =	vst v63  }
0xab: {  	s25 =	sadd.s32 $0x2000, s25;
	_ =	sdelay $0x1  }
0xac: {  	_ =	swait.ge [sflag:s18], $0x800  }
0xad: {  	[sflag:s18] =	ssyncset.done $0x0  }
0xae: {  	[sflag:s18] =	ssyncadd.s32 $0xFFFFF800  }
0xaf: {  	s25 =	simm.s32 $0x0;
	s26 =	simm.s32 $0x0;
	[bflag:$0x0] =	sbarrier.arrive $0xFFFF  }
.LBB2_7:
0xb0: {  	s28 =	smul.u32 $0x28, s26;
	_ =	sdelay $0x1  }
0xb1: {  	s28 =	sadd.s32 s11, s28  }
0xb2: {  	s28 =	sshll.u32 s28, $0x4  }
0xb3: {  	s29 =	sadd.s32 s8, s28  }
0xb4: {  	[tilespmem:s19], [sflag:$0x1] =	stream.linear.gather [hbm4b:s29+s25], $0x1400, $0x38;
	[tilespmem:$0x1D000] =	vst v63  }
0xb5: {  	_ =	swait.ge [sflag:s18], $0x1400  }
0xb6: {  	[sflag:s18] =	ssyncset.done $0x0  }
0xb7: {  	s28 =	sadd.s32 s9, s28;
	[sflag:s18] =	ssyncadd.s32 $0xFFFFEC00  }
0xb8: {  	[tilespmem:s20], [sflag:$0x1] =	stream.linear.gather [hbm4b:s28+s25], $0x1400, $0x38;
	[tilespmem:$0x1D000] =	vst v63  }
0xb9: {  	_ =	swait.ge [sflag:s18], $0x1400  }
0xba: {  	[sflag:s18] =	ssyncset.done $0x0  }
0xbb: {  	s28 =	simm.s32 $0x18800;
	[sflag:s18] =	ssyncadd.s32 $0xFFFFEC00  }
0xbc: {  	[tilespmem:s22], [sflag:$0x1] =	stream.indirect.gather [hbm4b:s4+s21], $0x20, s28, s21, $0xb8;
	[tilespmem:$0x1D000] =	vst v63  }
0xbd: {  	_ =	swait.ge [sflag:s18], $0x1000  }
0xbe: {  	[sflag:s18] =	ssyncset.done $0x0  }
0xbf: {  	s28 =	simm.s32 $0x19C00;
	[sflag:s18] =	ssyncadd.s32 $0xFFFFF000  }
0xc0: {  	[spmem:s1] =	stream.indirect.scatter.add.f32 [tilespmem:s22], [sflag:$0x1], $0x20, s28, s21, $0xb8;
	[tilespmem:$0x1D000] =	vst v63  }
0xc1: {  	_ =	swait.ge [sflag:s18], $0x1000  }
0xc2: {  	s29 =	simm.s32 $0x400;
	s28 =	simm.s32 $0x80;
	[sflag:s18] =	ssyncset.done $0x0  }
.LBB2_8:
0xc3: {  	s30 =	sadd.s32 $0x18800, s28  }
0xc4: {  	[sflag:s18] =	ssyncadd.s32 $0xFFFFF000;
	s31 =	smov.u32 s29;
	s0 =	sadd.s32 $0x200, s29  }
0xc5: {  	[tilespmem:s22], [sflag:$0x1] =	stream.indirect.gather [hbm4b:s4+s21], $0x20, s30, s21, $0xb8;
	[tilespmem:$0x1D000] =	vst v63  }
0xc6: {  	p1 =	sne.s32 s29, $0x4E00;
	_ =	swait.ge [sflag:s18], $0x1000  }
.Ltmp14:
0xc7: {  	[sflag:s18] =	ssyncset.done $0x0;
	(pc) =	sbr.rel @p1 .LBB2_8-.Ltmp14, $4  }
0xc8: {  	s28 =	sadd.s32 $0x19C00, s28;
	[sflag:s18] =	ssyncadd.s32 $0xFFFFF000  }
0xc9: {  	[spmem:s1] =	stream.indirect.scatter.add.f32 [tilespmem:s22], [sflag:$0x1], $0x20, s28, s21, $0xb8;
	[tilespmem:$0x1D000] =	vst v63  }
0xca: {  	_ =	swait.ge [sflag:s18], $0x1000  }
0xcb: {  	s29 =	smov.u32 s0;
	s28 =	sshra.s32 s31, $0x2;
	[sflag:s18] =	ssyncset.done $0x0  }
0xcc: {  	s0 =	sadd.s32 $0x18800, s28;
	[sflag:s18] =	ssyncadd.s32 $0xFFFFF000  }
0xcd: {  	[tilespmem:s22], [sflag:$0x1] =	stream.indirect.gather [hbm4b:s4+s21], $0x20, s0, s21, $0xb8;
	[tilespmem:$0x1D000] =	vst v63  }
0xce: {  	s26 =	sadd.s32 $0x1, s26;
	_ =	swait.ge [sflag:s18], $0x1000  }
0xcf: {  	p1 =	sne.s32 s26, $0xA;
	[sflag:s18] =	ssyncset.done $0x0  }
.Ltmp15:
0xd0: {  	s31 =	sadd.s32 $0x19C00, s28;
	[sflag:s18] =	ssyncadd.s32 $0xFFFFF000;
	(pc) =	sbr.rel @p1 .LBB2_7-.Ltmp15, $4  }
0xd1: {  	[spmem:s1] =	stream.indirect.scatter.add.f32 [tilespmem:s22], [sflag:$0x1], $0x20, s31, s21, $0xb8;
	[tilespmem:$0x1D000] =	vst v63  }
0xd2: {  	_ =	swait.ge [sflag:s18], $0x1000  }
0xd3: {  	[sflag:s18] =	ssyncset.done $0x0  }
0xd4: {  	[sflag:s18] =	ssyncadd.s32 $0xFFFFF000  }
0xd5: {  	[bflag:$0x0] =	sbarrier.arrive $0xFFFF  }
0xd6: {  	[tilespmem:s23], [sflag:$0x1] =	stream.linear.gather [spmem:s10], $0x800, $0x38;
	[tilespmem:$0x1D000] =	vst v63  }
0xd7: {  	_ =	swait.ge [sflag:s18], $0x800  }
0xd8: {  	[sflag:s18] =	ssyncset.done $0x0  }
0xd9: {  	s25 =	simm.s32 $0x0;
	s0 =	sadd.s32 $0x0, s12;
	[sflag:s18] =	ssyncadd.s32 $0xFFFFF800  }
0xda: {  	[hbm4b:s0+s25] =	stream.linear.scatter [tilespmem:s23], [sflag:$0x1], $0x800, $0x38;
	[tilespmem:$0x1D000] =	vst v63  }
0xdb: {  	_ =	swait.ge [sflag:s18], $0x800  }
0xdc: {  	s26 =	simm.s32 $0x100;
	s28 =	smov.u32 s10;
	[sflag:s18] =	ssyncset.done $0x0  }
.LBB2_11:
0xdd: {  	p1 =	sne.s32 s26, $0x3000;
	[sflag:s18] =	ssyncadd.s32 $0xFFFFF800;
	s28 =	sadd.s32 $0x800, s28  }
0xde: {  	[tilespmem:s23], [sflag:$0x1] =	stream.linear.gather [spmem:s28], $0x800, $0x38;
	[tilespmem:$0x1D000] =	vst v63  }
0xdf: {  	s0 =	smov.u32 s26;
	s26 =	sadd.s32 $0x100, s26;
	_ =	swait.ge [sflag:s18], $0x800  }
.Ltmp16:
0xe0: {  	[sflag:s18] =	ssyncset.done $0x0;
	(pc) =	sbr.rel @p1 .LBB2_11-.Ltmp16, $4  }
0xe1: {  	s0 =	sadd.s32 s0, s12;
	[sflag:s18] =	ssyncadd.s32 $0xFFFFF800  }
0xe2: {  	[hbm4b:s0+s25] =	stream.linear.scatter [tilespmem:s23], [sflag:$0x1], $0x800, $0x38;
	[tilespmem:$0x1D000] =	vst v63  }
0xe3: {  	_ =	swait.ge [sflag:s18], $0x800  }
0xe4: {  	[sflag:s18] =	ssyncset.done $0x0  }
0xe5: {  	[sflag:s18] =	ssyncadd.s32 $0xFFFFF800;
	s0 =	sadd.s32 $0x0, s10  }
0xe6: {  	[spmem:s0] =	stream.linear.scatter [tilespmem:s17], [sflag:$0x1], $0x800, $0x38;
	[tilespmem:$0x1D000] =	vst v63  }
0xe7: {  	s25 =	simm.s32 $0x2000;
	_ =	swait.ge [sflag:s18], $0x800  }
.LBB2_13:
0xe8: {  	s0 =	sshra.s32 s25, $0x2;
	[sflag:s18] =	ssyncset.done $0x0;
	p1 =	sne.s32 s25, $0x60000  }
.Ltmp17:
0xe9: {  	s0 =	sadd.s32 s0, s10;
	[sflag:s18] =	ssyncadd.s32 $0xFFFFF800;
	(pc) =	sbr.rel @p1 .LBB2_13-.Ltmp17, $3  }
0xea: {  	[spmem:s0] =	stream.linear.scatter [tilespmem:s17], [sflag:$0x1], $0x800, $0x38;
	[tilespmem:$0x1D000] =	vst v63  }
0xeb: {  	s25 =	sadd.s32 $0x2000, s25;
	_ =	sdelay $0x1  }
0xec: {  	_ =	swait.ge [sflag:s18], $0x800  }
0xed: {  	[sflag:s18] =	ssyncset.done $0x0  }
0xee: {  	[sflag:s18] =	ssyncadd.s32 $0xFFFFF800  }
0xef: {  	s25 =	simm.s32 $0x0;
	s26 =	simm.s32 $0x0;
	[bflag:$0x0] =	sbarrier.arrive $0xFFFF  }
.LBB2_15:
0xf0: {  	s0 =	smul.u32 $0x28, s26;
	_ =	sdelay $0x1  }
0xf1: {  	s0 =	sadd.s32 s11, s0  }
0xf2: {  	s0 =	sshll.u32 s0, $0x4  }
0xf3: {  	s28 =	sadd.s32 s8, s0  }
0xf4: {  	[tilespmem:s19], [sflag:$0x1] =	stream.linear.gather [hbm4b:s28+s25], $0x1400, $0x38;
	[tilespmem:$0x1D000] =	vst v63  }
0xf5: {  	_ =	swait.ge [sflag:s18], $0x1400  }
0xf6: {  	[sflag:s18] =	ssyncset.done $0x0  }
0xf7: {  	s0 =	sadd.s32 s9, s0;
	[sflag:s18] =	ssyncadd.s32 $0xFFFFEC00  }
0xf8: {  	[tilespmem:s20], [sflag:$0x1] =	stream.linear.gather [hbm4b:s0+s25], $0x1400, $0x38;
	[tilespmem:$0x1D000] =	vst v63  }
0xf9: {  	_ =	swait.ge [sflag:s18], $0x1400  }
0xfa: {  	[sflag:s18] =	ssyncset.done $0x0  }
0xfb: {  	s30 =	simm.s32 $0x18800;
	[sflag:s18] =	ssyncadd.s32 $0xFFFFEC00  }
0xfc: {  	[tilespmem:s22], [sflag:$0x1] =	stream.indirect.gather [hbm4b:s5+s21], $0x20, s30, s21, $0xb8;
	[tilespmem:$0x1D000] =	vst v63  }
0xfd: {  	_ =	swait.ge [sflag:s18], $0x1000  }
0xfe: {  	[sflag:s18] =	ssyncset.done $0x0  }
0xff: {  	s31 =	simm.s32 $0x19C00;
	[sflag:s18] =	ssyncadd.s32 $0xFFFFF000  }
0x100: {  	[spmem:s1] =	stream.indirect.scatter.add.f32 [tilespmem:s22], [sflag:$0x1], $0x20, s31, s21, $0xb8;
	[tilespmem:$0x1D000] =	vst v63  }
0x101: {  	_ =	swait.ge [sflag:s18], $0x1000  }
0x102: {  	s29 =	simm.s32 $0x400;
	s28 =	simm.s32 $0x80;
	[sflag:s18] =	ssyncset.done $0x0  }
.LBB2_16:
0x103: {  	s0 =	sadd.s32 $0x18800, s28  }
0x104: {  	[sflag:s18] =	ssyncadd.s32 $0xFFFFF000;
	s30 =	smov.u32 s29;
	s31 =	sadd.s32 $0x200, s29  }
0x105: {  	[tilespmem:s22], [sflag:$0x1] =	stream.indirect.gather [hbm4b:s5+s21], $0x20, s0, s21, $0xb8;
	[tilespmem:$0x1D000] =	vst v63  }
0x106: {  	p1 =	sne.s32 s29, $0x4E00;
	_ =	swait.ge [sflag:s18], $0x1000  }
.Ltmp18:
0x107: {  	[sflag:s18] =	ssyncset.done $0x0;
	(pc) =	sbr.rel @p1 .LBB2_16-.Ltmp18, $4  }
0x108: {  	s0 =	sadd.s32 $0x19C00, s28;
	[sflag:s18] =	ssyncadd.s32 $0xFFFFF000  }
0x109: {  	[spmem:s1] =	stream.indirect.scatter.add.f32 [tilespmem:s22], [sflag:$0x1], $0x20, s0, s21, $0xb8;
	[tilespmem:$0x1D000] =	vst v63  }
0x10a: {  	_ =	swait.ge [sflag:s18], $0x1000  }
0x10b: {  	s28 =	sshra.s32 s30, $0x2;
	s29 =	smov.u32 s31;
	[sflag:s18] =	ssyncset.done $0x0  }
0x10c: {  	s0 =	sadd.s32 $0x18800, s28;
	[sflag:s18] =	ssyncadd.s32 $0xFFFFF000  }
0x10d: {  	[tilespmem:s22], [sflag:$0x1] =	stream.indirect.gather [hbm4b:s5+s21], $0x20, s0, s21, $0xb8;
	[tilespmem:$0x1D000] =	vst v63  }
0x10e: {  	s26 =	sadd.s32 $0x1, s26;
	_ =	swait.ge [sflag:s18], $0x1000  }
0x10f: {  	p1 =	sne.s32 s26, $0xA;
	[sflag:s18] =	ssyncset.done $0x0  }
.Ltmp19:
0x110: {  	s31 =	sadd.s32 $0x19C00, s28;
	[sflag:s18] =	ssyncadd.s32 $0xFFFFF000;
	(pc) =	sbr.rel @p1 .LBB2_15-.Ltmp19, $4  }
0x111: {  	[spmem:s1] =	stream.indirect.scatter.add.f32 [tilespmem:s22], [sflag:$0x1], $0x20, s31, s21, $0xb8;
	[tilespmem:$0x1D000] =	vst v63  }
0x112: {  	_ =	swait.ge [sflag:s18], $0x1000  }
0x113: {  	[sflag:s18] =	ssyncset.done $0x0  }
0x114: {  	[sflag:s18] =	ssyncadd.s32 $0xFFFFF000  }
0x115: {  	[bflag:$0x0] =	sbarrier.arrive $0xFFFF  }
0x116: {  	[tilespmem:s23], [sflag:$0x1] =	stream.linear.gather [spmem:s10], $0x800, $0x38;
	[tilespmem:$0x1D000] =	vst v63  }
0x117: {  	_ =	swait.ge [sflag:s18], $0x800  }
0x118: {  	[sflag:s18] =	ssyncset.done $0x0  }
0x119: {  	s0 =	sadd.s32 $0x0, s14;
	[sflag:s18] =	ssyncadd.s32 $0xFFFFF800  }
0x11a: {  	[hbm4b:s0+s2] =	stream.linear.scatter [tilespmem:s23], [sflag:$0x1], $0x800, $0x38;
	[tilespmem:$0x1D000] =	vst v63  }
0x11b: {  	_ =	swait.ge [sflag:s18], $0x800  }
0x11c: {  	s25 =	simm.s32 $0x100;
	s26 =	smov.u32 s10;
	[sflag:s18] =	ssyncset.done $0x0  }
.LBB2_19:
0x11d: {  	p1 =	seq.s32 s25, $0x3000;
	[sflag:s18] =	ssyncadd.s32 $0xFFFFF800;
	s26 =	sadd.s32 $0x800, s26  }
0x11e: {  	[tilespmem:s23], [sflag:$0x1] =	stream.linear.gather [spmem:s26], $0x800, $0x38;
	[tilespmem:$0x1D000] =	vst v63  }
0x11f: {  	s0 =	smov.u32 s25;
	s25 =	sadd.s32 $0x100, s25;
	_ =	swait.ge [sflag:s18], $0x800  }
.Ltmp20:
0x120: {  	[sflag:s18] =	ssyncset.done $0x0;
	(pc) =	sbr.rel @!p1 .LBB2_19-.Ltmp20, $4  }
0x121: {  	s0 =	sadd.s32 s0, s14;
	[sflag:s18] =	ssyncadd.s32 $0xFFFFF800  }
0x122: {  	[hbm4b:s0+s2] =	stream.linear.scatter [tilespmem:s23], [sflag:$0x1], $0x800, $0x38;
	[tilespmem:$0x1D000] =	vst v63  }
0x123: {  	_ =	swait.ge [sflag:s18], $0x800  }
0x124: {  	[sflag:s18] =	ssyncset.done $0x0  }
.Ltmp21:
0x125: {  	(pc) =	sbr.rel .LBB2_38-.Ltmp21, $2  }
0x126: {  	_ =	sdelay $0x2  }
0x127: {  	[sflag:s18] =	ssyncadd.s32 $0xFFFFF800  }
.LBB2_39:
0x128: {  	_ =	sfence.sel $0x180000  }
0x129: {  	[bflag:$0x0] =	sbarrier.arrive $0xFFFF  }
0x12a: {  	_ =	strace $0x9000004A  }
0x12b: {  	[bflag:$0x2] =	sbarrier.arrive $0xFFFF  }
0x12c: {  	p0 =	sne.s32 s3, $0x0;
	s0 =	rddreg [dreg:$0x2]  }
0x12d: {  	s0 =	sadd.s32 @!p0 $0x100000, s0  }
0x12e: {  	[sflag:s0] =	ssyncadd.tile.s32 @!p0 $0x1;
	_ =	shalt  }
.Lfunc_end2:
_tile_overlayer_lowered:
.L_overlay_start_2:
0x12f: {  	(tag) =	ssettag $0x2  }
0x130: {  	s0 =	rddreg [dreg:$0x0];
	s2 =	stileid.u32  }
0x131: {  	s1 =	rddreg [dreg:$0x1];
	p0 =	sne.s32 s2, $0x0  }
0x132: {  	s3 =	rddreg [dreg:$0x2];
	[bflag:$0x3] =	sbarrier.arrive $0xFFFF;
	s2 =	simm.s32 @!p0 $0x1C01  }
0x133: {  	[timem:s3], [sflag:s2] =	dma.local @!p0 [hbm:s0], s1  }
0x134: {  	s0 =	simm.s32 @!p0 $0x1  }
0x135: {  	_ =	swait.ge @!p0 [sflag:s0], s1  }
0x136: {  	s1 =	ssub.s32 @!p0 $0x0, s1;
	[sflag:s0] =	ssyncset.done @!p0 $0x0  }
0x137: {  	[sflag:s0] =	ssyncadd.s32 @!p0 s1  }
0x138: {  	[bflag:$0x3] =	sbarrier.arrive $0xFFFF  }
0x139: {  	_ =	shalt  }

// kernel: kernel.14.cloned.1.call-start
scs
__scs_entry_jumppad:
0x0: {  	(pc) =	sbr.rel $0x88, $3  }
0x1: {  	(tag) =	ssettag $0x0;
	lr =	simm.s32 $0x1  }
0x2: {  	[smem:$0x3F94] =	sst lr;
	_ =	strace $0xD0000000  }
0x3: {  	_ = 	snop  }
0x4: {  	_ = 	snop  }
0x5: {  	_ = 	snop  }
0x6: {  	_ = 	snop  }
0x7: {  	_ = 	snop  }
__scs_overlays_trampoline_lowered:
0x8: {  	[smem:$0x3FA3] =	sst s0  }
0x9: {  	[smem:$0x3FA4] =	sst s1  }
0xa: {  	[smem:$0x3FA5] =	sst s2  }
0xb: {  	[smem:$0x3FA6] =	sst s3  }
0xc: {  	[smem:$0x3FA7] =	sst s4  }
0xd: {  	[smem:$0x3FA8] =	sst s5  }
0xe: {  	[smem:$0x3FA9] =	sst s6  }
0xf: {  	[smem:$0x3FAA] =	sst s7  }
0x10: {  	[smem:$0x3FAB] =	sst s8  }
0x11: {  	[smem:$0x3FAC] =	sst s9;
	s0 =	simm.s32 @!p0 $0x0  }
0x12: {  	s1 =	sld [smem:$0x3F92];
	s0 =	simm.s32 @p0 $0x1  }
0x13: {  	[smem:$0x3FAD] =	sst s0;
	s0 =	simm.s32 @!p1 $0x0  }
0x14: {  	s2 =	sld [smem:$0x3F91];
	s0 =	simm.s32 @p1 $0x1  }
0x15: {  	[smem:$0x3FAE] =	sst s0;
	s0 =	simm.s32 @!p2 $0x0  }
0x16: {  	s3 =	sld [smem:$0x3FDB];
	s0 =	simm.s32 @p2 $0x1  }
0x17: {  	s4 =	simm.s32 $0x1BF5;
	[smem:$0x3FB0] =	sst s0  }
0x18: {  	s0 =	sld [smem:$0x3F93];
	_ =	swait.ge [sflag:s4], $0x0  }
0x19: {  	s7 =	sld [smem:$0x3F94]  }
0x1a: {  	s8 =	sadd.s32 $0xFFFFE003, lr  }
0x1b: {  	s9 =	sadd.s32 $0xFFFFFEF7, lr;
	s5 =	simm.s32 $0xFFFFFFFF;
	p2 =	slt.u32 s8, $0xFFFFF086  }
0x1c: {  	p1 =	slt.u32 s9, $0xF7A;
	s5 =	simm.s32 @!p2 $0x0  }
0x1d: {  	s5 =	simm.s32 @p1 $0x1;
	p0 =	seq.s32 s7, s2  }
0x1e: {  	s7 =	smul.u32 @!p0 $0xF7A, s2;
	p2 =	seq.s32 @!p0 s5, $0x0  }
0x1f: {  	s9 =	smul.u32 $0xF7A, s1;
	s8 =	simm.s32 @!p0 $0x1BF5;
	p2 =	por !p2, p0  }
0x20: {  	[sflag:s8] =	ssyncset.s32 @!p0 $0xFFFFF086;
	s6 =	sadd.s32 @!p0 s3, s7;
	s7 =	simm.s32 @!p0 $0x108  }
0x21: {  	s3 =	sadd.s32 s3, s9;
	s6 =	sadd.s32 @!p0 $0x88, s6;
	s7 =	simm.s32 @p2 $0x1082  }
0x22: {  	[simem:s7], [sflag:s8] =	dma.local @!p0 [hbm:s6], $0xF7A  }
0x23: {  	s9 =	sor.u32 $0xD0000000, s2;
	s6 =	simm.s32 $0x108;
	_ =	swait.ge @!p0 [sflag:s8], $0x0  }
0x24: {  	s3 =	sadd.s32 $0x88, s3;
	s6 =	simm.s32 @!p1 $0x1082;
	[sflag:s4] =	ssyncset.s32 $0xFFFFF086  }
0x25: {  	[simem:s6], [sflag:s4] =	dma.local [hbm:s3], $0xF7A  }
0x26: {  	[smem:$0x3F94] =	sst s1;
	(tag) =	ssettag s2;
	_ =	strace s9  }
0x27: {  	s1 =	sld [smem:$0x3FA4]  }
0x28: {  	s2 =	sld [smem:$0x3FA5]  }
0x29: {  	s4 =	sld [smem:$0x3FA7]  }
0x2a: {  	p0 =	seq.s32 s5, $0x0;
	s5 =	sld [smem:$0x3FA8]  }
0x2b: {  	s6 =	sld [smem:$0x3FA9]  }
0x2c: {  	s7 =	sld [smem:$0x3FAA]  }
0x2d: {  	s3 =	simm.s32 $0x108;
	s8 =	sld [smem:$0x3FAB]  }
0x2e: {  	s3 =	simm.s32 @!p0 $0x1082;
	s9 =	sld [smem:$0x3FAC]  }
0x2f: {  	lr =	sadd.s32 s0, s3;
	s0 =	sld [smem:$0x3FA3]  }
0x30: {  	s3 =	sld [smem:$0x3FA6]  }
0x31: {  	[smem:$0x3FAF] =	sst s10  }
0x32: {  	s10 =	sld [smem:$0x3FAD];
	_ =	sdelay $0x3  }
0x33: {  	p0 =	seq.s32 s10, $0x1;
	s10 =	sld [smem:$0x3FAF];
	_ =	sdelay $0x3  }
0x34: {  	[smem:$0x3FAF] =	sst s10  }
0x35: {  	s10 =	sld [smem:$0x3FAE];
	_ =	sdelay $0x3  }
0x36: {  	p1 =	seq.s32 s10, $0x1;
	s10 =	sld [smem:$0x3FAF];
	_ =	sdelay $0x3  }
0x37: {  	[smem:$0x3FAF] =	sst s10  }
0x38: {  	s10 =	sld [smem:$0x3FB0]  }
0x39: {  	_ = 	snop;
	(pc) =	sbr.ind lr, $3  }
0x3a: {  	_ = 	snop  }
0x3b: {  	_ = 	snop  }
0x3c: {  	p2 =	seq.s32 s10, $0x1;
	s10 =	sld [smem:$0x3FAF]  }
0x3d: {  	_ =	shalt  }
0x3e: {  	_ =	shalt  }
0x3f: {  	_ =	shalt  }
0x40: {  	_ =	shalt  }
0x41: {  	_ =	shalt  }
0x42: {  	_ =	shalt  }
0x43: {  	_ =	shalt  }
0x44: {  	_ =	shalt  }
0x45: {  	_ =	shalt  }
0x46: {  	_ =	shalt  }
0x47: {  	_ =	shalt  }
0x48: {  	_ =	shalt  }
0x49: {  	_ =	shalt  }
0x4a: {  	_ =	shalt  }
0x4b: {  	_ =	shalt  }
0x4c: {  	_ =	shalt  }
0x4d: {  	_ =	shalt  }
0x4e: {  	_ =	shalt  }
0x4f: {  	_ =	shalt  }
0x50: {  	_ =	shalt  }
0x51: {  	_ =	shalt  }
0x52: {  	_ =	shalt  }
0x53: {  	_ =	shalt  }
0x54: {  	_ =	shalt  }
0x55: {  	_ =	shalt  }
0x56: {  	_ =	shalt  }
0x57: {  	_ =	shalt  }
0x58: {  	_ =	shalt  }
0x59: {  	_ =	shalt  }
0x5a: {  	_ =	shalt  }
0x5b: {  	_ =	shalt  }
0x5c: {  	_ =	shalt  }
0x5d: {  	_ =	shalt  }
0x5e: {  	_ =	shalt  }
0x5f: {  	_ =	shalt  }
0x60: {  	_ =	shalt  }
0x61: {  	_ =	shalt  }
0x62: {  	_ =	shalt  }
0x63: {  	_ =	shalt  }
0x64: {  	_ =	shalt  }
0x65: {  	_ =	shalt  }
0x66: {  	_ =	shalt  }
0x67: {  	_ =	shalt  }
0x68: {  	_ =	shalt  }
0x69: {  	_ =	shalt  }
0x6a: {  	_ =	shalt  }
0x6b: {  	_ =	shalt  }
0x6c: {  	_ =	shalt  }
0x6d: {  	_ =	shalt  }
0x6e: {  	_ =	shalt  }
0x6f: {  	_ =	shalt  }
0x70: {  	_ =	shalt  }
0x71: {  	_ =	shalt  }
0x72: {  	_ =	shalt  }
0x73: {  	_ =	shalt  }
0x74: {  	_ =	shalt  }
0x75: {  	_ =	shalt  }
0x76: {  	_ =	shalt  }
0x77: {  	_ =	shalt  }
0x78: {  	_ =	shalt  }
0x79: {  	_ =	shalt  }
0x7a: {  	_ =	shalt  }
0x7b: {  	_ =	shalt  }
0x7c: {  	_ =	shalt  }
0x7d: {  	_ =	shalt  }
0x7e: {  	_ =	shalt  }
0x7f: {  	_ =	shalt  }
0x80: {  	_ =	shalt  }
0x81: {  	_ =	shalt  }
0x82: {  	_ =	shalt  }
0x83: {  	_ =	shalt  }
0x84: {  	_ =	shalt  }
0x85: {  	_ =	shalt  }
0x86: {  	_ =	shalt  }
0x87: {  	_ =	shalt  }
.Lfunc_end0:
.L_simem_size_0:
called_computation.2_lowered:
.L_overlay_start_0:
0x88: {  	s2 =	sld [smem:$0x3FD9]  }
0x89: {  	s3 =	sld [smem:$0x3FFE];
	_ =	sdelay $0x1  }
0x8a: {  	s1 =	srdreg.scid  }
0x8b: {  	s0 =	sand.u32 $0x1, s1  }
0x8c: {  	s16 =	sshll.u32 s0, $0xA;
	s2 =	sadd.s32 s3, s2  }
0x8d: {  	s2 =	sadd.s32 s2, s16  }
0x8e: {  	[smem:$0x3FBB] =	sst s2  }
0x8f: {  	_ = 	snop  }
0x90: {  	(tm) =	ssettm $0x1  }
0x91: {  	s17 =	sld [smem:$0x3FFB];
	_ =	sdelay $0x3  }
0x92: {  	_ =	strace s17  }
0x93: {  	s2 =	sld [smem:$0x3FFC];
	_ =	sdelay $0x3  }
0x94: {  	_ =	strace s2  }
0x95: {  	s2 =	sld [smem:$0x3FFD];
	_ =	sdelay $0x3  }
0x96: {  	_ =	strace s2  }
0x97: {  	_ =	strace $0x8FFFFFFF  }
0x98: {  	s18 =	sld [smem:$0x3FDB];
	_ =	sdelay $0x1  }
0x99: {  	s19 =	simm.s32 $_scs_section_size  }
0x9a: {  	s4 =	simm.s32 $_size__tile_overlayer_lowered;
	s5 =	simm.s32 $_tile_overlayer_lowered  }
0x9b: {  	s22 =	simm.s32 $0x1BFF;
	s21 =	sshll.u32 s5, $0x1;
	s2 =	sadd.s32 s19, s18  }
0x9c: {  	s6 =	simm.s32 $0x0;
	s20 =	sshll.u32 s4, $0x1;
	s4 =	sadd.s32 s21, s2  }
0x9d: {  	[timem:s6], [sflag:s22] =	dma.local [hbm:s4], s20  }
0x9e: {  	_ =	swait.ge [sflag:s22], s20  }
0x9f: {  	s3 =	ssub.s32 $0x0, s20;
	[sflag:s22] =	ssyncset.done $0x0  }
0xa0: {  	[sflag:s22] =	ssyncadd.s32 s3;
	_ =	sdelay $0x1  }
0xa1: {  	s23 =	simm.s32 $0x1B8B  }
0xa2: {  	_ =	swait.ge [sflag:s23], $0x1  }
0xa3: {  	[sflag:s23] =	ssyncset.done $0x0  }
0xa4: {  	s25 =	simm.s32 $0x1B8E;
	s24 =	sld [smem:$0x3FFE];
	[sflag:s23] =	ssyncadd.s32 $0xFFFFFFFF  }
0xa5: {  	s26 =	simm.s32 $execute0_lowered;
	[smem:$0x3FD2] =	sst s25  }
0xa6: {  	s4 =	sshll.u32 s26, $0x1;
	_ =	strace $0x8000004C;
	[dreg:$0x1] =	wrdreg $0xFFFFFFFF  }
0xa7: {  	s28 =	simm.s32 $_size_execute0_lowered;
	s2 =	sadd.s32 s2, s4;
	[dreg:$0x0] =	wrdreg $0x0  }
0xa8: {  	s4 =	sshll.u32 s28, $0x1;
	[dreg:$0x2] =	wrdreg s2  }
0xa9: {  	[dreg:$0x3] =	wrdreg s4  }
0xaa: {  	[dreg:$0x4] =	wrdreg $0xC0  }
0xab: {  	_ =	task [dreg:s6], $0x5FFFF  }
0xac: {  	[dreg:$0x1] =	wrdreg $0xFFFFFFFF  }
0xad: {  	[dreg:$0x0] =	wrdreg $0x60  }
0xae: {  	[dreg:$0x2] =	wrdreg s24  }
0xaf: {  	[dreg:$0x3] =	wrdreg $0x0  }
0xb0: {  	[dreg:$0x4] =	wrdreg $0x9  }
0xb1: {  	_ =	task.clear_ibuf [dreg:s6], $0x5FFFF;
	_ =	strace $0x9000004C  }
0xb2: {  	s29 =	simm.s32 $0x9;
	_ =	strace $0x8000004E  }
0xb3: {  	_ =	swait.ge [sflag:s29], $0x1  }
0xb4: {  	[sflag:s29] =	ssyncadd.s32 $0xFFFFFFFF  }
0xb5: {  	_ =	strace $0x9000004E  }
0xb6: {  	_ =	sfence  }
0xb7: {  	s30 =	sld [smem:$0x0];
	_ =	sdelay $0x2  }
0xb8: {  	s31 =	sshll.u32 s1, $0xD;
	s1 =	sshrl.u32 s1, $0x2  }
0xb9: {  	s3 =	sand.u32 $0x4000, s31;
	s1 =	sadd.s32 s1, s30  }
0xba: {  	s0 =	sor.u32 s3, s0;
	s1 =	sshll.u32 s1, $0x11  }
0xbb: {  	s0 =	sor.u32 s1, s0  }
0xbc: {  	s0 =	sadd.s32 $0x8F2B, s0  }
0xbd: {  	[sflag:s0] =	ssyncadd.remote.s32 $0x1  }
0xbe: {  	_ =	sfence.sel $0xFFFF  }
0xbf: {  	[dreg:$0x0] =	wrdreg $0xFFFFFFFF;
	(pc) =	sbr.abs _section_cstart, $3  }
0xc0: {  	[dreg:$0x1] =	wrdreg $0xFFFFFFFF  }
0xc1: {  	_ =	task.clear_ibuf [dreg:s6], $0x2FFFF;
	_ =	strace $0x9FFFFFFF  }
0xc2: {  	(tm) =	ssettm $0x7FFFFFFF  }
0xc3: {  	_ =	shalt  }
tec
execute0_lowered:
.L_overlay_start_1:
0x0: {  	(tag) =	ssettag $0x1  }
0x1: {  	s10 =	rddreg [dreg:$0x0]  }
0x2: {  	s1 =	rddreg [dreg:$0x1]  }
0x3: {  	s2 =	simm.s32 $0x0;
	s3 =	stileid.u32;
	s8 =	srdreg.scid  }
0x4: {  	s17 =	simm.s32 $0x1C000;
	s18 =	simm.s32 $0x1;
	s19 =	simm.s32 $0x18800  }
0x5: {  	s20 =	simm.s32 $0x19C00;
	s21 =	simm.s32 $0x80;
	s22 =	simm.s32 $0x1B000  }
0x6: {  	s23 =	simm.s32 $0x1C800;
	s24 =	simm.s32 $0x0;
	s4 =	sadd.s32 $0x819C00, s10  }
0x7: {  	[smem:$0x7FF] =	sst s2;
	s5 =	sadd.s32 $0x7E8C00, s10;
	s6 =	sadd.s32 $0x69E00, s10  }
0x8: {  	s7 =	sadd.s32 $0x38E00, s10;
	s11 =	smul.u32 $0x3100, s3;
	s12 =	sand.u32 $0x1, s8  }
0x9: {  	s8 =	sadd.s32 $0x6E00, s10;
	s14 =	smul.u32 $0x62000, s3;
	s9 =	sadd.s32 $0x1FE00, s10  }
.Ltmp0:
0xa: {  	_ =	strace $0x8000004D;
	s13 =	ssub.s32 $0x2, s12;
	(pc) =	sbr.rel .LBB2_1-.Ltmp0, $4  }
0xb: {  	p0 =	seq.s32 s12, $0x1;
	s16 =	sadd.s32 s11, s10;
	s30 =	sshrl.u32 s13, $0x1  }
0xc: {  	s31 =	sshrl.u32 s14, $0x2;
	s11 =	smul.u32 $0x190, s3;
	s13 =	ssub.s32 s13, s30  }
0xd: {  	s10 =	sadd.s32 s31, s1;
	s12 =	sadd.s32 $0x8DDC00, s16;
	s14 =	sadd.s32 $0x8ACC00, s16  }
0xe: {  	v0 =	vimm.f32 $0.0e+00;
	s15 =	sadd.s32 $0x87BC00, s16;
	s16 =	sadd.s32 $0x84AC00, s16;
	s13 =	smax.u32 s13, $0x1  }
.LBB2_38:
0xf: {  	s24 =	sadd.s32 $0x1, s24  }
0x10: {  	p1 =	sne.s32 s24, s13  }
.Ltmp1:
0x11: {  	_ = 	snop;
	(pc) =	sbr.rel @!p1 .LBB2_39-.Ltmp1, $1  }
0x12: {  	_ =	sdelay $0x3  }
.LBB2_1:
0x13: {  	s25 =	sand.u32 $0x1F80, s2  }
0x14: {  	s26 =	sand.u32 $0x10, s2;
	s28 =	sshrl.u32 s25, $0x2  }
0x15: {  	s25 =	simm.s32 $0x40;
	s28 =	sor.u32 s26, s28;
	s26 =	simm.s32 $0x0  }
.LBB2_2:
0x16: {  	p1 =	sne.s32 s25, $0x1FC0  }
0x17: {  	[tilespmem:s28+$0x1C000] =	vst v0;
	s26 =	sadd.s32 $0x10, s26;
	s28 =	smov.u32 s25;
	s25 =	sadd.s32 $0x40, s25  }
.Ltmp2:
0x18: {  	(pc) =	sbr.rel @p1 .LBB2_2-.Ltmp2, $4  }
0x19: {  	_ = 	snop  }
0x1a: {  	s28 =	sand.u32 $0x1F80, s28  }
0x1b: {  	s29 =	sand.u32 $0x10, s26;
	s28 =	sshrl.u32 s28, $0x2  }
0x1c: {  	s28 =	sor.u32 s29, s28  }
.Ltmp3:
0x1d: {  	(pc) =	sbr.rel @!p0 .LBB2_4-.Ltmp3, $2  }
0x1e: {  	_ =	sdelay $0x2  }
0x1f: {  	[tilespmem:s28+$0x1C000] =	vst v0;
	s25 =	simm.s32 $0x0  }
0x20: {  	s0 =	sshra.s32 s25, $0x2  }
0x21: {  	s0 =	sadd.s32 s0, s10  }
0x22: {  	[spmem:s0] =	stream.linear.scatter [tilespmem:s17], [sflag:$0x1], $0x800, $0x38;
	[tilespmem:$0x1D000] =	vst v63  }
0x23: {  	s25 =	sadd.s32 $0x2000, s25;
	_ =	swait.ge [sflag:s18], $0x800  }
.LBB2_22:
0x24: {  	s0 =	sshra.s32 s25, $0x2;
	[sflag:s18] =	ssyncset.done $0x0;
	p1 =	sne.s32 s25, $0x60000  }
.Ltmp4:
0x25: {  	s0 =	sadd.s32 s0, s10;
	[sflag:s18] =	ssyncadd.s32 $0xFFFFF800;
	(pc) =	sbr.rel @p1 .LBB2_22-.Ltmp4, $3  }
0x26: {  	[spmem:s0] =	stream.linear.scatter [tilespmem:s17], [sflag:$0x1], $0x800, $0x38;
	[tilespmem:$0x1D000] =	vst v63  }
0x27: {  	s25 =	sadd.s32 $0x2000, s25;
	_ =	sdelay $0x1  }
0x28: {  	_ =	swait.ge [sflag:s18], $0x800  }
0x29: {  	[sflag:s18] =	ssyncset.done $0x0  }
0x2a: {  	[sflag:s18] =	ssyncadd.s32 $0xFFFFF800  }
0x2b: {  	s25 =	simm.s32 $0x0;
	s26 =	simm.s32 $0x0;
	[bflag:$0x0] =	sbarrier.arrive $0xFFFF  }
.LBB2_24:
0x2c: {  	s0 =	smul.u32 $0x28, s26;
	_ =	sdelay $0x1  }
0x2d: {  	s0 =	sadd.s32 s11, s0  }
0x2e: {  	s0 =	sshll.u32 s0, $0x4  }
0x2f: {  	s28 =	sadd.s32 s8, s0  }
0x30: {  	[tilespmem:s19], [sflag:$0x1] =	stream.linear.gather [hbm4b:s28+s25], $0x1400, $0x38;
	[tilespmem:$0x1D000] =	vst v63  }
0x31: {  	_ =	swait.ge [sflag:s18], $0x1400  }
0x32: {  	[sflag:s18] =	ssyncset.done $0x0  }
0x33: {  	s0 =	sadd.s32 s9, s0;
	[sflag:s18] =	ssyncadd.s32 $0xFFFFEC00  }
0x34: {  	[tilespmem:s20], [sflag:$0x1] =	stream.linear.gather [hbm4b:s0+s25], $0x1400, $0x38;
	[tilespmem:$0x1D000] =	vst v63  }
0x35: {  	_ =	swait.ge [sflag:s18], $0x1400  }
0x36: {  	[sflag:s18] =	ssyncset.done $0x0  }
0x37: {  	s30 =	simm.s32 $0x18800;
	[sflag:s18] =	ssyncadd.s32 $0xFFFFEC00  }
0x38: {  	[tilespmem:s22], [sflag:$0x1] =	stream.indirect.gather [hbm4b:s6+s21], $0x20, s30, s21, $0xb8;
	[tilespmem:$0x1D000] =	vst v63  }
0x39: {  	_ =	swait.ge [sflag:s18], $0x1000  }
0x3a: {  	[sflag:s18] =	ssyncset.done $0x0  }
0x3b: {  	s31 =	simm.s32 $0x19C00;
	[sflag:s18] =	ssyncadd.s32 $0xFFFFF000  }
0x3c: {  	[spmem:s1] =	stream.indirect.scatter.add.f32 [tilespmem:s22], [sflag:$0x1], $0x20, s31, s21, $0xb8;
	[tilespmem:$0x1D000] =	vst v63  }
0x3d: {  	_ =	swait.ge [sflag:s18], $0x1000  }
0x3e: {  	s29 =	simm.s32 $0x400;
	s28 =	simm.s32 $0x80;
	[sflag:s18] =	ssyncset.done $0x0  }
.LBB2_25:
0x3f: {  	s0 =	sadd.s32 $0x18800, s28  }
0x40: {  	[sflag:s18] =	ssyncadd.s32 $0xFFFFF000;
	s30 =	smov.u32 s29;
	s31 =	sadd.s32 $0x200, s29  }
0x41: {  	[tilespmem:s22], [sflag:$0x1] =	stream.indirect.gather [hbm4b:s6+s21], $0x20, s0, s21, $0xb8;
	[tilespmem:$0x1D000] =	vst v63  }
0x42: {  	p1 =	sne.s32 s29, $0x4E00;
	_ =	swait.ge [sflag:s18], $0x1000  }
.Ltmp5:
0x43: {  	[sflag:s18] =	ssyncset.done $0x0;
	(pc) =	sbr.rel @p1 .LBB2_25-.Ltmp5, $4  }
0x44: {  	s0 =	sadd.s32 $0x19C00, s28;
	[sflag:s18] =	ssyncadd.s32 $0xFFFFF000  }
0x45: {  	[spmem:s1] =	stream.indirect.scatter.add.f32 [tilespmem:s22], [sflag:$0x1], $0x20, s0, s21, $0xb8;
	[tilespmem:$0x1D000] =	vst v63  }
0x46: {  	_ =	swait.ge [sflag:s18], $0x1000  }
0x47: {  	s28 =	sshra.s32 s30, $0x2;
	s29 =	smov.u32 s31;
	[sflag:s18] =	ssyncset.done $0x0  }
0x48: {  	s0 =	sadd.s32 $0x18800, s28;
	[sflag:s18] =	ssyncadd.s32 $0xFFFFF000  }
0x49: {  	[tilespmem:s22], [sflag:$0x1] =	stream.indirect.gather [hbm4b:s6+s21], $0x20, s0, s21, $0xb8;
	[tilespmem:$0x1D000] =	vst v63  }
0x4a: {  	s26 =	sadd.s32 $0x1, s26;
	_ =	swait.ge [sflag:s18], $0x1000  }
0x4b: {  	p1 =	sne.s32 s26, $0xA;
	[sflag:s18] =	ssyncset.done $0x0  }
.Ltmp6:
0x4c: {  	s31 =	sadd.s32 $0x19C00, s28;
	[sflag:s18] =	ssyncadd.s32 $0xFFFFF000;
	(pc) =	sbr.rel @p1 .LBB2_24-.Ltmp6, $4  }
0x4d: {  	[spmem:s1] =	stream.indirect.scatter.add.f32 [tilespmem:s22], [sflag:$0x1], $0x20, s31, s21, $0xb8;
	[tilespmem:$0x1D000] =	vst v63  }
0x4e: {  	_ =	swait.ge [sflag:s18], $0x1000  }
0x4f: {  	[sflag:s18] =	ssyncset.done $0x0  }
0x50: {  	[sflag:s18] =	ssyncadd.s32 $0xFFFFF000  }
0x51: {  	[bflag:$0x0] =	sbarrier.arrive $0xFFFF  }
0x52: {  	[tilespmem:s23], [sflag:$0x1] =	stream.linear.gather [spmem:s10], $0x800, $0x38;
	[tilespmem:$0x1D000] =	vst v63  }
0x53: {  	_ =	swait.ge [sflag:s18], $0x800  }
0x54: {  	[sflag:s18] =	ssyncset.done $0x0  }
0x55: {  	s25 =	simm.s32 $0x0;
	s0 =	sadd.s32 $0x0, s15;
	[sflag:s18] =	ssyncadd.s32 $0xFFFFF800  }
0x56: {  	[hbm4b:s0+s25] =	stream.linear.scatter [tilespmem:s23], [sflag:$0x1], $0x800, $0x38;
	[tilespmem:$0x1D000] =	vst v63  }
0x57: {  	_ =	swait.ge [sflag:s18], $0x800  }
0x58: {  	s26 =	simm.s32 $0x100;
	s28 =	smov.u32 s10;
	[sflag:s18] =	ssyncset.done $0x0  }
.LBB2_28:
0x59: {  	p1 =	sne.s32 s26, $0x3000;
	[sflag:s18] =	ssyncadd.s32 $0xFFFFF800;
	s28 =	sadd.s32 $0x800, s28  }
0x5a: {  	[tilespmem:s23], [sflag:$0x1] =	stream.linear.gather [spmem:s28], $0x800, $0x38;
	[tilespmem:$0x1D000] =	vst v63  }
0x5b: {  	s0 =	smov.u32 s26;
	s26 =	sadd.s32 $0x100, s26;
	_ =	swait.ge [sflag:s18], $0x800  }
.Ltmp7:
0x5c: {  	[sflag:s18] =	ssyncset.done $0x0;
	(pc) =	sbr.rel @p1 .LBB2_28-.Ltmp7, $4  }
0x5d: {  	s0 =	sadd.s32 s0, s15;
	[sflag:s18] =	ssyncadd.s32 $0xFFFFF800  }
0x5e: {  	[hbm4b:s0+s25] =	stream.linear.scatter [tilespmem:s23], [sflag:$0x1], $0x800, $0x38;
	[tilespmem:$0x1D000] =	vst v63  }
0x5f: {  	_ =	swait.ge [sflag:s18], $0x800  }
0x60: {  	[sflag:s18] =	ssyncset.done $0x0  }
0x61: {  	[sflag:s18] =	ssyncadd.s32 $0xFFFFF800;
	s0 =	sadd.s32 $0x0, s10  }
0x62: {  	[spmem:s0] =	stream.linear.scatter [tilespmem:s17], [sflag:$0x1], $0x800, $0x38;
	[tilespmem:$0x1D000] =	vst v63  }
0x63: {  	s25 =	simm.s32 $0x2000;
	_ =	swait.ge [sflag:s18], $0x800  }
.LBB2_30:
0x64: {  	s0 =	sshra.s32 s25, $0x2;
	[sflag:s18] =	ssyncset.done $0x0;
	p1 =	sne.s32 s25, $0x60000  }
.Ltmp8:
0x65: {  	s0 =	sadd.s32 s0, s10;
	[sflag:s18] =	ssyncadd.s32 $0xFFFFF800;
	(pc) =	sbr.rel @p1 .LBB2_30-.Ltmp8, $3  }
0x66: {  	[spmem:s0] =	stream.linear.scatter [tilespmem:s17], [sflag:$0x1], $0x800, $0x38;
	[tilespmem:$0x1D000] =	vst v63  }
0x67: {  	s25 =	sadd.s32 $0x2000, s25;
	_ =	sdelay $0x1  }
0x68: {  	_ =	swait.ge [sflag:s18], $0x800  }
0x69: {  	[sflag:s18] =	ssyncset.done $0x0  }
0x6a: {  	[sflag:s18] =	ssyncadd.s32 $0xFFFFF800  }
0x6b: {  	s25 =	simm.s32 $0x0;
	s26 =	simm.s32 $0x0;
	[bflag:$0x0] =	sbarrier.arrive $0xFFFF  }
.LBB2_32:
0x6c: {  	s0 =	smul.u32 $0x28, s26;
	_ =	sdelay $0x1  }
0x6d: {  	s0 =	sadd.s32 s11, s0  }
0x6e: {  	s0 =	sshll.u32 s0, $0x4  }
0x6f: {  	s28 =	sadd.s32 s8, s0  }
0x70: {  	[tilespmem:s19], [sflag:$0x1] =	stream.linear.gather [hbm4b:s28+s25], $0x1400, $0x38;
	[tilespmem:$0x1D000] =	vst v63  }
0x71: {  	_ =	swait.ge [sflag:s18], $0x1400  }
0x72: {  	[sflag:s18] =	ssyncset.done $0x0  }
0x73: {  	s0 =	sadd.s32 s9, s0;
	[sflag:s18] =	ssyncadd.s32 $0xFFFFEC00  }
0x74: {  	[tilespmem:s20], [sflag:$0x1] =	stream.linear.gather [hbm4b:s0+s25], $0x1400, $0x38;
	[tilespmem:$0x1D000] =	vst v63  }
0x75: {  	_ =	swait.ge [sflag:s18], $0x1400  }
0x76: {  	[sflag:s18] =	ssyncset.done $0x0  }
0x77: {  	s30 =	simm.s32 $0x18800;
	[sflag:s18] =	ssyncadd.s32 $0xFFFFEC00  }
0x78: {  	[tilespmem:s22], [sflag:$0x1] =	stream.indirect.gather [hbm4b:s7+s21], $0x20, s30, s21, $0xb8;
	[tilespmem:$0x1D000] =	vst v63  }
0x79: {  	_ =	swait.ge [sflag:s18], $0x1000  }
0x7a: {  	[sflag:s18] =	ssyncset.done $0x0  }
0x7b: {  	s31 =	simm.s32 $0x19C00;
	[sflag:s18] =	ssyncadd.s32 $0xFFFFF000  }
0x7c: {  	[spmem:s1] =	stream.indirect.scatter.add.f32 [tilespmem:s22], [sflag:$0x1], $0x20, s31, s21, $0xb8;
	[tilespmem:$0x1D000] =	vst v63  }
0x7d: {  	_ =	swait.ge [sflag:s18], $0x1000  }
0x7e: {  	s29 =	simm.s32 $0x400;
	s28 =	simm.s32 $0x80;
	[sflag:s18] =	ssyncset.done $0x0  }
.LBB2_33:
0x7f: {  	s0 =	sadd.s32 $0x18800, s28  }
0x80: {  	[sflag:s18] =	ssyncadd.s32 $0xFFFFF000;
	s30 =	smov.u32 s29;
	s31 =	sadd.s32 $0x200, s29  }
0x81: {  	[tilespmem:s22], [sflag:$0x1] =	stream.indirect.gather [hbm4b:s7+s21], $0x20, s0, s21, $0xb8;
	[tilespmem:$0x1D000] =	vst v63  }
0x82: {  	p1 =	sne.s32 s29, $0x4E00;
	_ =	swait.ge [sflag:s18], $0x1000  }
.Ltmp9:
0x83: {  	[sflag:s18] =	ssyncset.done $0x0;
	(pc) =	sbr.rel @p1 .LBB2_33-.Ltmp9, $4  }
0x84: {  	s0 =	sadd.s32 $0x19C00, s28;
	[sflag:s18] =	ssyncadd.s32 $0xFFFFF000  }
0x85: {  	[spmem:s1] =	stream.indirect.scatter.add.f32 [tilespmem:s22], [sflag:$0x1], $0x20, s0, s21, $0xb8;
	[tilespmem:$0x1D000] =	vst v63  }
0x86: {  	_ =	swait.ge [sflag:s18], $0x1000  }
0x87: {  	s28 =	sshra.s32 s30, $0x2;
	s29 =	smov.u32 s31;
	[sflag:s18] =	ssyncset.done $0x0  }
0x88: {  	s0 =	sadd.s32 $0x18800, s28;
	[sflag:s18] =	ssyncadd.s32 $0xFFFFF000  }
0x89: {  	[tilespmem:s22], [sflag:$0x1] =	stream.indirect.gather [hbm4b:s7+s21], $0x20, s0, s21, $0xb8;
	[tilespmem:$0x1D000] =	vst v63  }
0x8a: {  	s26 =	sadd.s32 $0x1, s26;
	_ =	swait.ge [sflag:s18], $0x1000  }
0x8b: {  	p1 =	sne.s32 s26, $0xA;
	[sflag:s18] =	ssyncset.done $0x0  }
.Ltmp10:
0x8c: {  	s31 =	sadd.s32 $0x19C00, s28;
	[sflag:s18] =	ssyncadd.s32 $0xFFFFF000;
	(pc) =	sbr.rel @p1 .LBB2_32-.Ltmp10, $4  }
0x8d: {  	[spmem:s1] =	stream.indirect.scatter.add.f32 [tilespmem:s22], [sflag:$0x1], $0x20, s31, s21, $0xb8;
	[tilespmem:$0x1D000] =	vst v63  }
0x8e: {  	_ =	swait.ge [sflag:s18], $0x1000  }
0x8f: {  	[sflag:s18] =	ssyncset.done $0x0  }
0x90: {  	[sflag:s18] =	ssyncadd.s32 $0xFFFFF000  }
0x91: {  	[bflag:$0x0] =	sbarrier.arrive $0xFFFF  }
0x92: {  	[tilespmem:s23], [sflag:$0x1] =	stream.linear.gather [spmem:s10], $0x800, $0x38;
	[tilespmem:$0x1D000] =	vst v63  }
0x93: {  	_ =	swait.ge [sflag:s18], $0x800  }
0x94: {  	[sflag:s18] =	ssyncset.done $0x0  }
0x95: {  	s0 =	sadd.s32 $0x0, s16;
	[sflag:s18] =	ssyncadd.s32 $0xFFFFF800  }
0x96: {  	[hbm4b:s0+s2] =	stream.linear.scatter [tilespmem:s23], [sflag:$0x1], $0x800, $0x38;
	[tilespmem:$0x1D000] =	vst v63  }
0x97: {  	_ =	swait.ge [sflag:s18], $0x800  }
0x98: {  	s25 =	simm.s32 $0x100;
	s26 =	smov.u32 s10;
	[sflag:s18] =	ssyncset.done $0x0  }
.LBB2_36:
0x99: {  	p1 =	sne.s32 s25, $0x3000;
	[sflag:s18] =	ssyncadd.s32 $0xFFFFF800;
	s26 =	sadd.s32 $0x800, s26  }
0x9a: {  	[tilespmem:s23], [sflag:$0x1] =	stream.linear.gather [spmem:s26], $0x800, $0x38;
	[tilespmem:$0x1D000] =	vst v63  }
0x9b: {  	s0 =	smov.u32 s25;
	s25 =	sadd.s32 $0x100, s25;
	_ =	swait.ge [sflag:s18], $0x800  }
.Ltmp11:
0x9c: {  	[sflag:s18] =	ssyncset.done $0x0;
	(pc) =	sbr.rel @p1 .LBB2_36-.Ltmp11, $4  }
0x9d: {  	s0 =	sadd.s32 s0, s16;
	[sflag:s18] =	ssyncadd.s32 $0xFFFFF800  }
0x9e: {  	[hbm4b:s0+s2] =	stream.linear.scatter [tilespmem:s23], [sflag:$0x1], $0x800, $0x38;
	[tilespmem:$0x1D000] =	vst v63  }
0x9f: {  	_ =	swait.ge [sflag:s18], $0x800  }
0xa0: {  	[sflag:s18] =	ssyncset.done $0x0  }
.Ltmp12:
0xa1: {  	(pc) =	sbr.rel .LBB2_38-.Ltmp12, $2  }
0xa2: {  	_ =	sdelay $0x2  }
0xa3: {  	[sflag:s18] =	ssyncadd.s32 $0xFFFFF800  }
.LBB2_4:
0xa4: {  	s26 =	sshra.s32 s25, $0x2  }
0xa5: {  	s26 =	sadd.s32 s26, s10  }
0xa6: {  	[spmem:s26] =	stream.linear.scatter [tilespmem:s17], [sflag:$0x1], $0x800, $0x38;
	[tilespmem:$0x1D000] =	vst v63  }
0xa7: {  	s25 =	sadd.s32 $0x2000, s25;
	_ =	swait.ge [sflag:s18], $0x800  }
.LBB2_5:
0xa8: {  	s26 =	sshra.s32 s25, $0x2;
	[sflag:s18] =	ssyncset.done $0x0;
	p1 =	sne.s32 s25, $0x60000  }
.Ltmp13:
0xa9: {  	s26 =	sadd.s32 s26, s10;
	[sflag:s18] =	ssyncadd.s32 $0xFFFFF800;
	(pc) =	sbr.rel @p1 .LBB2_5-.Ltmp13, $3  }
0xaa: {  	[spmem:s26] =	stream.linear.scatter [tilespmem:s17], [sflag:$0x1], $0x800, $0x38;
	[tilespmem:$0x1D000] =	vst v63  }
0xab: {  	s25 =	sadd.s32 $0x2000, s25;
	_ =	sdelay $0x1  }
0xac: {  	_ =	swait.ge [sflag:s18], $0x800  }
0xad: {  	[sflag:s18] =	ssyncset.done $0x0  }
0xae: {  	[sflag:s18] =	ssyncadd.s32 $0xFFFFF800  }
0xaf: {  	s25 =	simm.s32 $0x0;
	s26 =	simm.s32 $0x0;
	[bflag:$0x0] =	sbarrier.arrive $0xFFFF  }
.LBB2_7:
0xb0: {  	s28 =	smul.u32 $0x28, s26;
	_ =	sdelay $0x1  }
0xb1: {  	s28 =	sadd.s32 s11, s28  }
0xb2: {  	s28 =	sshll.u32 s28, $0x4  }
0xb3: {  	s29 =	sadd.s32 s8, s28  }
0xb4: {  	[tilespmem:s19], [sflag:$0x1] =	stream.linear.gather [hbm4b:s29+s25], $0x1400, $0x38;
	[tilespmem:$0x1D000] =	vst v63  }
0xb5: {  	_ =	swait.ge [sflag:s18], $0x1400  }
0xb6: {  	[sflag:s18] =	ssyncset.done $0x0  }
0xb7: {  	s28 =	sadd.s32 s9, s28;
	[sflag:s18] =	ssyncadd.s32 $0xFFFFEC00  }
0xb8: {  	[tilespmem:s20], [sflag:$0x1] =	stream.linear.gather [hbm4b:s28+s25], $0x1400, $0x38;
	[tilespmem:$0x1D000] =	vst v63  }
0xb9: {  	_ =	swait.ge [sflag:s18], $0x1400  }
0xba: {  	[sflag:s18] =	ssyncset.done $0x0  }
0xbb: {  	s28 =	simm.s32 $0x18800;
	[sflag:s18] =	ssyncadd.s32 $0xFFFFEC00  }
0xbc: {  	[tilespmem:s22], [sflag:$0x1] =	stream.indirect.gather [hbm4b:s4+s21], $0x20, s28, s21, $0xb8;
	[tilespmem:$0x1D000] =	vst v63  }
0xbd: {  	_ =	swait.ge [sflag:s18], $0x1000  }
0xbe: {  	[sflag:s18] =	ssyncset.done $0x0  }
0xbf: {  	s28 =	simm.s32 $0x19C00;
	[sflag:s18] =	ssyncadd.s32 $0xFFFFF000  }
0xc0: {  	[spmem:s1] =	stream.indirect.scatter.add.f32 [tilespmem:s22], [sflag:$0x1], $0x20, s28, s21, $0xb8;
	[tilespmem:$0x1D000] =	vst v63  }
0xc1: {  	_ =	swait.ge [sflag:s18], $0x1000  }
0xc2: {  	s29 =	simm.s32 $0x400;
	s28 =	simm.s32 $0x80;
	[sflag:s18] =	ssyncset.done $0x0  }
.LBB2_8:
0xc3: {  	s30 =	sadd.s32 $0x18800, s28  }
0xc4: {  	[sflag:s18] =	ssyncadd.s32 $0xFFFFF000;
	s31 =	smov.u32 s29;
	s0 =	sadd.s32 $0x200, s29  }
0xc5: {  	[tilespmem:s22], [sflag:$0x1] =	stream.indirect.gather [hbm4b:s4+s21], $0x20, s30, s21, $0xb8;
	[tilespmem:$0x1D000] =	vst v63  }
0xc6: {  	p1 =	sne.s32 s29, $0x4E00;
	_ =	swait.ge [sflag:s18], $0x1000  }
.Ltmp14:
0xc7: {  	[sflag:s18] =	ssyncset.done $0x0;
	(pc) =	sbr.rel @p1 .LBB2_8-.Ltmp14, $4  }
0xc8: {  	s28 =	sadd.s32 $0x19C00, s28;
	[sflag:s18] =	ssyncadd.s32 $0xFFFFF000  }
0xc9: {  	[spmem:s1] =	stream.indirect.scatter.add.f32 [tilespmem:s22], [sflag:$0x1], $0x20, s28, s21, $0xb8;
	[tilespmem:$0x1D000] =	vst v63  }
0xca: {  	_ =	swait.ge [sflag:s18], $0x1000  }
0xcb: {  	s29 =	smov.u32 s0;
	s28 =	sshra.s32 s31, $0x2;
	[sflag:s18] =	ssyncset.done $0x0  }
0xcc: {  	s0 =	sadd.s32 $0x18800, s28;
	[sflag:s18] =	ssyncadd.s32 $0xFFFFF000  }
0xcd: {  	[tilespmem:s22], [sflag:$0x1] =	stream.indirect.gather [hbm4b:s4+s21], $0x20, s0, s21, $0xb8;
	[tilespmem:$0x1D000] =	vst v63  }
0xce: {  	s26 =	sadd.s32 $0x1, s26;
	_ =	swait.ge [sflag:s18], $0x1000  }
0xcf: {  	p1 =	sne.s32 s26, $0xA;
	[sflag:s18] =	ssyncset.done $0x0  }
.Ltmp15:
0xd0: {  	s31 =	sadd.s32 $0x19C00, s28;
	[sflag:s18] =	ssyncadd.s32 $0xFFFFF000;
	(pc) =	sbr.rel @p1 .LBB2_7-.Ltmp15, $4  }
0xd1: {  	[spmem:s1] =	stream.indirect.scatter.add.f32 [tilespmem:s22], [sflag:$0x1], $0x20, s31, s21, $0xb8;
	[tilespmem:$0x1D000] =	vst v63  }
0xd2: {  	_ =	swait.ge [sflag:s18], $0x1000  }
0xd3: {  	[sflag:s18] =	ssyncset.done $0x0  }
0xd4: {  	[sflag:s18] =	ssyncadd.s32 $0xFFFFF000  }
0xd5: {  	[bflag:$0x0] =	sbarrier.arrive $0xFFFF  }
0xd6: {  	[tilespmem:s23], [sflag:$0x1] =	stream.linear.gather [spmem:s10], $0x800, $0x38;
	[tilespmem:$0x1D000] =	vst v63  }
0xd7: {  	_ =	swait.ge [sflag:s18], $0x800  }
0xd8: {  	[sflag:s18] =	ssyncset.done $0x0  }
0xd9: {  	s25 =	simm.s32 $0x0;
	s0 =	sadd.s32 $0x0, s12;
	[sflag:s18] =	ssyncadd.s32 $0xFFFFF800  }
0xda: {  	[hbm4b:s0+s25] =	stream.linear.scatter [tilespmem:s23], [sflag:$0x1], $0x800, $0x38;
	[tilespmem:$0x1D000] =	vst v63  }
0xdb: {  	_ =	swait.ge [sflag:s18], $0x800  }
0xdc: {  	s26 =	simm.s32 $0x100;
	s28 =	smov.u32 s10;
	[sflag:s18] =	ssyncset.done $0x0  }
.LBB2_11:
0xdd: {  	p1 =	sne.s32 s26, $0x3000;
	[sflag:s18] =	ssyncadd.s32 $0xFFFFF800;
	s28 =	sadd.s32 $0x800, s28  }
0xde: {  	[tilespmem:s23], [sflag:$0x1] =	stream.linear.gather [spmem:s28], $0x800, $0x38;
	[tilespmem:$0x1D000] =	vst v63  }
0xdf: {  	s0 =	smov.u32 s26;
	s26 =	sadd.s32 $0x100, s26;
	_ =	swait.ge [sflag:s18], $0x800  }
.Ltmp16:
0xe0: {  	[sflag:s18] =	ssyncset.done $0x0;
	(pc) =	sbr.rel @p1 .LBB2_11-.Ltmp16, $4  }
0xe1: {  	s0 =	sadd.s32 s0, s12;
	[sflag:s18] =	ssyncadd.s32 $0xFFFFF800  }
0xe2: {  	[hbm4b:s0+s25] =	stream.linear.scatter [tilespmem:s23], [sflag:$0x1], $0x800, $0x38;
	[tilespmem:$0x1D000] =	vst v63  }
0xe3: {  	_ =	swait.ge [sflag:s18], $0x800  }
0xe4: {  	[sflag:s18] =	ssyncset.done $0x0  }
0xe5: {  	[sflag:s18] =	ssyncadd.s32 $0xFFFFF800;
	s0 =	sadd.s32 $0x0, s10  }
0xe6: {  	[spmem:s0] =	stream.linear.scatter [tilespmem:s17], [sflag:$0x1], $0x800, $0x38;
	[tilespmem:$0x1D000] =	vst v63  }
0xe7: {  	s25 =	simm.s32 $0x2000;
	_ =	swait.ge [sflag:s18], $0x800  }
.LBB2_13:
0xe8: {  	s0 =	sshra.s32 s25, $0x2;
	[sflag:s18] =	ssyncset.done $0x0;
	p1 =	sne.s32 s25, $0x60000  }
.Ltmp17:
0xe9: {  	s0 =	sadd.s32 s0, s10;
	[sflag:s18] =	ssyncadd.s32 $0xFFFFF800;
	(pc) =	sbr.rel @p1 .LBB2_13-.Ltmp17, $3  }
0xea: {  	[spmem:s0] =	stream.linear.scatter [tilespmem:s17], [sflag:$0x1], $0x800, $0x38;
	[tilespmem:$0x1D000] =	vst v63  }
0xeb: {  	s25 =	sadd.s32 $0x2000, s25;
	_ =	sdelay $0x1  }
0xec: {  	_ =	swait.ge [sflag:s18], $0x800  }
0xed: {  	[sflag:s18] =	ssyncset.done $0x0  }
0xee: {  	[sflag:s18] =	ssyncadd.s32 $0xFFFFF800  }
0xef: {  	s25 =	simm.s32 $0x0;
	s26 =	simm.s32 $0x0;
	[bflag:$0x0] =	sbarrier.arrive $0xFFFF  }
.LBB2_15:
0xf0: {  	s0 =	smul.u32 $0x28, s26;
	_ =	sdelay $0x1  }
0xf1: {  	s0 =	sadd.s32 s11, s0  }
0xf2: {  	s0 =	sshll.u32 s0, $0x4  }
0xf3: {  	s28 =	sadd.s32 s8, s0  }
0xf4: {  	[tilespmem:s19], [sflag:$0x1] =	stream.linear.gather [hbm4b:s28+s25], $0x1400, $0x38;
	[tilespmem:$0x1D000] =	vst v63  }
0xf5: {  	_ =	swait.ge [sflag:s18], $0x1400  }
0xf6: {  	[sflag:s18] =	ssyncset.done $0x0  }
0xf7: {  	s0 =	sadd.s32 s9, s0;
	[sflag:s18] =	ssyncadd.s32 $0xFFFFEC00  }
0xf8: {  	[tilespmem:s20], [sflag:$0x1] =	stream.linear.gather [hbm4b:s0+s25], $0x1400, $0x38;
	[tilespmem:$0x1D000] =	vst v63  }
0xf9: {  	_ =	swait.ge [sflag:s18], $0x1400  }
0xfa: {  	[sflag:s18] =	ssyncset.done $0x0  }
0xfb: {  	s30 =	simm.s32 $0x18800;
	[sflag:s18] =	ssyncadd.s32 $0xFFFFEC00  }
0xfc: {  	[tilespmem:s22], [sflag:$0x1] =	stream.indirect.gather [hbm4b:s5+s21], $0x20, s30, s21, $0xb8;
	[tilespmem:$0x1D000] =	vst v63  }
0xfd: {  	_ =	swait.ge [sflag:s18], $0x1000  }
0xfe: {  	[sflag:s18] =	ssyncset.done $0x0  }
0xff: {  	s31 =	simm.s32 $0x19C00;
	[sflag:s18] =	ssyncadd.s32 $0xFFFFF000  }
0x100: {  	[spmem:s1] =	stream.indirect.scatter.add.f32 [tilespmem:s22], [sflag:$0x1], $0x20, s31, s21, $0xb8;
	[tilespmem:$0x1D000] =	vst v63  }
0x101: {  	_ =	swait.ge [sflag:s18], $0x1000  }
0x102: {  	s29 =	simm.s32 $0x400;
	s28 =	simm.s32 $0x80;
	[sflag:s18] =	ssyncset.done $0x0  }
.LBB2_16:
0x103: {  	s0 =	sadd.s32 $0x18800, s28  }
0x104: {  	[sflag:s18] =	ssyncadd.s32 $0xFFFFF000;
	s30 =	smov.u32 s29;
	s31 =	sadd.s32 $0x200, s29  }
0x105: {  	[tilespmem:s22], [sflag:$0x1] =	stream.indirect.gather [hbm4b:s5+s21], $0x20, s0, s21, $0xb8;
	[tilespmem:$0x1D000] =	vst v63  }
0x106: {  	p1 =	sne.s32 s29, $0x4E00;
	_ =	swait.ge [sflag:s18], $0x1000  }
.Ltmp18:
0x107: {  	[sflag:s18] =	ssyncset.done $0x0;
	(pc) =	sbr.rel @p1 .LBB2_16-.Ltmp18, $4  }
0x108: {  	s0 =	sadd.s32 $0x19C00, s28;
	[sflag:s18] =	ssyncadd.s32 $0xFFFFF000  }
0x109: {  	[spmem:s1] =	stream.indirect.scatter.add.f32 [tilespmem:s22], [sflag:$0x1], $0x20, s0, s21, $0xb8;
	[tilespmem:$0x1D000] =	vst v63  }
0x10a: {  	_ =	swait.ge [sflag:s18], $0x1000  }
0x10b: {  	s28 =	sshra.s32 s30, $0x2;
	s29 =	smov.u32 s31;
	[sflag:s18] =	ssyncset.done $0x0  }
0x10c: {  	s0 =	sadd.s32 $0x18800, s28;
	[sflag:s18] =	ssyncadd.s32 $0xFFFFF000  }
0x10d: {  	[tilespmem:s22], [sflag:$0x1] =	stream.indirect.gather [hbm4b:s5+s21], $0x20, s0, s21, $0xb8;
	[tilespmem:$0x1D000] =	vst v63  }
0x10e: {  	s26 =	sadd.s32 $0x1, s26;
	_ =	swait.ge [sflag:s18], $0x1000  }
0x10f: {  	p1 =	sne.s32 s26, $0xA;
	[sflag:s18] =	ssyncset.done $0x0  }
.Ltmp19:
0x110: {  	s31 =	sadd.s32 $0x19C00, s28;
	[sflag:s18] =	ssyncadd.s32 $0xFFFFF000;
	(pc) =	sbr.rel @p1 .LBB2_15-.Ltmp19, $4  }
0x111: {  	[spmem:s1] =	stream.indirect.scatter.add.f32 [tilespmem:s22], [sflag:$0x1], $0x20, s31, s21, $0xb8;
	[tilespmem:$0x1D000] =	vst v63  }
0x112: {  	_ =	swait.ge [sflag:s18], $0x1000  }
0x113: {  	[sflag:s18] =	ssyncset.done $0x0  }
0x114: {  	[sflag:s18] =	ssyncadd.s32 $0xFFFFF000  }
0x115: {  	[bflag:$0x0] =	sbarrier.arrive $0xFFFF  }
0x116: {  	[tilespmem:s23], [sflag:$0x1] =	stream.linear.gather [spmem:s10], $0x800, $0x38;
	[tilespmem:$0x1D000] =	vst v63  }
0x117: {  	_ =	swait.ge [sflag:s18], $0x800  }
0x118: {  	[sflag:s18] =	ssyncset.done $0x0  }
0x119: {  	s0 =	sadd.s32 $0x0, s14;
	[sflag:s18] =	ssyncadd.s32 $0xFFFFF800  }
0x11a: {  	[hbm4b:s0+s2] =	stream.linear.scatter [tilespmem:s23], [sflag:$0x1], $0x800, $0x38;
	[tilespmem:$0x1D000] =	vst v63  }
0x11b: {  	_ =	swait.ge [sflag:s18], $0x800  }
0x11c: {  	s25 =	simm.s32 $0x100;
	s26 =	smov.u32 s10;
	[sflag:s18] =	ssyncset.done $0x0  }
.LBB2_19:
0x11d: {  	p1 =	seq.s32 s25, $0x3000;
	[sflag:s18] =	ssyncadd.s32 $0xFFFFF800;
	s26 =	sadd.s32 $0x800, s26  }
0x11e: {  	[tilespmem:s23], [sflag:$0x1] =	stream.linear.gather [spmem:s26], $0x800, $0x38;
	[tilespmem:$0x1D000] =	vst v63  }
0x11f: {  	s0 =	smov.u32 s25;
	s25 =	sadd.s32 $0x100, s25;
	_ =	swait.ge [sflag:s18], $0x800  }
.Ltmp20:
0x120: {  	[sflag:s18] =	ssyncset.done $0x0;
	(pc) =	sbr.rel @!p1 .LBB2_19-.Ltmp20, $4  }
0x121: {  	s0 =	sadd.s32 s0, s14;
	[sflag:s18] =	ssyncadd.s32 $0xFFFFF800  }
0x122: {  	[hbm4b:s0+s2] =	stream.linear.scatter [tilespmem:s23], [sflag:$0x1], $0x800, $0x38;
	[tilespmem:$0x1D000] =	vst v63  }
0x123: {  	_ =	swait.ge [sflag:s18], $0x800  }
0x124: {  	[sflag:s18] =	ssyncset.done $0x0  }
.Ltmp21:
0x125: {  	(pc) =	sbr.rel .LBB2_38-.Ltmp21, $2  }
0x126: {  	_ =	sdelay $0x2  }
0x127: {  	[sflag:s18] =	ssyncadd.s32 $0xFFFFF800  }
.LBB2_39:
0x128: {  	_ =	sfence.sel $0x180000  }
0x129: {  	[bflag:$0x0] =	sbarrier.arrive $0xFFFF  }
0x12a: {  	_ =	strace $0x9000004D  }
0x12b: {  	[bflag:$0x2] =	sbarrier.arrive $0xFFFF  }
0x12c: {  	p0 =	sne.s32 s3, $0x0;
	s0 =	rddreg [dreg:$0x2]  }
0x12d: {  	s0 =	sadd.s32 @!p0 $0x100000, s0  }
0x12e: {  	[sflag:s0] =	ssyncadd.tile.s32 @!p0 $0x1;
	_ =	shalt  }
.Lfunc_end2:
_tile_overlayer_lowered:
.L_overlay_start_2:
0x12f: {  	(tag) =	ssettag $0x2  }
0x130: {  	s0 =	rddreg [dreg:$0x0];
	s2 =	stileid.u32  }
0x131: {  	s1 =	rddreg [dreg:$0x1];
	p0 =	sne.s32 s2, $0x0  }
0x132: {  	s3 =	rddreg [dreg:$0x2];
	[bflag:$0x3] =	sbarrier.arrive $0xFFFF;
	s2 =	simm.s32 @!p0 $0x1C01  }
0x133: {  	[timem:s3], [sflag:s2] =	dma.local @!p0 [hbm:s0], s1  }
0x134: {  	s0 =	simm.s32 @!p0 $0x1  }
0x135: {  	_ =	swait.ge @!p0 [sflag:s0], s1  }
0x136: {  	s1 =	ssub.s32 @!p0 $0x0, s1;
	[sflag:s0] =	ssyncset.done @!p0 $0x0  }
0x137: {  	[sflag:s0] =	ssyncadd.s32 @!p0 s1  }
0x138: {  	[bflag:$0x3] =	sbarrier.arrive $0xFFFF  }
0x139: {  	_ =	shalt  }

// kernel: kernel.8.cloned.1.call-start
scs
__scs_entry_jumppad:
0x0: {  	(pc) =	sbr.rel $0x88, $3  }
0x1: {  	(tag) =	ssettag $0x0;
	lr =	simm.s32 $0x1  }
0x2: {  	[smem:$0x3F94] =	sst lr;
	_ =	strace $0xD0000000  }
0x3: {  	_ = 	snop  }
0x4: {  	_ = 	snop  }
0x5: {  	_ = 	snop  }
0x6: {  	_ = 	snop  }
0x7: {  	_ = 	snop  }
__scs_overlays_trampoline_lowered:
0x8: {  	[smem:$0x3FA3] =	sst s0  }
0x9: {  	[smem:$0x3FA4] =	sst s1  }
0xa: {  	[smem:$0x3FA5] =	sst s2  }
0xb: {  	[smem:$0x3FA6] =	sst s3  }
0xc: {  	[smem:$0x3FA7] =	sst s4  }
0xd: {  	[smem:$0x3FA8] =	sst s5  }
0xe: {  	[smem:$0x3FA9] =	sst s6  }
0xf: {  	[smem:$0x3FAA] =	sst s7  }
0x10: {  	[smem:$0x3FAB] =	sst s8  }
0x11: {  	[smem:$0x3FAC] =	sst s9;
	s0 =	simm.s32 @!p0 $0x0  }
0x12: {  	s1 =	sld [smem:$0x3F92];
	s0 =	simm.s32 @p0 $0x1  }
0x13: {  	[smem:$0x3FAD] =	sst s0;
	s0 =	simm.s32 @!p1 $0x0  }
0x14: {  	s2 =	sld [smem:$0x3F91];
	s0 =	simm.s32 @p1 $0x1  }
0x15: {  	[smem:$0x3FAE] =	sst s0;
	s0 =	simm.s32 @!p2 $0x0  }
0x16: {  	s3 =	sld [smem:$0x3FDB];
	s0 =	simm.s32 @p2 $0x1  }
0x17: {  	s4 =	simm.s32 $0x1BF5;
	[smem:$0x3FB0] =	sst s0  }
0x18: {  	s0 =	sld [smem:$0x3F93];
	_ =	swait.ge [sflag:s4], $0x0  }
0x19: {  	s7 =	sld [smem:$0x3F94]  }
0x1a: {  	s8 =	sadd.s32 $0xFFFFE003, lr  }
0x1b: {  	s9 =	sadd.s32 $0xFFFFFEF7, lr;
	s5 =	simm.s32 $0xFFFFFFFF;
	p2 =	slt.u32 s8, $0xFFFFF086  }
0x1c: {  	p1 =	slt.u32 s9, $0xF7A;
	s5 =	simm.s32 @!p2 $0x0  }
0x1d: {  	s5 =	simm.s32 @p1 $0x1;
	p0 =	seq.s32 s7, s2  }
0x1e: {  	s7 =	smul.u32 @!p0 $0xF7A, s2;
	p2 =	seq.s32 @!p0 s5, $0x0  }
0x1f: {  	s9 =	smul.u32 $0xF7A, s1;
	s8 =	simm.s32 @!p0 $0x1BF5;
	p2 =	por !p2, p0  }
0x20: {  	[sflag:s8] =	ssyncset.s32 @!p0 $0xFFFFF086;
	s6 =	sadd.s32 @!p0 s3, s7;
	s7 =	simm.s32 @!p0 $0x108  }
0x21: {  	s3 =	sadd.s32 s3, s9;
	s6 =	sadd.s32 @!p0 $0x88, s6;
	s7 =	simm.s32 @p2 $0x1082  }
0x22: {  	[simem:s7], [sflag:s8] =	dma.local @!p0 [hbm:s6], $0xF7A  }
0x23: {  	s9 =	sor.u32 $0xD0000000, s2;
	s6 =	simm.s32 $0x108;
	_ =	swait.ge @!p0 [sflag:s8], $0x0  }
0x24: {  	s3 =	sadd.s32 $0x88, s3;
	s6 =	simm.s32 @!p1 $0x1082;
	[sflag:s4] =	ssyncset.s32 $0xFFFFF086  }
0x25: {  	[simem:s6], [sflag:s4] =	dma.local [hbm:s3], $0xF7A  }
0x26: {  	[smem:$0x3F94] =	sst s1;
	(tag) =	ssettag s2;
	_ =	strace s9  }
0x27: {  	s1 =	sld [smem:$0x3FA4]  }
0x28: {  	s2 =	sld [smem:$0x3FA5]  }
0x29: {  	s4 =	sld [smem:$0x3FA7]  }
0x2a: {  	p0 =	seq.s32 s5, $0x0;
	s5 =	sld [smem:$0x3FA8]  }
0x2b: {  	s6 =	sld [smem:$0x3FA9]  }
0x2c: {  	s7 =	sld [smem:$0x3FAA]  }
0x2d: {  	s3 =	simm.s32 $0x108;
	s8 =	sld [smem:$0x3FAB]  }
0x2e: {  	s3 =	simm.s32 @!p0 $0x1082;
	s9 =	sld [smem:$0x3FAC]  }
0x2f: {  	lr =	sadd.s32 s0, s3;
	s0 =	sld [smem:$0x3FA3]  }
0x30: {  	s3 =	sld [smem:$0x3FA6]  }
0x31: {  	[smem:$0x3FAF] =	sst s10  }
0x32: {  	s10 =	sld [smem:$0x3FAD];
	_ =	sdelay $0x3  }
0x33: {  	p0 =	seq.s32 s10, $0x1;
	s10 =	sld [smem:$0x3FAF];
	_ =	sdelay $0x3  }
0x34: {  	[smem:$0x3FAF] =	sst s10  }
0x35: {  	s10 =	sld [smem:$0x3FAE];
	_ =	sdelay $0x3  }
0x36: {  	p1 =	seq.s32 s10, $0x1;
	s10 =	sld [smem:$0x3FAF];
	_ =	sdelay $0x3  }
0x37: {  	[smem:$0x3FAF] =	sst s10  }
0x38: {  	s10 =	sld [smem:$0x3FB0]  }
0x39: {  	_ = 	snop;
	(pc) =	sbr.ind lr, $3  }
0x3a: {  	_ = 	snop  }
0x3b: {  	_ = 	snop  }
0x3c: {  	p2 =	seq.s32 s10, $0x1;
	s10 =	sld [smem:$0x3FAF]  }
0x3d: {  	_ =	shalt  }
0x3e: {  	_ =	shalt  }
0x3f: {  	_ =	shalt  }
0x40: {  	_ =	shalt  }
0x41: {  	_ =	shalt  }
0x42: {  	_ =	shalt  }
0x43: {  	_ =	shalt  }
0x44: {  	_ =	shalt  }
0x45: {  	_ =	shalt  }
0x46: {  	_ =	shalt  }
0x47: {  	_ =	shalt  }
0x48: {  	_ =	shalt  }
0x49: {  	_ =	shalt  }
0x4a: {  	_ =	shalt  }
0x4b: {  	_ =	shalt  }
0x4c: {  	_ =	shalt  }
0x4d: {  	_ =	shalt  }
0x4e: {  	_ =	shalt  }
0x4f: {  	_ =	shalt  }
0x50: {  	_ =	shalt  }
0x51: {  	_ =	shalt  }
0x52: {  	_ =	shalt  }
0x53: {  	_ =	shalt  }
0x54: {  	_ =	shalt  }
0x55: {  	_ =	shalt  }
0x56: {  	_ =	shalt  }
0x57: {  	_ =	shalt  }
0x58: {  	_ =	shalt  }
0x59: {  	_ =	shalt  }
0x5a: {  	_ =	shalt  }
0x5b: {  	_ =	shalt  }
0x5c: {  	_ =	shalt  }
0x5d: {  	_ =	shalt  }
0x5e: {  	_ =	shalt  }
0x5f: {  	_ =	shalt  }
0x60: {  	_ =	shalt  }
0x61: {  	_ =	shalt  }
0x62: {  	_ =	shalt  }
0x63: {  	_ =	shalt  }
0x64: {  	_ =	shalt  }
0x65: {  	_ =	shalt  }
0x66: {  	_ =	shalt  }
0x67: {  	_ =	shalt  }
0x68: {  	_ =	shalt  }
0x69: {  	_ =	shalt  }
0x6a: {  	_ =	shalt  }
0x6b: {  	_ =	shalt  }
0x6c: {  	_ =	shalt  }
0x6d: {  	_ =	shalt  }
0x6e: {  	_ =	shalt  }
0x6f: {  	_ =	shalt  }
0x70: {  	_ =	shalt  }
0x71: {  	_ =	shalt  }
0x72: {  	_ =	shalt  }
0x73: {  	_ =	shalt  }
0x74: {  	_ =	shalt  }
0x75: {  	_ =	shalt  }
0x76: {  	_ =	shalt  }
0x77: {  	_ =	shalt  }
0x78: {  	_ =	shalt  }
0x79: {  	_ =	shalt  }
0x7a: {  	_ =	shalt  }
0x7b: {  	_ =	shalt  }
0x7c: {  	_ =	shalt  }
0x7d: {  	_ =	shalt  }
0x7e: {  	_ =	shalt  }
0x7f: {  	_ =	shalt  }
0x80: {  	_ =	shalt  }
0x81: {  	_ =	shalt  }
0x82: {  	_ =	shalt  }
0x83: {  	_ =	shalt  }
0x84: {  	_ =	shalt  }
0x85: {  	_ =	shalt  }
0x86: {  	_ =	shalt  }
0x87: {  	_ =	shalt  }
.Lfunc_end0:
.L_simem_size_0:
called_computation_lowered:
.L_overlay_start_0:
0x88: {  	s2 =	sld [smem:$0x3FD9]  }
0x89: {  	s3 =	sld [smem:$0x3FFE];
	_ =	sdelay $0x1  }
0x8a: {  	s1 =	srdreg.scid  }
0x8b: {  	s0 =	sand.u32 $0x1, s1  }
0x8c: {  	s16 =	sshll.u32 s0, $0xA;
	s2 =	sadd.s32 s3, s2  }
0x8d: {  	s2 =	sadd.s32 s2, s16  }
0x8e: {  	[smem:$0x3FBB] =	sst s2  }
0x8f: {  	_ = 	snop  }
0x90: {  	(tm) =	ssettm $0x1  }
0x91: {  	s17 =	sld [smem:$0x3FFB];
	_ =	sdelay $0x3  }
0x92: {  	_ =	strace s17  }
0x93: {  	s2 =	sld [smem:$0x3FFC];
	_ =	sdelay $0x3  }
0x94: {  	_ =	strace s2  }
0x95: {  	s2 =	sld [smem:$0x3FFD];
	_ =	sdelay $0x3  }
0x96: {  	_ =	strace s2  }
0x97: {  	_ =	strace $0x8FFFFFFF  }
0x98: {  	s18 =	sld [smem:$0x3FDB];
	_ =	sdelay $0x1  }
0x99: {  	s19 =	simm.s32 $_scs_section_size  }
0x9a: {  	s4 =	simm.s32 $_size__tile_overlayer_lowered;
	s5 =	simm.s32 $_tile_overlayer_lowered  }
0x9b: {  	s22 =	simm.s32 $0x1BFF;
	s21 =	sshll.u32 s5, $0x1;
	s2 =	sadd.s32 s19, s18  }
0x9c: {  	s6 =	simm.s32 $0x0;
	s20 =	sshll.u32 s4, $0x1;
	s4 =	sadd.s32 s21, s2  }
0x9d: {  	[timem:s6], [sflag:s22] =	dma.local [hbm:s4], s20  }
0x9e: {  	_ =	swait.ge [sflag:s22], s20  }
0x9f: {  	s3 =	ssub.s32 $0x0, s20;
	[sflag:s22] =	ssyncset.done $0x0  }
0xa0: {  	[sflag:s22] =	ssyncadd.s32 s3;
	_ =	sdelay $0x1  }
0xa1: {  	s23 =	simm.s32 $0x1B8B  }
0xa2: {  	_ =	swait.ge [sflag:s23], $0x1  }
0xa3: {  	[sflag:s23] =	ssyncset.done $0x0  }
0xa4: {  	s25 =	simm.s32 $0x1B8E;
	s24 =	sld [smem:$0x3FFE];
	[sflag:s23] =	ssyncadd.s32 $0xFFFFFFFF  }
0xa5: {  	s26 =	simm.s32 $execute0_lowered;
	[smem:$0x3FD2] =	sst s25  }
0xa6: {  	s4 =	sshll.u32 s26, $0x1;
	_ =	strace $0x80000046;
	[dreg:$0x1] =	wrdreg $0xFFFFFFFF  }
0xa7: {  	s28 =	simm.s32 $_size_execute0_lowered;
	s2 =	sadd.s32 s2, s4;
	[dreg:$0x0] =	wrdreg $0x0  }
0xa8: {  	s4 =	sshll.u32 s28, $0x1;
	[dreg:$0x2] =	wrdreg s2  }
0xa9: {  	[dreg:$0x3] =	wrdreg s4  }
0xaa: {  	[dreg:$0x4] =	wrdreg $0xC0  }
0xab: {  	_ =	task [dreg:s6], $0x5FFFF  }
0xac: {  	[dreg:$0x1] =	wrdreg $0xFFFFFFFF  }
0xad: {  	[dreg:$0x0] =	wrdreg $0x60  }
0xae: {  	[dreg:$0x2] =	wrdreg s24  }
0xaf: {  	[dreg:$0x3] =	wrdreg $0xC400  }
0xb0: {  	[dreg:$0x4] =	wrdreg $0x18800  }
0xb1: {  	[dreg:$0x5] =	wrdreg $0x0  }
0xb2: {  	[dreg:$0x6] =	wrdreg $0x9  }
0xb3: {  	_ =	task.clear_ibuf [dreg:s6], $0x7FFFF;
	_ =	strace $0x90000046  }
0xb4: {  	s29 =	simm.s32 $0x9;
	_ =	strace $0x80000048  }
0xb5: {  	_ =	swait.ge [sflag:s29], $0x1  }
0xb6: {  	[sflag:s29] =	ssyncadd.s32 $0xFFFFFFFF  }
0xb7: {  	_ =	strace $0x90000048  }
0xb8: {  	_ =	sfence  }
0xb9: {  	s30 =	sld [smem:$0x0];
	_ =	sdelay $0x2  }
0xba: {  	s31 =	sshll.u32 s1, $0xD;
	s1 =	sshrl.u32 s1, $0x2  }
0xbb: {  	s3 =	sand.u32 $0x4000, s31;
	s1 =	sadd.s32 s1, s30  }
0xbc: {  	s0 =	sor.u32 s3, s0;
	s1 =	sshll.u32 s1, $0x11  }
0xbd: {  	s0 =	sor.u32 s1, s0  }
0xbe: {  	s0 =	sadd.s32 $0x8F2B, s0  }
0xbf: {  	[sflag:s0] =	ssyncadd.remote.s32 $0x1  }
0xc0: {  	_ =	sfence.sel $0xFFFF  }
0xc1: {  	[dreg:$0x0] =	wrdreg $0xFFFFFFFF;
	(pc) =	sbr.abs _section_cstart, $3  }
0xc2: {  	[dreg:$0x1] =	wrdreg $0xFFFFFFFF  }
0xc3: {  	_ =	task.clear_ibuf [dreg:s6], $0x2FFFF;
	_ =	strace $0x9FFFFFFF  }
0xc4: {  	(tm) =	ssettm $0x7FFFFFFF  }
0xc5: {  	_ =	shalt  }
tec
execute0_lowered:
.L_overlay_start_1:
0x0: {  	(tag) =	ssettag $0x1  }
0x1: {  	s8 =	rddreg [dreg:$0x0]  }
0x2: {  	s2 =	rddreg [dreg:$0x1]  }
0x3: {  	s3 =	rddreg [dreg:$0x2]  }
0x4: {  	s4 =	rddreg [dreg:$0x3]  }
0x5: {  	s0 =	rddreg [dreg:$0x4]  }
0x6: {  	s1 =	stileid.u32;
	s6 =	srdreg.scid;
	s5 =	simm.s32 $0x0  }
0x7: {  	s17 =	simm.s32 $0x1;
	s18 =	simm.s32 $0x24C0;
	s19 =	simm.s32 $0x38C0  }
0x8: {  	s20 =	simm.s32 $0x80;
	s21 =	simm.s32 $0x4CC0;
	s22 =	simm.s32 $0x4D40  }
0x9: {  	s11 =	smul.u32 $0xC40, s1;
	s10 =	sand.u32 $0x1, s6;
	[smem:$0x7FF] =	sst s5  }
0xa: {  	s23 =	simm.s32 $0x0;
	s6 =	smul.u32 $0xC400, s10;
	_ =	strace $0x80000047  }
0xb: {  	s9 =	ssub.s32 $0x2, s10;
	s30 =	sshll.u32 s10, $0x4;
	s7 =	sshrl.u32 s11, $0x3  }
0xc: {  	s14 =	sshrl.u32 s9, $0x1;
	s31 =	sor.u32 s1, s30;
	s12 =	sadd.s32 s7, s8  }
0xd: {  	s29 =	sadd.s32 s11, s6;
	s6 =	sadd.s32 $0x6E00, s8;
	s7 =	sadd.s32 $0x1FE00, s8  }
0xe: {  	s16 =	ssub.s32 s9, s14;
	s9 =	sadd.s32 s11, s3;
	s13 =	sshrl.u32 s29, $0x3  }
0xf: {  	s10 =	sadd.s32 $0x38E00, s12;
	s12 =	smul.u32 $0xC8, s31;
	s15 =	sadd.s32 s13, s8  }
0x10: {  	s8 =	sadd.s32 s11, s2;
	s11 =	sadd.s32 s11, s4;
	s13 =	sadd.s32 $0x3A800, s15  }
0x11: {  	v0 =	vimm.f32 $1.000000000e+00;
	v1 =	vimm.f32 $0.0e+00;
	s14 =	sadd.s32 $0x3DA00, s15;
	s15 =	smax.u32 s16, $0x1;
	s16 =	simm.s32 $0x4DC0  }
.LBB2_1:
0x12: {  	[tilespmem:$0x4D40] =	vst v0  }
0x13: {  	[tilespmem:$0x4D50] =	vst v0  }
0x14: {  	[tilespmem:$0x4D60] =	vst v0  }
0x15: {  	[tilespmem:$0x4D70] =	vst v0  }
0x16: {  	[tilespmem:$0x4D80] =	vst v0  }
0x17: {  	[tilespmem:$0x4D90] =	vst v0  }
0x18: {  	[tilespmem:$0x4DA0] =	vst v0  }
0x19: {  	[tilespmem:$0x4DB0] =	vst v0;
	s24 =	simm.s32 $0x40;
	s25 =	simm.s32 $0x0  }
.LBB2_2:
0x1a: {  	p0 =	sne.s32 s24, $0x30C0;
	[tilespmem:s25+$0x4DC0] =	vst v1;
	s25 =	smov.u32 s24;
	s24 =	sadd.s32 $0x40, s24  }
.Ltmp0:
0x1b: {  	(pc) =	sbr.rel @p0 .LBB2_2-.Ltmp0, $2  }
0x1c: {  	_ =	sdelay $0x2  }
0x1d: {  	s25 =	sshra.s32 s25, $0x2  }
0x1e: {  	[tilespmem:s25+$0x4DC0] =	vst v1  }
0x1f: {  	[spmem:s8] =	stream.linear.scatter [tilespmem:s16], [sflag:$0x1], $0xC40, $0x38;
	[tilespmem:$0x5A00] =	vst v63  }
0x20: {  	_ =	swait.ge [sflag:s17], $0xC40  }
0x21: {  	[sflag:s17] =	ssyncset.done $0x0  }
0x22: {  	[sflag:s17] =	ssyncadd.s32 $0xFFFFF3C0  }
0x23: {  	[spmem:s9] =	stream.linear.scatter [tilespmem:s16], [sflag:$0x1], $0xC40, $0x38;
	[tilespmem:$0x5A00] =	vst v63  }
0x24: {  	_ =	swait.ge [sflag:s17], $0xC40  }
0x25: {  	[sflag:s17] =	ssyncset.done $0x0  }
0x26: {  	s24 =	simm.s32 $0x0;
	[sflag:s17] =	ssyncadd.s32 $0xFFFFF3C0  }
0x27: {  	[tilespmem:s16], [sflag:$0x1] =	stream.linear.gather [hbm4b:s10+s24], $0xC40, $0x38;
	[tilespmem:$0x5A00] =	vst v63  }
0x28: {  	_ =	swait.ge [sflag:s17], $0xC40  }
0x29: {  	[sflag:s17] =	ssyncset.done $0x0  }
0x2a: {  	[sflag:s17] =	ssyncadd.s32 $0xFFFFF3C0  }
0x2b: {  	[spmem:s11] =	stream.linear.scatter [tilespmem:s16], [sflag:$0x1], $0xC40, $0x38;
	[tilespmem:$0x5A00] =	vst v63  }
0x2c: {  	_ =	swait.ge [sflag:s17], $0xC40  }
0x2d: {  	[sflag:s17] =	ssyncset.done $0x0  }
0x2e: {  	[sflag:s17] =	ssyncadd.s32 $0xFFFFF3C0  }
0x2f: {  	s25 =	simm.s32 $0x0;
	[bflag:$0x0] =	sbarrier.arrive $0xFFFF  }
.LBB2_4:
0x30: {  	s26 =	smul.u32 $0x28, s25;
	_ =	sdelay $0x1  }
0x31: {  	s26 =	sadd.s32 s12, s26  }
0x32: {  	s26 =	sshll.u32 s26, $0x4  }
0x33: {  	s28 =	sadd.s32 s6, s26  }
0x34: {  	[tilespmem:s18], [sflag:$0x1] =	stream.linear.gather [hbm4b:s28+s24], $0x1400, $0x38;
	[tilespmem:$0x5A00] =	vst v63  }
0x35: {  	_ =	swait.ge [sflag:s17], $0x1400  }
0x36: {  	[sflag:s17] =	ssyncset.done $0x0  }
0x37: {  	s26 =	sadd.s32 s7, s26;
	[sflag:s17] =	ssyncadd.s32 $0xFFFFEC00  }
0x38: {  	[tilespmem:s19], [sflag:$0x1] =	stream.linear.gather [hbm4b:s26+s24], $0x1400, $0x38;
	[tilespmem:$0x5A00] =	vst v63  }
0x39: {  	_ =	swait.ge [sflag:s17], $0x1400  }
0x3a: {  	[sflag:s17] =	ssyncset.done $0x0  }
0x3b: {  	s30 =	simm.s32 $0x24C0;
	[sflag:s17] =	ssyncadd.s32 $0xFFFFEC00  }
0x3c: {  	[tilespmem:s21], [sflag:$0x1] =	stream.indirect.gather [spmem:s4], $0x1, s30, s20, $0xb8;
	[tilespmem:$0x5A00] =	vst v63  }
0x3d: {  	_ =	swait.ge [sflag:s17], $0x80  }
0x3e: {  	[sflag:s17] =	ssyncset.done $0x0  }
0x3f: {  	s31 =	simm.s32 $0x38C0;
	[sflag:s17] =	ssyncadd.s32 $0xFFFFFF80  }
0x40: {  	[spmem:s2] =	stream.indirect.scatter.add.f32 [tilespmem:s21], [sflag:$0x1], $0x1, s31, s20, $0xb8;
	[tilespmem:$0x5A00] =	vst v63  }
0x41: {  	_ =	swait.ge [sflag:s17], $0x80  }
0x42: {  	[sflag:s17] =	ssyncset.done $0x0  }
0x43: {  	[sflag:s17] =	ssyncadd.s32 $0xFFFFFF80  }
0x44: {  	[spmem:s3] =	stream.indirect.scatter.add.f32 [tilespmem:s22], [sflag:$0x1], $0x1, s31, s20, $0xb8;
	[tilespmem:$0x5A00] =	vst v63  }
0x45: {  	_ =	swait.ge [sflag:s17], $0x80  }
0x46: {  	s28 =	simm.s32 $0x400;
	s26 =	simm.s32 $0x80;
	[sflag:s17] =	ssyncset.done $0x0  }
.LBB2_5:
0x47: {  	s29 =	sadd.s32 $0x24C0, s26  }
0x48: {  	[sflag:s17] =	ssyncadd.s32 $0xFFFFFF80;
	s30 =	smov.u32 s28;
	s31 =	sadd.s32 $0x200, s28  }
0x49: {  	[tilespmem:s21], [sflag:$0x1] =	stream.indirect.gather [spmem:s4], $0x1, s29, s20, $0xb8;
	[tilespmem:$0x5A00] =	vst v63  }
0x4a: {  	p0 =	sne.s32 s28, $0x4E00;
	_ =	swait.ge [sflag:s17], $0x80  }
0x4b: {  	[sflag:s17] =	ssyncset.done $0x0  }
0x4c: {  	s26 =	sadd.s32 $0x38C0, s26;
	[sflag:s17] =	ssyncadd.s32 $0xFFFFFF80  }
0x4d: {  	[spmem:s2] =	stream.indirect.scatter.add.f32 [tilespmem:s21], [sflag:$0x1], $0x1, s26, s20, $0xb8;
	[tilespmem:$0x5A00] =	vst v63  }
0x4e: {  	_ =	swait.ge [sflag:s17], $0x80  }
.Ltmp1:
0x4f: {  	[sflag:s17] =	ssyncset.done $0x0;
	(pc) =	sbr.rel @p0 .LBB2_5-.Ltmp1, $4  }
0x50: {  	[sflag:s17] =	ssyncadd.s32 $0xFFFFFF80  }
0x51: {  	[spmem:s3] =	stream.indirect.scatter.add.f32 [tilespmem:s22], [sflag:$0x1], $0x1, s26, s20, $0xb8;
	[tilespmem:$0x5A00] =	vst v63  }
0x52: {  	_ =	swait.ge [sflag:s17], $0x80  }
0x53: {  	s28 =	smov.u32 s31;
	s26 =	sshra.s32 s30, $0x2;
	[sflag:s17] =	ssyncset.done $0x0  }
0x54: {  	s28 =	sadd.s32 $0x24C0, s26;
	[sflag:s17] =	ssyncadd.s32 $0xFFFFFF80  }
0x55: {  	[tilespmem:s21], [sflag:$0x1] =	stream.indirect.gather [spmem:s4], $0x1, s28, s20, $0xb8;
	[tilespmem:$0x5A00] =	vst v63  }
0x56: {  	_ =	swait.ge [sflag:s17], $0x80  }
0x57: {  	[sflag:s17] =	ssyncset.done $0x0  }
0x58: {  	s31 =	sadd.s32 $0x38C0, s26;
	[sflag:s17] =	ssyncadd.s32 $0xFFFFFF80  }
0x59: {  	[spmem:s2] =	stream.indirect.scatter.add.f32 [tilespmem:s21], [sflag:$0x1], $0x1, s31, s20, $0xb8;
	[tilespmem:$0x5A00] =	vst v63  }
0x5a: {  	s25 =	sadd.s32 $0x1, s25;
	_ =	swait.ge [sflag:s17], $0x80  }
0x5b: {  	p0 =	sne.s32 s25, $0x5;
	[sflag:s17] =	ssyncset.done $0x0  }
.Ltmp2:
0x5c: {  	[sflag:s17] =	ssyncadd.s32 $0xFFFFFF80;
	(pc) =	sbr.rel @p0 .LBB2_4-.Ltmp2, $4  }
0x5d: {  	[spmem:s3] =	stream.indirect.scatter.add.f32 [tilespmem:s22], [sflag:$0x1], $0x1, s31, s20, $0xb8;
	[tilespmem:$0x5A00] =	vst v63  }
0x5e: {  	_ =	swait.ge [sflag:s17], $0x80  }
0x5f: {  	[sflag:s17] =	ssyncset.done $0x0  }
0x60: {  	[sflag:s17] =	ssyncadd.s32 $0xFFFFFF80  }
0x61: {  	[bflag:$0x0] =	sbarrier.arrive $0xFFFF  }
0x62: {  	[tilespmem:s16], [sflag:$0x1] =	stream.linear.gather [spmem:s8], $0xC40, $0x38;
	[tilespmem:$0x5A00] =	vst v63  }
0x63: {  	_ =	swait.ge [sflag:s17], $0xC40  }
0x64: {  	[sflag:s17] =	ssyncset.done $0x0  }
0x65: {  	[sflag:s17] =	ssyncadd.s32 $0xFFFFF3C0  }
0x66: {  	[hbm4b:s13+s5] =	stream.linear.scatter [tilespmem:s16], [sflag:$0x1], $0xC40, $0x38;
	[tilespmem:$0x5A00] =	vst v63  }
0x67: {  	_ =	swait.ge [sflag:s17], $0xC40  }
0x68: {  	[sflag:s17] =	ssyncset.done $0x0  }
0x69: {  	[sflag:s17] =	ssyncadd.s32 $0xFFFFF3C0  }
0x6a: {  	[tilespmem:s16], [sflag:$0x1] =	stream.linear.gather [spmem:s9], $0xC40, $0x38;
	[tilespmem:$0x5A00] =	vst v63  }
0x6b: {  	s23 =	sadd.s32 $0x1, s23;
	_ =	swait.ge [sflag:s17], $0xC40  }
0x6c: {  	p0 =	sne.s32 s23, s15;
	[sflag:s17] =	ssyncset.done $0x0  }
.Ltmp3:
0x6d: {  	[sflag:s17] =	ssyncadd.s32 $0xFFFFF3C0;
	(pc) =	sbr.rel @p0 .LBB2_1-.Ltmp3, $4  }
0x6e: {  	[hbm4b:s14+s5] =	stream.linear.scatter [tilespmem:s16], [sflag:$0x1], $0xC40, $0x38;
	[tilespmem:$0x5A00] =	vst v63  }
0x6f: {  	_ =	swait.ge [sflag:s17], $0xC40  }
0x70: {  	[sflag:s17] =	ssyncset.done $0x0  }
0x71: {  	[sflag:s17] =	ssyncadd.s32 $0xFFFFF3C0  }
0x72: {  	_ =	sfence.sel $0x180000  }
0x73: {  	[bflag:$0x0] =	sbarrier.arrive $0xFFFF  }
0x74: {  	p0 =	sne.s32 s1, $0x0;
	_ =	strace $0x90000047  }
0x75: {  	s0 =	sadd.s32 @!p0 $0x100000, s0;
	[bflag:$0x2] =	sbarrier.arrive $0xFFFF  }
0x76: {  	[sflag:s0] =	ssyncadd.tile.s32 @!p0 $0x1;
	_ =	shalt  }
.Lfunc_end2:
_tile_overlayer_lowered:
.L_overlay_start_2:
0x77: {  	(tag) =	ssettag $0x2  }
0x78: {  	s0 =	rddreg [dreg:$0x0];
	s2 =	stileid.u32  }
0x79: {  	s1 =	rddreg [dreg:$0x1];
	p0 =	sne.s32 s2, $0x0  }
0x7a: {  	s3 =	rddreg [dreg:$0x2];
	[bflag:$0x3] =	sbarrier.arrive $0xFFFF;
	s2 =	simm.s32 @!p0 $0x1C01  }
0x7b: {  	[timem:s3], [sflag:s2] =	dma.local @!p0 [hbm:s0], s1  }
0x7c: {  	s0 =	simm.s32 @!p0 $0x1  }
0x7d: {  	_ =	swait.ge @!p0 [sflag:s0], s1  }
0x7e: {  	s1 =	ssub.s32 @!p0 $0x0, s1;
	[sflag:s0] =	ssyncset.done @!p0 $0x0  }
0x7f: {  	[sflag:s0] =	ssyncadd.s32 @!p0 s1  }
0x80: {  	[bflag:$0x3] =	sbarrier.arrive $0xFFFF  }
0x81: {  	_ =	shalt  }

</sc_bundles>
